<compile_context>
chip_gen: v7x
topology: tpu7x:2x2x1
jax: 0.10.2.dev20260603
libtpu: 0.0.44.dev20260713+nightly
codegen_flags: <defaults>
</compile_context>

<pallas_src>
import functools

import jax
import jax.numpy as jnp
from jax import lax
from jax.experimental import pallas as pl
from jax.experimental.pallas import tpu as pltpu
from jax.experimental.pallas import tpu_sc as plsc

BATCH = 16384
HIDDEN = 64
NC = 2
NS = 16
L = 16
NW = NC * NS
BPW = BATCH // NW
CH = 128
NCH = BPW // CH
GPC = CH // L


def _neg_sqrt(x):
    i = lax.bitcast_convert_type(x, jnp.int32)
    y = lax.bitcast_convert_type(jnp.int32(0x5F3759DF) - (i >> 1), jnp.float32)
    for _ in range(3):
        y = y * (1.5 - 0.5 * x * y * y)
    return -(x * y)


def _mrg(lane, s, a, b):
    pa = a.at[lane ^ s].get(mode="promise_in_bounds")
    pb = b.at[lane ^ s].get(mode="promise_in_bounds")
    return jnp.where((lane & s) == 0, a + pa, b + pb)


@functools.cache
def _build_sc_kernel():
  mesh = plsc.VectorSubcoreMesh(
      core_axis_name="c", subcore_axis_name="s", num_cores=NC, num_subcores=NS
  )

  @functools.partial(
      pl.kernel,
      out_type=jax.ShapeDtypeStruct((BATCH,), jnp.float32),
      mesh=mesh,
      compiler_params=pltpu.CompilerParams(use_tc_tiling_on_sc=False),
      scratch_types=[
          pltpu.VMEM((CH,), jnp.int32), pltpu.VMEM((CH,), jnp.int32),
          pltpu.VMEM((CH,), jnp.int32), pltpu.VMEM((CH,), jnp.int32),
          pltpu.VMEM((CH,), jnp.int32), pltpu.VMEM((CH,), jnp.int32),
          pltpu.VMEM((CH, HIDDEN), jnp.float32),
          pltpu.VMEM((CH, HIDDEN), jnp.float32),
          pltpu.VMEM((CH, HIDDEN), jnp.float32),
          pltpu.VMEM((CH, HIDDEN), jnp.float32),
          pltpu.VMEM((CH, HIDDEN), jnp.float32),
          pltpu.VMEM((CH, HIDDEN), jnp.float32),
          pltpu.VMEM((CH,), jnp.float32),
          pltpu.VMEM((CH * L // 2,), jnp.float32),
          pltpu.SemaphoreType.DMA,
          pltpu.SemaphoreType.DMA,
      ],
  )
  def _sc_kernel(head_hbm, rel_hbm, tail_hbm, node_hbm, relemb_hbm, out_hbm,
                 hi0, hi1, ri0, ri1, ti0, ti1,
                 hb0, hb1, rb0, rb1, tb0, tb1, osc, pbuf, s0, s1):
      wid = lax.axis_index("s") * NC + lax.axis_index("c")
      base = pl.multiple_of(wid * BPW, BPW)
      lane = lax.iota(jnp.int32, L)
      hidx, ridx, tidx = (hi0, hi1), (ri0, ri1), (ti0, ti1)
      hbuf, rbuf, tbuf = (hb0, hb1), (rb0, rb1), (tb0, tb1)
      sems = (s0, s1)

      def load_idx(c, slot):
          cb = pl.multiple_of(base + c * CH, CH)
          pltpu.sync_copy(head_hbm.at[pl.ds(cb, CH)], hidx[slot])
          pltpu.sync_copy(rel_hbm.at[pl.ds(cb, CH)], ridx[slot])
          pltpu.sync_copy(tail_hbm.at[pl.ds(cb, CH)], tidx[slot])

      def start_gather(slot):
          sem = sems[slot]
          return (
              pltpu.async_copy(node_hbm.at[hidx[slot]], hbuf[slot], sem),
              pltpu.async_copy(relemb_hbm.at[ridx[slot]], rbuf[slot], sem),
              pltpu.async_copy(node_hbm.at[tidx[slot]], tbuf[slot], sem),
          )

      load_idx(0, 0)
      inflight = {0: start_gather(0)}
      load_idx(1, 1)
      inflight[1] = start_gather(1)

      for c in range(NCH):
          slot = c & 1
          for cp in inflight[slot]:
              cp.wait()
          hb, rb, tb = hbuf[slot], rbuf[slot], tbuf[slot]

          def pair_body(p, carry, hb=hb, rb=rb, tb=tb):
              g = p >> 3
              r = p & 7
              rowa = (g << 4) + r

              def rowacc(row):
                  acc = None
                  for cc in range(HIDDEN // L):
                      hv = hb[row, pl.ds(cc * L, L)]
                      rv = rb[row, pl.ds(cc * L, L)]
                      tv = tb[row, pl.ds(cc * L, L)]
                      dd = (hv + rv) - tv
                      sq = dd * dd
                      acc = sq if acc is None else acc + sq
                  return acc

              pbuf[pl.ds(p * L, L)] = _mrg(lane, 8, rowacc(rowa),
                                           rowacc(rowa + 8))
              return carry

          def group_body(g, carry):
              b8 = g * 8
              q = [pbuf[pl.ds((b8 + r) * L, L)] for r in range(8)]
              t = [_mrg(lane, 4, q[r], q[r + 4]) for r in range(4)]
              e0 = _mrg(lane, 2, t[0], t[2])
              e1 = _mrg(lane, 2, t[1], t[3])
              tot = _mrg(lane, 1, e0, e1)
              osc[pl.ds(g * L, L)] = _neg_sqrt(tot + 1e-12)
              return carry

          lax.fori_loop(0, CH // 2, pair_body, 0)
          lax.fori_loop(0, GPC, group_body, 0)
          cb = pl.multiple_of(base + c * CH, CH)
          pltpu.sync_copy(osc, out_hbm.at[pl.ds(cb, CH)])
          if c + 2 < NCH:
              load_idx(c + 2, slot)
              inflight[slot] = start_gather(slot)

  return _sc_kernel


def kernel(head_index, rel_type, tail_index, node_emb, rel_emb):
    return _build_sc_kernel()(head_index, rel_type, tail_index, node_emb, rel_emb)

# --- scband reference (transcript-rebuilt; emitter-appended) ---
"""Pipeline reference for scband-graph-embedding-18408229830932 (READ-ONLY COPY).

The authoritative reference and input builder live on the scoring server;
editing this copy changes nothing except your own understanding.
"""

import jax, jax.numpy as jnp
import numpy as np

NODE_NUM = 1000000
RELATION_NUM = 1000
HIDDEN = 64
BATCH = 16384


def setup_inputs(seed: int = 0) -> dict:
    key = jax.random.key(seed)
    k1, k2, k3, k4, k5 = jax.random.split(key, 5)
    head_index = jax.random.randint(k1, (BATCH,), 0, NODE_NUM, dtype=jnp.int64 if jax.config.jax_enable_x64 else jnp.int32)
    rel_type = jax.random.randint(k2, (BATCH,), 0, RELATION_NUM, dtype=jnp.int64 if jax.config.jax_enable_x64 else jnp.int32)
    tail_index = jax.random.randint(k3, (BATCH,), 0, NODE_NUM, dtype=jnp.int64 if jax.config.jax_enable_x64 else jnp.int32)
    node_emb = jax.random.normal(k4, (NODE_NUM, HIDDEN), dtype=jnp.float32)
    rel_emb = jax.random.normal(k5, (RELATION_NUM, HIDDEN), dtype=jnp.float32)
    return {
        "head_index": head_index,
        "rel_type": rel_type,
        "tail_index": tail_index,
        "node_emb": node_emb,
        "rel_emb": rel_emb,
    }


def reference(head_index, rel_type, tail_index, node_emb, rel_emb):
    # Embedding lookups (SparseCore-friendly gathers)
    h = jnp.take(node_emb, head_index, axis=0)
    r = jnp.take(rel_emb, rel_type, axis=0)
    t = jnp.take(node_emb, tail_index, axis=0)
    # TransE-style score: -||h + r - t||_2 (standard concrete forward for this
    # abstract KG-embedding base class)
    diff = h + r - t
    score = -jnp.sqrt(jnp.sum(diff * diff, axis=-1) + 1e-12)
    return score

if __name__ == "__main__":
    import jax
    _d = setup_inputs()
    print(jax.jit(kernel)(*tuple(_d.values())))

</pallas_src>

<mosaic_0001>
#map = affine_map<(d0, d1) -> (0)>
#map1 = affine_map<(d0, d1) -> (0, 0)>
module attributes {stable_mosaic.version = 14 : i64} {
  func.func @_sc_kernel(%arg0: i32, %arg1: i32, %arg2: memref<16384xi32, #tpu.memory_space<hbm>>, %arg3: memref<16384xi32, #tpu.memory_space<hbm>>, %arg4: memref<16384xi32, #tpu.memory_space<hbm>>, %arg5: memref<1000000x64xf32, #tpu.memory_space<hbm>>, %arg6: memref<1000x64xf32, #tpu.memory_space<hbm>>, %arg7: memref<16384xf32, #tpu.memory_space<hbm>>, %arg8: memref<128xi32, #tpu.memory_space<vmem>>, %arg9: memref<128xi32, #tpu.memory_space<vmem>>, %arg10: memref<128xi32, #tpu.memory_space<vmem>>, %arg11: memref<128xi32, #tpu.memory_space<vmem>>, %arg12: memref<128xi32, #tpu.memory_space<vmem>>, %arg13: memref<128xi32, #tpu.memory_space<vmem>>, %arg14: memref<128x64xf32, #tpu.memory_space<vmem>>, %arg15: memref<128x64xf32, #tpu.memory_space<vmem>>, %arg16: memref<128x64xf32, #tpu.memory_space<vmem>>, %arg17: memref<128x64xf32, #tpu.memory_space<vmem>>, %arg18: memref<128x64xf32, #tpu.memory_space<vmem>>, %arg19: memref<128x64xf32, #tpu.memory_space<vmem>>, %arg20: memref<128xf32, #tpu.memory_space<vmem>>, %arg21: memref<1024xf32, #tpu.memory_space<vmem>>, %arg22: memref<!tpu.dma_semaphore, #tpu.memory_space<semaphore_mem>>, %arg23: memref<!tpu.dma_semaphore, #tpu.memory_space<semaphore_mem>>) attributes {dimension_semantics = [#tpu.dimension_semantics<core_parallel>, #tpu.dimension_semantics<subcore_parallel>], iteration_bounds = array<i64: 2, 16>, scalar_prefetch = 0 : i64, scratch_operands = 16 : i64, tpu.core_type = #tpu.core_type<sc_vector_subcore>, window_params = [{transform_indices = #map}, {transform_indices = #map}, {transform_indices = #map}, {transform_indices = #map1}, {transform_indices = #map1}, {transform_indices = #map}]} {
    %mul3A = arith.constant 2 : i32
    %mul3A_0 = arith.muli %arg1, %mul3A : i32
    %add3A = arith.addi %mul3A_0, %arg0 : i32
    %mul3A_1 = arith.constant 512 : i32
    %mul3A_2 = arith.muli %add3A, %mul3A_1 : i32
    %multiple_of3A = tpu.assume_multiple %mul3A_2, 512 : i32
    %iota3A = tpu.iota {dimensions = array<i32: 0>} : vector<16xi32>
    %add3A_3 = arith.constant 0 : i32
    %add3A_4 = arith.addi %multiple_of3A, %add3A_3 : i32
    %multiple_of3A_5 = tpu.assume_multiple %add3A_4, 128 : i32
    "tpu.region"() ({
      %run_scoped3A = tpu.sem_alloc : memref<!tpu.dma_semaphore, #tpu.memory_space<semaphore_mem>>
      %dma_start3A_144 = tpu.memref_slice %arg2[%multiple_of3A_5] : memref<16384xi32, #tpu.memory_space<hbm>> -> memref<128xi32, #tpu.memory_space<hbm>>
      %dma_start3A_145 = tpu.memref_slice %arg2[%multiple_of3A_5] : memref<16384xi32, #tpu.memory_space<hbm>> -> memref<128xi32, #tpu.memory_space<hbm>>
      tpu.enqueue_dma source(%dma_start3A_145 : memref<128xi32, #tpu.memory_space<hbm>>) target(%arg8 : memref<128xi32, #tpu.memory_space<vmem>>) target_semaphore(%run_scoped3A : memref<!tpu.dma_semaphore, #tpu.memory_space<semaphore_mem>>)
      %dma_wait3A_146 = tpu.memref_slice %arg2[%multiple_of3A_5] : memref<16384xi32, #tpu.memory_space<hbm>> -> memref<128xi32, #tpu.memory_space<hbm>>
      %dma_wait3A_147 = tpu.memref_slice %arg2[%multiple_of3A_5] : memref<16384xi32, #tpu.memory_space<hbm>> -> memref<128xi32, #tpu.memory_space<hbm>>
      tpu.wait_dma2 semaphore(%run_scoped3A : memref<!tpu.dma_semaphore, #tpu.memory_space<semaphore_mem>>) src(%dma_wait3A_147 : memref<128xi32, #tpu.memory_space<hbm>>) dst(%arg8 : memref<128xi32, #tpu.memory_space<vmem>>)
      tpu.yield
    }) : () -> ()
    "tpu.region"() ({
      %run_scoped3A = tpu.sem_alloc : memref<!tpu.dma_semaphore, #tpu.memory_space<semaphore_mem>>
      %dma_start3A_144 = tpu.memref_slice %arg3[%multiple_of3A_5] : memref<16384xi32, #tpu.memory_space<hbm>> -> memref<128xi32, #tpu.memory_space<hbm>>
      %dma_start3A_145 = tpu.memref_slice %arg3[%multiple_of3A_5] : memref<16384xi32, #tpu.memory_space<hbm>> -> memref<128xi32, #tpu.memory_space<hbm>>
      tpu.enqueue_dma source(%dma_start3A_145 : memref<128xi32, #tpu.memory_space<hbm>>) target(%arg10 : memref<128xi32, #tpu.memory_space<vmem>>) target_semaphore(%run_scoped3A : memref<!tpu.dma_semaphore, #tpu.memory_space<semaphore_mem>>)
      %dma_wait3A_146 = tpu.memref_slice %arg3[%multiple_of3A_5] : memref<16384xi32, #tpu.memory_space<hbm>> -> memref<128xi32, #tpu.memory_space<hbm>>
      %dma_wait3A_147 = tpu.memref_slice %arg3[%multiple_of3A_5] : memref<16384xi32, #tpu.memory_space<hbm>> -> memref<128xi32, #tpu.memory_space<hbm>>
      tpu.wait_dma2 semaphore(%run_scoped3A : memref<!tpu.dma_semaphore, #tpu.memory_space<semaphore_mem>>) src(%dma_wait3A_147 : memref<128xi32, #tpu.memory_space<hbm>>) dst(%arg10 : memref<128xi32, #tpu.memory_space<vmem>>)
      tpu.yield
    }) : () -> ()
    "tpu.region"() ({
      %run_scoped3A = tpu.sem_alloc : memref<!tpu.dma_semaphore, #tpu.memory_space<semaphore_mem>>
      %dma_start3A_144 = tpu.memref_slice %arg4[%multiple_of3A_5] : memref<16384xi32, #tpu.memory_space<hbm>> -> memref<128xi32, #tpu.memory_space<hbm>>
      %dma_start3A_145 = tpu.memref_slice %arg4[%multiple_of3A_5] : memref<16384xi32, #tpu.memory_space<hbm>> -> memref<128xi32, #tpu.memory_space<hbm>>
      tpu.enqueue_dma source(%dma_start3A_145 : memref<128xi32, #tpu.memory_space<hbm>>) target(%arg12 : memref<128xi32, #tpu.memory_space<vmem>>) target_semaphore(%run_scoped3A : memref<!tpu.dma_semaphore, #tpu.memory_space<semaphore_mem>>)
      %dma_wait3A_146 = tpu.memref_slice %arg4[%multiple_of3A_5] : memref<16384xi32, #tpu.memory_space<hbm>> -> memref<128xi32, #tpu.memory_space<hbm>>
      %dma_wait3A_147 = tpu.memref_slice %arg4[%multiple_of3A_5] : memref<16384xi32, #tpu.memory_space<hbm>> -> memref<128xi32, #tpu.memory_space<hbm>>
      tpu.wait_dma2 semaphore(%run_scoped3A : memref<!tpu.dma_semaphore, #tpu.memory_space<semaphore_mem>>) src(%dma_wait3A_147 : memref<128xi32, #tpu.memory_space<hbm>>) dst(%arg12 : memref<128xi32, #tpu.memory_space<vmem>>)
      tpu.yield
    }) : () -> ()
    %dma_start3A = arith.constant 0 : i32
    %dma_start3A_6 = arith.constant 0 : i32
    %dma_start3A_7 = tpu.memref_slice %arg5[%dma_start3A, %dma_start3A_6] : memref<1000000x64xf32, #tpu.memory_space<hbm>> -> memref<1000000x64xf32, #tpu.memory_space<hbm>>
    tpu.enqueue_indirect_dma source(%dma_start3A_7 : memref<1000000x64xf32, #tpu.memory_space<hbm>>) target(%arg14 : memref<128x64xf32, #tpu.memory_space<vmem>>) offsets(%arg8 : memref<128xi32, #tpu.memory_space<vmem>>) semaphore(%arg22 : memref<!tpu.dma_semaphore, #tpu.memory_space<semaphore_mem>>)
    %dma_start3A_8 = arith.constant 0 : i32
    %dma_start3A_9 = arith.constant 0 : i32
    %dma_start3A_10 = tpu.memref_slice %arg6[%dma_start3A_8, %dma_start3A_9] : memref<1000x64xf32, #tpu.memory_space<hbm>> -> memref<1000x64xf32, #tpu.memory_space<hbm>>
    tpu.enqueue_indirect_dma source(%dma_start3A_10 : memref<1000x64xf32, #tpu.memory_space<hbm>>) target(%arg16 : memref<128x64xf32, #tpu.memory_space<vmem>>) offsets(%arg10 : memref<128xi32, #tpu.memory_space<vmem>>) semaphore(%arg22 : memref<!tpu.dma_semaphore, #tpu.memory_space<semaphore_mem>>)
    %dma_start3A_11 = arith.constant 0 : i32
    %dma_start3A_12 = arith.constant 0 : i32
    %dma_start3A_13 = tpu.memref_slice %arg5[%dma_start3A_11, %dma_start3A_12] : memref<1000000x64xf32, #tpu.memory_space<hbm>> -> memref<1000000x64xf32, #tpu.memory_space<hbm>>
    tpu.enqueue_indirect_dma source(%dma_start3A_13 : memref<1000000x64xf32, #tpu.memory_space<hbm>>) target(%arg18 : memref<128x64xf32, #tpu.memory_space<vmem>>) offsets(%arg12 : memref<128xi32, #tpu.memory_space<vmem>>) semaphore(%arg22 : memref<!tpu.dma_semaphore, #tpu.memory_space<semaphore_mem>>)
    %add3A_14 = arith.constant 128 : i32
    %add3A_15 = arith.addi %multiple_of3A, %add3A_14 : i32
    %multiple_of3A_16 = tpu.assume_multiple %add3A_15, 128 : i32
    "tpu.region"() ({
      %run_scoped3A = tpu.sem_alloc : memref<!tpu.dma_semaphore, #tpu.memory_space<semaphore_mem>>
      %dma_start3A_144 = tpu.memref_slice %arg2[%multiple_of3A_16] : memref<16384xi32, #tpu.memory_space<hbm>> -> memref<128xi32, #tpu.memory_space<hbm>>
      %dma_start3A_145 = tpu.memref_slice %arg2[%multiple_of3A_16] : memref<16384xi32, #tpu.memory_space<hbm>> -> memref<128xi32, #tpu.memory_space<hbm>>
      tpu.enqueue_dma source(%dma_start3A_145 : memref<128xi32, #tpu.memory_space<hbm>>) target(%arg9 : memref<128xi32, #tpu.memory_space<vmem>>) target_semaphore(%run_scoped3A : memref<!tpu.dma_semaphore, #tpu.memory_space<semaphore_mem>>)
      %dma_wait3A_146 = tpu.memref_slice %arg2[%multiple_of3A_16] : memref<16384xi32, #tpu.memory_space<hbm>> -> memref<128xi32, #tpu.memory_space<hbm>>
      %dma_wait3A_147 = tpu.memref_slice %arg2[%multiple_of3A_16] : memref<16384xi32, #tpu.memory_space<hbm>> -> memref<128xi32, #tpu.memory_space<hbm>>
      tpu.wait_dma2 semaphore(%run_scoped3A : memref<!tpu.dma_semaphore, #tpu.memory_space<semaphore_mem>>) src(%dma_wait3A_147 : memref<128xi32, #tpu.memory_space<hbm>>) dst(%arg9 : memref<128xi32, #tpu.memory_space<vmem>>)
      tpu.yield
    }) : () -> ()
    "tpu.region"() ({
      %run_scoped3A = tpu.sem_alloc : memref<!tpu.dma_semaphore, #tpu.memory_space<semaphore_mem>>
      %dma_start3A_144 = tpu.memref_slice %arg3[%multiple_of3A_16] : memref<16384xi32, #tpu.memory_space<hbm>> -> memref<128xi32, #tpu.memory_space<hbm>>
      %dma_start3A_145 = tpu.memref_slice %arg3[%multiple_of3A_16] : memref<16384xi32, #tpu.memory_space<hbm>> -> memref<128xi32, #tpu.memory_space<hbm>>
      tpu.enqueue_dma source(%dma_start3A_145 : memref<128xi32, #tpu.memory_space<hbm>>) target(%arg11 : memref<128xi32, #tpu.memory_space<vmem>>) target_semaphore(%run_scoped3A : memref<!tpu.dma_semaphore, #tpu.memory_space<semaphore_mem>>)
      %dma_wait3A_146 = tpu.memref_slice %arg3[%multiple_of3A_16] : memref<16384xi32, #tpu.memory_space<hbm>> -> memref<128xi32, #tpu.memory_space<hbm>>
      %dma_wait3A_147 = tpu.memref_slice %arg3[%multiple_of3A_16] : memref<16384xi32, #tpu.memory_space<hbm>> -> memref<128xi32, #tpu.memory_space<hbm>>
      tpu.wait_dma2 semaphore(%run_scoped3A : memref<!tpu.dma_semaphore, #tpu.memory_space<semaphore_mem>>) src(%dma_wait3A_147 : memref<128xi32, #tpu.memory_space<hbm>>) dst(%arg11 : memref<128xi32, #tpu.memory_space<vmem>>)
      tpu.yield
    }) : () -> ()
    "tpu.region"() ({
      %run_scoped3A = tpu.sem_alloc : memref<!tpu.dma_semaphore, #tpu.memory_space<semaphore_mem>>
      %dma_start3A_144 = tpu.memref_slice %arg4[%multiple_of3A_16] : memref<16384xi32, #tpu.memory_space<hbm>> -> memref<128xi32, #tpu.memory_space<hbm>>
      %dma_start3A_145 = tpu.memref_slice %arg4[%multiple_of3A_16] : memref<16384xi32, #tpu.memory_space<hbm>> -> memref<128xi32, #tpu.memory_space<hbm>>
      tpu.enqueue_dma source(%dma_start3A_145 : memref<128xi32, #tpu.memory_space<hbm>>) target(%arg13 : memref<128xi32, #tpu.memory_space<vmem>>) target_semaphore(%run_scoped3A : memref<!tpu.dma_semaphore, #tpu.memory_space<semaphore_mem>>)
      %dma_wait3A_146 = tpu.memref_slice %arg4[%multiple_of3A_16] : memref<16384xi32, #tpu.memory_space<hbm>> -> memref<128xi32, #tpu.memory_space<hbm>>
      %dma_wait3A_147 = tpu.memref_slice %arg4[%multiple_of3A_16] : memref<16384xi32, #tpu.memory_space<hbm>> -> memref<128xi32, #tpu.memory_space<hbm>>
      tpu.wait_dma2 semaphore(%run_scoped3A : memref<!tpu.dma_semaphore, #tpu.memory_space<semaphore_mem>>) src(%dma_wait3A_147 : memref<128xi32, #tpu.memory_space<hbm>>) dst(%arg13 : memref<128xi32, #tpu.memory_space<vmem>>)
      tpu.yield
    }) : () -> ()
    %dma_start3A_17 = arith.constant 0 : i32
    %dma_start3A_18 = arith.constant 0 : i32
    %dma_start3A_19 = tpu.memref_slice %arg5[%dma_start3A_17, %dma_start3A_18] : memref<1000000x64xf32, #tpu.memory_space<hbm>> -> memref<1000000x64xf32, #tpu.memory_space<hbm>>
    tpu.enqueue_indirect_dma source(%dma_start3A_19 : memref<1000000x64xf32, #tpu.memory_space<hbm>>) target(%arg15 : memref<128x64xf32, #tpu.memory_space<vmem>>) offsets(%arg9 : memref<128xi32, #tpu.memory_space<vmem>>) semaphore(%arg23 : memref<!tpu.dma_semaphore, #tpu.memory_space<semaphore_mem>>)
    %dma_start3A_20 = arith.constant 0 : i32
    %dma_start3A_21 = arith.constant 0 : i32
    %dma_start3A_22 = tpu.memref_slice %arg6[%dma_start3A_20, %dma_start3A_21] : memref<1000x64xf32, #tpu.memory_space<hbm>> -> memref<1000x64xf32, #tpu.memory_space<hbm>>
    tpu.enqueue_indirect_dma source(%dma_start3A_22 : memref<1000x64xf32, #tpu.memory_space<hbm>>) target(%arg17 : memref<128x64xf32, #tpu.memory_space<vmem>>) offsets(%arg11 : memref<128xi32, #tpu.memory_space<vmem>>) semaphore(%arg23 : memref<!tpu.dma_semaphore, #tpu.memory_space<semaphore_mem>>)
    %dma_start3A_23 = arith.constant 0 : i32
    %dma_start3A_24 = arith.constant 0 : i32
    %dma_start3A_25 = tpu.memref_slice %arg5[%dma_start3A_23, %dma_start3A_24] : memref<1000000x64xf32, #tpu.memory_space<hbm>> -> memref<1000000x64xf32, #tpu.memory_space<hbm>>
    tpu.enqueue_indirect_dma source(%dma_start3A_25 : memref<1000000x64xf32, #tpu.memory_space<hbm>>) target(%arg19 : memref<128x64xf32, #tpu.memory_space<vmem>>) offsets(%arg13 : memref<128xi32, #tpu.memory_space<vmem>>) semaphore(%arg23 : memref<!tpu.dma_semaphore, #tpu.memory_space<semaphore_mem>>)
    %dma_wait3A = arith.constant 0 : i32
    %dma_wait3A_26 = arith.constant 0 : i32
    %dma_wait3A_27 = tpu.memref_slice %arg5[%dma_wait3A, %dma_wait3A_26] : memref<1000000x64xf32, #tpu.memory_space<hbm>> -> memref<1000000x64xf32, #tpu.memory_space<hbm>>
    tpu.wait_indirect_dma semaphore(%arg22 : memref<!tpu.dma_semaphore, #tpu.memory_space<semaphore_mem>>) src(%dma_wait3A_27 : memref<1000000x64xf32, #tpu.memory_space<hbm>>) dst(%arg14 : memref<128x64xf32, #tpu.memory_space<vmem>>)
    %dma_wait3A_28 = arith.constant 0 : i32
    %dma_wait3A_29 = arith.constant 0 : i32
    %dma_wait3A_30 = tpu.memref_slice %arg6[%dma_wait3A_28, %dma_wait3A_29] : memref<1000x64xf32, #tpu.memory_space<hbm>> -> memref<1000x64xf32, #tpu.memory_space<hbm>>
    tpu.wait_indirect_dma semaphore(%arg22 : memref<!tpu.dma_semaphore, #tpu.memory_space<semaphore_mem>>) src(%dma_wait3A_30 : memref<1000x64xf32, #tpu.memory_space<hbm>>) dst(%arg16 : memref<128x64xf32, #tpu.memory_space<vmem>>)
    %dma_wait3A_31 = arith.constant 0 : i32
    %dma_wait3A_32 = arith.constant 0 : i32
    %dma_wait3A_33 = tpu.memref_slice %arg5[%dma_wait3A_31, %dma_wait3A_32] : memref<1000000x64xf32, #tpu.memory_space<hbm>> -> memref<1000000x64xf32, #tpu.memory_space<hbm>>
    tpu.wait_indirect_dma semaphore(%arg22 : memref<!tpu.dma_semaphore, #tpu.memory_space<semaphore_mem>>) src(%dma_wait3A_33 : memref<1000000x64xf32, #tpu.memory_space<hbm>>) dst(%arg18 : memref<128x64xf32, #tpu.memory_space<vmem>>)
    %scan3A = arith.constant 0 : i32
    %scan3A_34 = arith.constant 0 : i32
    %scan3A_35 = arith.constant 64 : i32
    %scan3A_36 = arith.addi %scan3A_34, %scan3A_35 : i32
    %scan3A_37 = arith.constant 1 : i32
    scf.for %scan3A_144 = %scan3A_34 to %scan3A_36 step %scan3A_37  : i32 {
      %shift_right_arithmetic3A = arith.constant 3 : i32
      %shift_right_arithmetic3A_145 = arith.shrsi %scan3A_144, %shift_right_arithmetic3A : i32
      %and3A = arith.constant 7 : i32
      %and3A_146 = arith.andi %scan3A_144, %and3A : i32
      %shift_left3A = arith.constant 4 : i32
      %shift_left3A_147 = arith.shli %shift_right_arithmetic3A_145, %shift_left3A : i32
      %add3A_148 = arith.addi %shift_left3A_147, %and3A_146 : i32
      %get3A = arith.index_cast %add3A_148 : i32 to index
      %get3A_149 = arith.constant 0 : index
      %get3A_150 = tpu.vector_load %arg14[%get3A, %get3A_149] {strides = array<i32>} : memref<128x64xf32, #tpu.memory_space<vmem>>, vector<1x16xf32>,
      %get3A_151 = vector.shape_cast %get3A_150 : vector<1x16xf32> to vector<16xf32>
      %get3A_152 = arith.index_cast %add3A_148 : i32 to index
      %get3A_153 = arith.constant 0 : index
      %get3A_154 = tpu.vector_load %arg16[%get3A_152, %get3A_153] {strides = array<i32>} : memref<128x64xf32, #tpu.memory_space<vmem>>, vector<1x16xf32>,
      %get3A_155 = vector.shape_cast %get3A_154 : vector<1x16xf32> to vector<16xf32>
      %get3A_156 = arith.index_cast %add3A_148 : i32 to index
      %get3A_157 = arith.constant 0 : index
      %get3A_158 = tpu.vector_load %arg18[%get3A_156, %get3A_157] {strides = array<i32>} : memref<128x64xf32, #tpu.memory_space<vmem>>, vector<1x16xf32>,
      %get3A_159 = vector.shape_cast %get3A_158 : vector<1x16xf32> to vector<16xf32>
      %add3A_160 = arith.addf %get3A_151, %get3A_155 : vector<16xf32>
      %sub3A = arith.subf %add3A_160, %get3A_159 : vector<16xf32>
      %mul3A_161 = arith.mulf %sub3A, %sub3A : vector<16xf32>
      %get3A_162 = arith.index_cast %add3A_148 : i32 to index
      %get3A_163 = arith.constant 16 : index
      %get3A_164 = tpu.vector_load %arg14[%get3A_162, %get3A_163] {strides = array<i32>} : memref<128x64xf32, #tpu.memory_space<vmem>>, vector<1x16xf32>,
      %get3A_165 = vector.shape_cast %get3A_164 : vector<1x16xf32> to vector<16xf32>
      %get3A_166 = arith.index_cast %add3A_148 : i32 to index
      %get3A_167 = arith.constant 16 : index
      %get3A_168 = tpu.vector_load %arg16[%get3A_166, %get3A_167] {strides = array<i32>} : memref<128x64xf32, #tpu.memory_space<vmem>>, vector<1x16xf32>,
      %get3A_169 = vector.shape_cast %get3A_168 : vector<1x16xf32> to vector<16xf32>
      %get3A_170 = arith.index_cast %add3A_148 : i32 to index
      %get3A_171 = arith.constant 16 : index
      %get3A_172 = tpu.vector_load %arg18[%get3A_170, %get3A_171] {strides = array<i32>} : memref<128x64xf32, #tpu.memory_space<vmem>>, vector<1x16xf32>,
      %get3A_173 = vector.shape_cast %get3A_172 : vector<1x16xf32> to vector<16xf32>
      %add3A_174 = arith.addf %get3A_165, %get3A_169 : vector<16xf32>
      %sub3A_175 = arith.subf %add3A_174, %get3A_173 : vector<16xf32>
      %mul3A_176 = arith.mulf %sub3A_175, %sub3A_175 : vector<16xf32>
      %add3A_177 = arith.addf %mul3A_161, %mul3A_176 : vector<16xf32>
      %get3A_178 = arith.index_cast %add3A_148 : i32 to index
      %get3A_179 = arith.constant 32 : index
      %get3A_180 = tpu.vector_load %arg14[%get3A_178, %get3A_179] {strides = array<i32>} : memref<128x64xf32, #tpu.memory_space<vmem>>, vector<1x16xf32>,
      %get3A_181 = vector.shape_cast %get3A_180 : vector<1x16xf32> to vector<16xf32>
      %get3A_182 = arith.index_cast %add3A_148 : i32 to index
      %get3A_183 = arith.constant 32 : index
      %get3A_184 = tpu.vector_load %arg16[%get3A_182, %get3A_183] {strides = array<i32>} : memref<128x64xf32, #tpu.memory_space<vmem>>, vector<1x16xf32>,
      %get3A_185 = vector.shape_cast %get3A_184 : vector<1x16xf32> to vector<16xf32>
      %get3A_186 = arith.index_cast %add3A_148 : i32 to index
      %get3A_187 = arith.constant 32 : index
      %get3A_188 = tpu.vector_load %arg18[%get3A_186, %get3A_187] {strides = array<i32>} : memref<128x64xf32, #tpu.memory_space<vmem>>, vector<1x16xf32>,
      %get3A_189 = vector.shape_cast %get3A_188 : vector<1x16xf32> to vector<16xf32>
      %add3A_190 = arith.addf %get3A_181, %get3A_185 : vector<16xf32>
      %sub3A_191 = arith.subf %add3A_190, %get3A_189 : vector<16xf32>
      %mul3A_192 = arith.mulf %sub3A_191, %sub3A_191 : vector<16xf32>
      %add3A_193 = arith.addf %add3A_177, %mul3A_192 : vector<16xf32>
      %get3A_194 = arith.index_cast %add3A_148 : i32 to index
      %get3A_195 = arith.constant 48 : index
      %get3A_196 = tpu.vector_load %arg14[%get3A_194, %get3A_195] {strides = array<i32>} : memref<128x64xf32, #tpu.memory_space<vmem>>, vector<1x16xf32>,
      %get3A_197 = vector.shape_cast %get3A_196 : vector<1x16xf32> to vector<16xf32>
      %get3A_198 = arith.index_cast %add3A_148 : i32 to index
      %get3A_199 = arith.constant 48 : index
      %get3A_200 = tpu.vector_load %arg16[%get3A_198, %get3A_199] {strides = array<i32>} : memref<128x64xf32, #tpu.memory_space<vmem>>, vector<1x16xf32>,
      %get3A_201 = vector.shape_cast %get3A_200 : vector<1x16xf32> to vector<16xf32>
      %get3A_202 = arith.index_cast %add3A_148 : i32 to index
      %get3A_203 = arith.constant 48 : index
      %get3A_204 = tpu.vector_load %arg18[%get3A_202, %get3A_203] {strides = array<i32>} : memref<128x64xf32, #tpu.memory_space<vmem>>, vector<1x16xf32>,
      %get3A_205 = vector.shape_cast %get3A_204 : vector<1x16xf32> to vector<16xf32>
      %add3A_206 = arith.addf %get3A_197, %get3A_201 : vector<16xf32>
      %sub3A_207 = arith.subf %add3A_206, %get3A_205 : vector<16xf32>
      %mul3A_208 = arith.mulf %sub3A_207, %sub3A_207 : vector<16xf32>
      %add3A_209 = arith.addf %add3A_193, %mul3A_208 : vector<16xf32>
      %add3A_210 = arith.constant 8 : i32
      %add3A_211 = arith.addi %add3A_148, %add3A_210 : i32
      %get3A_212 = arith.index_cast %add3A_211 : i32 to index
      %get3A_213 = arith.constant 0 : index
      %get3A_214 = tpu.vector_load %arg14[%get3A_212, %get3A_213] {strides = array<i32>} : memref<128x64xf32, #tpu.memory_space<vmem>>, vector<1x16xf32>,
      %get3A_215 = vector.shape_cast %get3A_214 : vector<1x16xf32> to vector<16xf32>
      %get3A_216 = arith.index_cast %add3A_211 : i32 to index
      %get3A_217 = arith.constant 0 : index
      %get3A_218 = tpu.vector_load %arg16[%get3A_216, %get3A_217] {strides = array<i32>} : memref<128x64xf32, #tpu.memory_space<vmem>>, vector<1x16xf32>,
      %get3A_219 = vector.shape_cast %get3A_218 : vector<1x16xf32> to vector<16xf32>
      %get3A_220 = arith.index_cast %add3A_211 : i32 to index
      %get3A_221 = arith.constant 0 : index
      %get3A_222 = tpu.vector_load %arg18[%get3A_220, %get3A_221] {strides = array<i32>} : memref<128x64xf32, #tpu.memory_space<vmem>>, vector<1x16xf32>,
      %get3A_223 = vector.shape_cast %get3A_222 : vector<1x16xf32> to vector<16xf32>
      %add3A_224 = arith.addf %get3A_215, %get3A_219 : vector<16xf32>
      %sub3A_225 = arith.subf %add3A_224, %get3A_223 : vector<16xf32>
      %mul3A_226 = arith.mulf %sub3A_225, %sub3A_225 : vector<16xf32>
      %get3A_227 = arith.index_cast %add3A_211 : i32 to index
      %get3A_228 = arith.constant 16 : index
      %get3A_229 = tpu.vector_load %arg14[%get3A_227, %get3A_228] {strides = array<i32>} : memref<128x64xf32, #tpu.memory_space<vmem>>, vector<1x16xf32>,
      %get3A_230 = vector.shape_cast %get3A_229 : vector<1x16xf32> to vector<16xf32>
      %get3A_231 = arith.index_cast %add3A_211 : i32 to index
      %get3A_232 = arith.constant 16 : index
      %get3A_233 = tpu.vector_load %arg16[%get3A_231, %get3A_232] {strides = array<i32>} : memref<128x64xf32, #tpu.memory_space<vmem>>, vector<1x16xf32>,
      %get3A_234 = vector.shape_cast %get3A_233 : vector<1x16xf32> to vector<16xf32>
      %get3A_235 = arith.index_cast %add3A_211 : i32 to index
      %get3A_236 = arith.constant 16 : index
      %get3A_237 = tpu.vector_load %arg18[%get3A_235, %get3A_236] {strides = array<i32>} : memref<128x64xf32, #tpu.memory_space<vmem>>, vector<1x16xf32>,
      %get3A_238 = vector.shape_cast %get3A_237 : vector<1x16xf32> to vector<16xf32>
      %add3A_239 = arith.addf %get3A_230, %get3A_234 : vector<16xf32>
      %sub3A_240 = arith.subf %add3A_239, %get3A_238 : vector<16xf32>
      %mul3A_241 = arith.mulf %sub3A_240, %sub3A_240 : vector<16xf32>
      %add3A_242 = arith.addf %mul3A_226, %mul3A_241 : vector<16xf32>
      %get3A_243 = arith.index_cast %add3A_211 : i32 to index
      %get3A_244 = arith.constant 32 : index
      %get3A_245 = tpu.vector_load %arg14[%get3A_243, %get3A_244] {strides = array<i32>} : memref<128x64xf32, #tpu.memory_space<vmem>>, vector<1x16xf32>,
      %get3A_246 = vector.shape_cast %get3A_245 : vector<1x16xf32> to vector<16xf32>
      %get3A_247 = arith.index_cast %add3A_211 : i32 to index
      %get3A_248 = arith.constant 32 : index
      %get3A_249 = tpu.vector_load %arg16[%get3A_247, %get3A_248] {strides = array<i32>} : memref<128x64xf32, #tpu.memory_space<vmem>>, vector<1x16xf32>,
      %get3A_250 = vector.shape_cast %get3A_249 : vector<1x16xf32> to vector<16xf32>
      %get3A_251 = arith.index_cast %add3A_211 : i32 to index
      %get3A_252 = arith.constant 32 : index
      %get3A_253 = tpu.vector_load %arg18[%get3A_251, %get3A_252] {strides = array<i32>} : memref<128x64xf32, #tpu.memory_space<vmem>>, vector<1x16xf32>,
      %get3A_254 = vector.shape_cast %get3A_253 : vector<1x16xf32> to vector<16xf32>
      %add3A_255 = arith.addf %get3A_246, %get3A_250 : vector<16xf32>
      %sub3A_256 = arith.subf %add3A_255, %get3A_254 : vector<16xf32>
      %mul3A_257 = arith.mulf %sub3A_256, %sub3A_256 : vector<16xf32>
      %add3A_258 = arith.addf %add3A_242, %mul3A_257 : vector<16xf32>
      %get3A_259 = arith.index_cast %add3A_211 : i32 to index
      %get3A_260 = arith.constant 48 : index
      %get3A_261 = tpu.vector_load %arg14[%get3A_259, %get3A_260] {strides = array<i32>} : memref<128x64xf32, #tpu.memory_space<vmem>>, vector<1x16xf32>,
      %get3A_262 = vector.shape_cast %get3A_261 : vector<1x16xf32> to vector<16xf32>
      %get3A_263 = arith.index_cast %add3A_211 : i32 to index
      %get3A_264 = arith.constant 48 : index
      %get3A_265 = tpu.vector_load %arg16[%get3A_263, %get3A_264] {strides = array<i32>} : memref<128x64xf32, #tpu.memory_space<vmem>>, vector<1x16xf32>,
      %get3A_266 = vector.shape_cast %get3A_265 : vector<1x16xf32> to vector<16xf32>
      %get3A_267 = arith.index_cast %add3A_211 : i32 to index
      %get3A_268 = arith.constant 48 : index
      %get3A_269 = tpu.vector_load %arg18[%get3A_267, %get3A_268] {strides = array<i32>} : memref<128x64xf32, #tpu.memory_space<vmem>>, vector<1x16xf32>,
      %get3A_270 = vector.shape_cast %get3A_269 : vector<1x16xf32> to vector<16xf32>
      %add3A_271 = arith.addf %get3A_262, %get3A_266 : vector<16xf32>
      %sub3A_272 = arith.subf %add3A_271, %get3A_270 : vector<16xf32>
      %mul3A_273 = arith.mulf %sub3A_272, %sub3A_272 : vector<16xf32>
      %add3A_274 = arith.addf %add3A_258, %mul3A_273 : vector<16xf32>
      %xor3A = arith.constant 8 : i32
      %xor3A_275 = vector.broadcast %xor3A : i32 to vector<16xi32>
      %xor3A_276 = arith.xori %iota3A, %xor3A_275 : vector<16xi32>
      %lt3A = arith.constant 0 : i32
      %lt3A_277 = vector.broadcast %lt3A : i32 to vector<16xi32>
      %lt3A_278 = arith.cmpi slt, %xor3A_276, %lt3A_277 : vector<16xi32>
      %add3A_279 = arith.constant 16 : i32
      %add3A_280 = vector.broadcast %add3A_279 : i32 to vector<16xi32>
      %add3A_281 = arith.addi %xor3A_276, %add3A_280 : vector<16xi32>
      %select_n3A = arith.select %lt3A_278, %add3A_281, %xor3A_276 : vector<16xi1>, vector<16xi32>
      %broadcast_in_dim3A = vector.shape_cast %select_n3A : vector<16xi32> to vector<16x1xi32>
      %gather3A = vector.shape_cast %broadcast_in_dim3A : vector<16x1xi32> to vector<16xi32>
      %gather3A_282 = tpu.dynamic_gather %add3A_209[%gather3A] in [0] : vector<16xf32>, vector<16xi32> -> vector<16xf32>
      %xor3A_283 = arith.constant 8 : i32
      %xor3A_284 = vector.broadcast %xor3A_283 : i32 to vector<16xi32>
      %xor3A_285 = arith.xori %iota3A, %xor3A_284 : vector<16xi32>
      %lt3A_286 = arith.constant 0 : i32
      %lt3A_287 = vector.broadcast %lt3A_286 : i32 to vector<16xi32>
      %lt3A_288 = arith.cmpi slt, %xor3A_285, %lt3A_287 : vector<16xi32>
      %add3A_289 = arith.constant 16 : i32
      %add3A_290 = vector.broadcast %add3A_289 : i32 to vector<16xi32>
      %add3A_291 = arith.addi %xor3A_285, %add3A_290 : vector<16xi32>
      %select_n3A_292 = arith.select %lt3A_288, %add3A_291, %xor3A_285 : vector<16xi1>, vector<16xi32>
      %broadcast_in_dim3A_293 = vector.shape_cast %select_n3A_292 : vector<16xi32> to vector<16x1xi32>
      %gather3A_294 = vector.shape_cast %broadcast_in_dim3A_293 : vector<16x1xi32> to vector<16xi32>
      %gather3A_295 = tpu.dynamic_gather %add3A_274[%gather3A_294] in [0] : vector<16xf32>, vector<16xi32> -> vector<16xf32>
      %and3A_296 = arith.constant 8 : i32
      %and3A_297 = vector.broadcast %and3A_296 : i32 to vector<16xi32>
      %and3A_298 = arith.andi %iota3A, %and3A_297 : vector<16xi32>
      %eq3A = arith.constant 0 : i32
      %eq3A_299 = vector.broadcast %eq3A : i32 to vector<16xi32>
      %eq3A_300 = arith.cmpi eq, %and3A_298, %eq3A_299 : vector<16xi32>
      %add3A_301 = arith.addf %add3A_209, %gather3A_282 : vector<16xf32>
      %add3A_302 = arith.addf %add3A_274, %gather3A_295 : vector<16xf32>
      %select_n3A_303 = arith.select %eq3A_300, %add3A_301, %add3A_302 : vector<16xi1>, vector<16xf32>
      %mul3A_304 = arith.constant 16 : i32
      %mul3A_305 = arith.muli %scan3A_144, %mul3A_304 : i32
      %swap3A = arith.index_cast %mul3A_305 : i32 to index
      %swap3A_306 = tpu.vector_load %arg21[%swap3A] {strides = array<i32>} : memref<1024xf32, #tpu.memory_space<vmem>>, vector<16xf32>,
      %swap3A_307 = vector.shape_cast %swap3A_306 : vector<16xf32> to vector<16xf32>
      %swap3A_308 = vector.shape_cast %select_n3A_303 : vector<16xf32> to vector<16xf32>
      tpu.vector_store %arg21[%swap3A], %swap3A_308 {strides = array<i32>} : memref<1024xf32, #tpu.memory_space<vmem>>, vector<16xf32>,
    }
    %scan3A_38 = arith.constant 64 : i32
    %scan3A_39 = arith.constant 0 : i32
    %scan3A_40 = arith.constant 0 : i32
    %scan3A_41 = arith.constant 8 : i32
    %scan3A_42 = arith.addi %scan3A_40, %scan3A_41 : i32
    %scan3A_43 = arith.constant 1 : i32
    scf.for %scan3A_144 = %scan3A_40 to %scan3A_42 step %scan3A_43  : i32 {
      %mul3A_145 = arith.constant 8 : i32
      %mul3A_146 = arith.muli %scan3A_144, %mul3A_145 : i32
      %add3A_147 = arith.constant 0 : i32
      %add3A_148 = arith.addi %mul3A_146, %add3A_147 : i32
      %mul3A_149 = arith.constant 16 : i32
      %mul3A_150 = arith.muli %add3A_148, %mul3A_149 : i32
      %get3A = arith.index_cast %mul3A_150 : i32 to index
      %get3A_151 = tpu.vector_load %arg21[%get3A] {strides = array<i32>} : memref<1024xf32, #tpu.memory_space<vmem>>, vector<16xf32>,
      %get3A_152 = vector.shape_cast %get3A_151 : vector<16xf32> to vector<16xf32>
      %add3A_153 = arith.constant 1 : i32
      %add3A_154 = arith.addi %mul3A_146, %add3A_153 : i32
      %mul3A_155 = arith.constant 16 : i32
      %mul3A_156 = arith.muli %add3A_154, %mul3A_155 : i32
      %get3A_157 = arith.index_cast %mul3A_156 : i32 to index
      %get3A_158 = tpu.vector_load %arg21[%get3A_157] {strides = array<i32>} : memref<1024xf32, #tpu.memory_space<vmem>>, vector<16xf32>,
      %get3A_159 = vector.shape_cast %get3A_158 : vector<16xf32> to vector<16xf32>
      %add3A_160 = arith.constant 2 : i32
      %add3A_161 = arith.addi %mul3A_146, %add3A_160 : i32
      %mul3A_162 = arith.constant 16 : i32
      %mul3A_163 = arith.muli %add3A_161, %mul3A_162 : i32
      %get3A_164 = arith.index_cast %mul3A_163 : i32 to index
      %get3A_165 = tpu.vector_load %arg21[%get3A_164] {strides = array<i32>} : memref<1024xf32, #tpu.memory_space<vmem>>, vector<16xf32>,
      %get3A_166 = vector.shape_cast %get3A_165 : vector<16xf32> to vector<16xf32>
      %add3A_167 = arith.constant 3 : i32
      %add3A_168 = arith.addi %mul3A_146, %add3A_167 : i32
      %mul3A_169 = arith.constant 16 : i32
      %mul3A_170 = arith.muli %add3A_168, %mul3A_169 : i32
      %get3A_171 = arith.index_cast %mul3A_170 : i32 to index
      %get3A_172 = tpu.vector_load %arg21[%get3A_171] {strides = array<i32>} : memref<1024xf32, #tpu.memory_space<vmem>>, vector<16xf32>,
      %get3A_173 = vector.shape_cast %get3A_172 : vector<16xf32> to vector<16xf32>
      %add3A_174 = arith.constant 4 : i32
      %add3A_175 = arith.addi %mul3A_146, %add3A_174 : i32
      %mul3A_176 = arith.constant 16 : i32
      %mul3A_177 = arith.muli %add3A_175, %mul3A_176 : i32
      %get3A_178 = arith.index_cast %mul3A_177 : i32 to index
      %get3A_179 = tpu.vector_load %arg21[%get3A_178] {strides = array<i32>} : memref<1024xf32, #tpu.memory_space<vmem>>, vector<16xf32>,
      %get3A_180 = vector.shape_cast %get3A_179 : vector<16xf32> to vector<16xf32>
      %add3A_181 = arith.constant 5 : i32
      %add3A_182 = arith.addi %mul3A_146, %add3A_181 : i32
      %mul3A_183 = arith.constant 16 : i32
      %mul3A_184 = arith.muli %add3A_182, %mul3A_183 : i32
      %get3A_185 = arith.index_cast %mul3A_184 : i32 to index
      %get3A_186 = tpu.vector_load %arg21[%get3A_185] {strides = array<i32>} : memref<1024xf32, #tpu.memory_space<vmem>>, vector<16xf32>,
      %get3A_187 = vector.shape_cast %get3A_186 : vector<16xf32> to vector<16xf32>
      %add3A_188 = arith.constant 6 : i32
      %add3A_189 = arith.addi %mul3A_146, %add3A_188 : i32
      %mul3A_190 = arith.constant 16 : i32
      %mul3A_191 = arith.muli %add3A_189, %mul3A_190 : i32
      %get3A_192 = arith.index_cast %mul3A_191 : i32 to index
      %get3A_193 = tpu.vector_load %arg21[%get3A_192] {strides = array<i32>} : memref<1024xf32, #tpu.memory_space<vmem>>, vector<16xf32>,
      %get3A_194 = vector.shape_cast %get3A_193 : vector<16xf32> to vector<16xf32>
      %add3A_195 = arith.constant 7 : i32
      %add3A_196 = arith.addi %mul3A_146, %add3A_195 : i32
      %mul3A_197 = arith.constant 16 : i32
      %mul3A_198 = arith.muli %add3A_196, %mul3A_197 : i32
      %get3A_199 = arith.index_cast %mul3A_198 : i32 to index
      %get3A_200 = tpu.vector_load %arg21[%get3A_199] {strides = array<i32>} : memref<1024xf32, #tpu.memory_space<vmem>>, vector<16xf32>,
      %get3A_201 = vector.shape_cast %get3A_200 : vector<16xf32> to vector<16xf32>
      %xor3A = arith.constant 4 : i32
      %xor3A_202 = vector.broadcast %xor3A : i32 to vector<16xi32>
      %xor3A_203 = arith.xori %iota3A, %xor3A_202 : vector<16xi32>
      %lt3A = arith.constant 0 : i32
      %lt3A_204 = vector.broadcast %lt3A : i32 to vector<16xi32>
      %lt3A_205 = arith.cmpi slt, %xor3A_203, %lt3A_204 : vector<16xi32>
      %add3A_206 = arith.constant 16 : i32
      %add3A_207 = vector.broadcast %add3A_206 : i32 to vector<16xi32>
      %add3A_208 = arith.addi %xor3A_203, %add3A_207 : vector<16xi32>
      %select_n3A = arith.select %lt3A_205, %add3A_208, %xor3A_203 : vector<16xi1>, vector<16xi32>
      %broadcast_in_dim3A = vector.shape_cast %select_n3A : vector<16xi32> to vector<16x1xi32>
      %gather3A = vector.shape_cast %broadcast_in_dim3A : vector<16x1xi32> to vector<16xi32>
      %gather3A_209 = tpu.dynamic_gather %get3A_152[%gather3A] in [0] : vector<16xf32>, vector<16xi32> -> vector<16xf32>
      %xor3A_210 = arith.constant 4 : i32
      %xor3A_211 = vector.broadcast %xor3A_210 : i32 to vector<16xi32>
      %xor3A_212 = arith.xori %iota3A, %xor3A_211 : vector<16xi32>
      %lt3A_213 = arith.constant 0 : i32
      %lt3A_214 = vector.broadcast %lt3A_213 : i32 to vector<16xi32>
      %lt3A_215 = arith.cmpi slt, %xor3A_212, %lt3A_214 : vector<16xi32>
      %add3A_216 = arith.constant 16 : i32
      %add3A_217 = vector.broadcast %add3A_216 : i32 to vector<16xi32>
      %add3A_218 = arith.addi %xor3A_212, %add3A_217 : vector<16xi32>
      %select_n3A_219 = arith.select %lt3A_215, %add3A_218, %xor3A_212 : vector<16xi1>, vector<16xi32>
      %broadcast_in_dim3A_220 = vector.shape_cast %select_n3A_219 : vector<16xi32> to vector<16x1xi32>
      %gather3A_221 = vector.shape_cast %broadcast_in_dim3A_220 : vector<16x1xi32> to vector<16xi32>
      %gather3A_222 = tpu.dynamic_gather %get3A_180[%gather3A_221] in [0] : vector<16xf32>, vector<16xi32> -> vector<16xf32>
      %and3A = arith.constant 4 : i32
      %and3A_223 = vector.broadcast %and3A : i32 to vector<16xi32>
      %and3A_224 = arith.andi %iota3A, %and3A_223 : vector<16xi32>
      %eq3A = arith.constant 0 : i32
      %eq3A_225 = vector.broadcast %eq3A : i32 to vector<16xi32>
      %eq3A_226 = arith.cmpi eq, %and3A_224, %eq3A_225 : vector<16xi32>
      %add3A_227 = arith.addf %get3A_152, %gather3A_209 : vector<16xf32>
      %add3A_228 = arith.addf %get3A_180, %gather3A_222 : vector<16xf32>
      %select_n3A_229 = arith.select %eq3A_226, %add3A_227, %add3A_228 : vector<16xi1>, vector<16xf32>
      %xor3A_230 = arith.constant 4 : i32
      %xor3A_231 = vector.broadcast %xor3A_230 : i32 to vector<16xi32>
      %xor3A_232 = arith.xori %iota3A, %xor3A_231 : vector<16xi32>
      %lt3A_233 = arith.constant 0 : i32
      %lt3A_234 = vector.broadcast %lt3A_233 : i32 to vector<16xi32>
      %lt3A_235 = arith.cmpi slt, %xor3A_232, %lt3A_234 : vector<16xi32>
      %add3A_236 = arith.constant 16 : i32
      %add3A_237 = vector.broadcast %add3A_236 : i32 to vector<16xi32>
      %add3A_238 = arith.addi %xor3A_232, %add3A_237 : vector<16xi32>
      %select_n3A_239 = arith.select %lt3A_235, %add3A_238, %xor3A_232 : vector<16xi1>, vector<16xi32>
      %broadcast_in_dim3A_240 = vector.shape_cast %select_n3A_239 : vector<16xi32> to vector<16x1xi32>
      %gather3A_241 = vector.shape_cast %broadcast_in_dim3A_240 : vector<16x1xi32> to vector<16xi32>
      %gather3A_242 = tpu.dynamic_gather %get3A_159[%gather3A_241] in [0] : vector<16xf32>, vector<16xi32> -> vector<16xf32>
      %xor3A_243 = arith.constant 4 : i32
      %xor3A_244 = vector.broadcast %xor3A_243 : i32 to vector<16xi32>
      %xor3A_245 = arith.xori %iota3A, %xor3A_244 : vector<16xi32>
      %lt3A_246 = arith.constant 0 : i32
      %lt3A_247 = vector.broadcast %lt3A_246 : i32 to vector<16xi32>
      %lt3A_248 = arith.cmpi slt, %xor3A_245, %lt3A_247 : vector<16xi32>
      %add3A_249 = arith.constant 16 : i32
      %add3A_250 = vector.broadcast %add3A_249 : i32 to vector<16xi32>
      %add3A_251 = arith.addi %xor3A_245, %add3A_250 : vector<16xi32>
      %select_n3A_252 = arith.select %lt3A_248, %add3A_251, %xor3A_245 : vector<16xi1>, vector<16xi32>
      %broadcast_in_dim3A_253 = vector.shape_cast %select_n3A_252 : vector<16xi32> to vector<16x1xi32>
      %gather3A_254 = vector.shape_cast %broadcast_in_dim3A_253 : vector<16x1xi32> to vector<16xi32>
      %gather3A_255 = tpu.dynamic_gather %get3A_187[%gather3A_254] in [0] : vector<16xf32>, vector<16xi32> -> vector<16xf32>
      %and3A_256 = arith.constant 4 : i32
      %and3A_257 = vector.broadcast %and3A_256 : i32 to vector<16xi32>
      %and3A_258 = arith.andi %iota3A, %and3A_257 : vector<16xi32>
      %eq3A_259 = arith.constant 0 : i32
      %eq3A_260 = vector.broadcast %eq3A_259 : i32 to vector<16xi32>
      %eq3A_261 = arith.cmpi eq, %and3A_258, %eq3A_260 : vector<16xi32>
      %add3A_262 = arith.addf %get3A_159, %gather3A_242 : vector<16xf32>
      %add3A_263 = arith.addf %get3A_187, %gather3A_255 : vector<16xf32>
      %select_n3A_264 = arith.select %eq3A_261, %add3A_262, %add3A_263 : vector<16xi1>, vector<16xf32>
      %xor3A_265 = arith.constant 4 : i32
      %xor3A_266 = vector.broadcast %xor3A_265 : i32 to vector<16xi32>
      %xor3A_267 = arith.xori %iota3A, %xor3A_266 : vector<16xi32>
      %lt3A_268 = arith.constant 0 : i32
      %lt3A_269 = vector.broadcast %lt3A_268 : i32 to vector<16xi32>
      %lt3A_270 = arith.cmpi slt, %xor3A_267, %lt3A_269 : vector<16xi32>
      %add3A_271 = arith.constant 16 : i32
      %add3A_272 = vector.broadcast %add3A_271 : i32 to vector<16xi32>
      %add3A_273 = arith.addi %xor3A_267, %add3A_272 : vector<16xi32>
      %select_n3A_274 = arith.select %lt3A_270, %add3A_273, %xor3A_267 : vector<16xi1>, vector<16xi32>
      %broadcast_in_dim3A_275 = vector.shape_cast %select_n3A_274 : vector<16xi32> to vector<16x1xi32>
      %gather3A_276 = vector.shape_cast %broadcast_in_dim3A_275 : vector<16x1xi32> to vector<16xi32>
      %gather3A_277 = tpu.dynamic_gather %get3A_166[%gather3A_276] in [0] : vector<16xf32>, vector<16xi32> -> vector<16xf32>
      %xor3A_278 = arith.constant 4 : i32
      %xor3A_279 = vector.broadcast %xor3A_278 : i32 to vector<16xi32>
      %xor3A_280 = arith.xori %iota3A, %xor3A_279 : vector<16xi32>
      %lt3A_281 = arith.constant 0 : i32
      %lt3A_282 = vector.broadcast %lt3A_281 : i32 to vector<16xi32>
      %lt3A_283 = arith.cmpi slt, %xor3A_280, %lt3A_282 : vector<16xi32>
      %add3A_284 = arith.constant 16 : i32
      %add3A_285 = vector.broadcast %add3A_284 : i32 to vector<16xi32>
      %add3A_286 = arith.addi %xor3A_280, %add3A_285 : vector<16xi32>
      %select_n3A_287 = arith.select %lt3A_283, %add3A_286, %xor3A_280 : vector<16xi1>, vector<16xi32>
      %broadcast_in_dim3A_288 = vector.shape_cast %select_n3A_287 : vector<16xi32> to vector<16x1xi32>
      %gather3A_289 = vector.shape_cast %broadcast_in_dim3A_288 : vector<16x1xi32> to vector<16xi32>
      %gather3A_290 = tpu.dynamic_gather %get3A_194[%gather3A_289] in [0] : vector<16xf32>, vector<16xi32> -> vector<16xf32>
      %and3A_291 = arith.constant 4 : i32
      %and3A_292 = vector.broadcast %and3A_291 : i32 to vector<16xi32>
      %and3A_293 = arith.andi %iota3A, %and3A_292 : vector<16xi32>
      %eq3A_294 = arith.constant 0 : i32
      %eq3A_295 = vector.broadcast %eq3A_294 : i32 to vector<16xi32>
      %eq3A_296 = arith.cmpi eq, %and3A_293, %eq3A_295 : vector<16xi32>
      %add3A_297 = arith.addf %get3A_166, %gather3A_277 : vector<16xf32>
      %add3A_298 = arith.addf %get3A_194, %gather3A_290 : vector<16xf32>
      %select_n3A_299 = arith.select %eq3A_296, %add3A_297, %add3A_298 : vector<16xi1>, vector<16xf32>
      %xor3A_300 = arith.constant 4 : i32
      %xor3A_301 = vector.broadcast %xor3A_300 : i32 to vector<16xi32>
      %xor3A_302 = arith.xori %iota3A, %xor3A_301 : vector<16xi32>
      %lt3A_303 = arith.constant 0 : i32
      %lt3A_304 = vector.broadcast %lt3A_303 : i32 to vector<16xi32>
      %lt3A_305 = arith.cmpi slt, %xor3A_302, %lt3A_304 : vector<16xi32>
      %add3A_306 = arith.constant 16 : i32
      %add3A_307 = vector.broadcast %add3A_306 : i32 to vector<16xi32>
      %add3A_308 = arith.addi %xor3A_302, %add3A_307 : vector<16xi32>
      %select_n3A_309 = arith.select %lt3A_305, %add3A_308, %xor3A_302 : vector<16xi1>, vector<16xi32>
      %broadcast_in_dim3A_310 = vector.shape_cast %select_n3A_309 : vector<16xi32> to vector<16x1xi32>
      %gather3A_311 = vector.shape_cast %broadcast_in_dim3A_310 : vector<16x1xi32> to vector<16xi32>
      %gather3A_312 = tpu.dynamic_gather %get3A_173[%gather3A_311] in [0] : vector<16xf32>, vector<16xi32> -> vector<16xf32>
      %xor3A_313 = arith.constant 4 : i32
      %xor3A_314 = vector.broadcast %xor3A_313 : i32 to vector<16xi32>
      %xor3A_315 = arith.xori %iota3A, %xor3A_314 : vector<16xi32>
      %lt3A_316 = arith.constant 0 : i32
      %lt3A_317 = vector.broadcast %lt3A_316 : i32 to vector<16xi32>
      %lt3A_318 = arith.cmpi slt, %xor3A_315, %lt3A_317 : vector<16xi32>
      %add3A_319 = arith.constant 16 : i32
      %add3A_320 = vector.broadcast %add3A_319 : i32 to vector<16xi32>
      %add3A_321 = arith.addi %xor3A_315, %add3A_320 : vector<16xi32>
      %select_n3A_322 = arith.select %lt3A_318, %add3A_321, %xor3A_315 : vector<16xi1>, vector<16xi32>
      %broadcast_in_dim3A_323 = vector.shape_cast %select_n3A_322 : vector<16xi32> to vector<16x1xi32>
      %gather3A_324 = vector.shape_cast %broadcast_in_dim3A_323 : vector<16x1xi32> to vector<16xi32>
      %gather3A_325 = tpu.dynamic_gather %get3A_201[%gather3A_324] in [0] : vector<16xf32>, vector<16xi32> -> vector<16xf32>
      %and3A_326 = arith.constant 4 : i32
      %and3A_327 = vector.broadcast %and3A_326 : i32 to vector<16xi32>
      %and3A_328 = arith.andi %iota3A, %and3A_327 : vector<16xi32>
      %eq3A_329 = arith.constant 0 : i32
      %eq3A_330 = vector.broadcast %eq3A_329 : i32 to vector<16xi32>
      %eq3A_331 = arith.cmpi eq, %and3A_328, %eq3A_330 : vector<16xi32>
      %add3A_332 = arith.addf %get3A_173, %gather3A_312 : vector<16xf32>
      %add3A_333 = arith.addf %get3A_201, %gather3A_325 : vector<16xf32>
      %select_n3A_334 = arith.select %eq3A_331, %add3A_332, %add3A_333 : vector<16xi1>, vector<16xf32>
      %xor3A_335 = arith.constant 2 : i32
      %xor3A_336 = vector.broadcast %xor3A_335 : i32 to vector<16xi32>
      %xor3A_337 = arith.xori %iota3A, %xor3A_336 : vector<16xi32>
      %lt3A_338 = arith.constant 0 : i32
      %lt3A_339 = vector.broadcast %lt3A_338 : i32 to vector<16xi32>
      %lt3A_340 = arith.cmpi slt, %xor3A_337, %lt3A_339 : vector<16xi32>
      %add3A_341 = arith.constant 16 : i32
      %add3A_342 = vector.broadcast %add3A_341 : i32 to vector<16xi32>
      %add3A_343 = arith.addi %xor3A_337, %add3A_342 : vector<16xi32>
      %select_n3A_344 = arith.select %lt3A_340, %add3A_343, %xor3A_337 : vector<16xi1>, vector<16xi32>
      %broadcast_in_dim3A_345 = vector.shape_cast %select_n3A_344 : vector<16xi32> to vector<16x1xi32>
      %gather3A_346 = vector.shape_cast %broadcast_in_dim3A_345 : vector<16x1xi32> to vector<16xi32>
      %gather3A_347 = tpu.dynamic_gather %select_n3A_229[%gather3A_346] in [0] : vector<16xf32>, vector<16xi32> -> vector<16xf32>
      %xor3A_348 = arith.constant 2 : i32
      %xor3A_349 = vector.broadcast %xor3A_348 : i32 to vector<16xi32>
      %xor3A_350 = arith.xori %iota3A, %xor3A_349 : vector<16xi32>
      %lt3A_351 = arith.constant 0 : i32
      %lt3A_352 = vector.broadcast %lt3A_351 : i32 to vector<16xi32>
      %lt3A_353 = arith.cmpi slt, %xor3A_350, %lt3A_352 : vector<16xi32>
      %add3A_354 = arith.constant 16 : i32
      %add3A_355 = vector.broadcast %add3A_354 : i32 to vector<16xi32>
      %add3A_356 = arith.addi %xor3A_350, %add3A_355 : vector<16xi32>
      %select_n3A_357 = arith.select %lt3A_353, %add3A_356, %xor3A_350 : vector<16xi1>, vector<16xi32>
      %broadcast_in_dim3A_358 = vector.shape_cast %select_n3A_357 : vector<16xi32> to vector<16x1xi32>
      %gather3A_359 = vector.shape_cast %broadcast_in_dim3A_358 : vector<16x1xi32> to vector<16xi32>
      %gather3A_360 = tpu.dynamic_gather %select_n3A_299[%gather3A_359] in [0] : vector<16xf32>, vector<16xi32> -> vector<16xf32>
      %and3A_361 = arith.constant 2 : i32
      %and3A_362 = vector.broadcast %and3A_361 : i32 to vector<16xi32>
      %and3A_363 = arith.andi %iota3A, %and3A_362 : vector<16xi32>
      %eq3A_364 = arith.constant 0 : i32
      %eq3A_365 = vector.broadcast %eq3A_364 : i32 to vector<16xi32>
      %eq3A_366 = arith.cmpi eq, %and3A_363, %eq3A_365 : vector<16xi32>
      %add3A_367 = arith.addf %select_n3A_229, %gather3A_347 : vector<16xf32>
      %add3A_368 = arith.addf %select_n3A_299, %gather3A_360 : vector<16xf32>
      %select_n3A_369 = arith.select %eq3A_366, %add3A_367, %add3A_368 : vector<16xi1>, vector<16xf32>
      %xor3A_370 = arith.constant 2 : i32
      %xor3A_371 = vector.broadcast %xor3A_370 : i32 to vector<16xi32>
      %xor3A_372 = arith.xori %iota3A, %xor3A_371 : vector<16xi32>
      %lt3A_373 = arith.constant 0 : i32
      %lt3A_374 = vector.broadcast %lt3A_373 : i32 to vector<16xi32>
      %lt3A_375 = arith.cmpi slt, %xor3A_372, %lt3A_374 : vector<16xi32>
      %add3A_376 = arith.constant 16 : i32
      %add3A_377 = vector.broadcast %add3A_376 : i32 to vector<16xi32>
      %add3A_378 = arith.addi %xor3A_372, %add3A_377 : vector<16xi32>
      %select_n3A_379 = arith.select %lt3A_375, %add3A_378, %xor3A_372 : vector<16xi1>, vector<16xi32>
      %broadcast_in_dim3A_380 = vector.shape_cast %select_n3A_379 : vector<16xi32> to vector<16x1xi32>
      %gather3A_381 = vector.shape_cast %broadcast_in_dim3A_380 : vector<16x1xi32> to vector<16xi32>
      %gather3A_382 = tpu.dynamic_gather %select_n3A_264[%gather3A_381] in [0] : vector<16xf32>, vector<16xi32> -> vector<16xf32>
      %xor3A_383 = arith.constant 2 : i32
      %xor3A_384 = vector.broadcast %xor3A_383 : i32 to vector<16xi32>
      %xor3A_385 = arith.xori %iota3A, %xor3A_384 : vector<16xi32>
      %lt3A_386 = arith.constant 0 : i32
      %lt3A_387 = vector.broadcast %lt3A_386 : i32 to vector<16xi32>
      %lt3A_388 = arith.cmpi slt, %xor3A_385, %lt3A_387 : vector<16xi32>
      %add3A_389 = arith.constant 16 : i32
      %add3A_390 = vector.broadcast %add3A_389 : i32 to vector<16xi32>
      %add3A_391 = arith.addi %xor3A_385, %add3A_390 : vector<16xi32>
      %select_n3A_392 = arith.select %lt3A_388, %add3A_391, %xor3A_385 : vector<16xi1>, vector<16xi32>
      %broadcast_in_dim3A_393 = vector.shape_cast %select_n3A_392 : vector<16xi32> to vector<16x1xi32>
      %gather3A_394 = vector.shape_cast %broadcast_in_dim3A_393 : vector<16x1xi32> to vector<16xi32>
      %gather3A_395 = tpu.dynamic_gather %select_n3A_334[%gather3A_394] in [0] : vector<16xf32>, vector<16xi32> -> vector<16xf32>
      %and3A_396 = arith.constant 2 : i32
      %and3A_397 = vector.broadcast %and3A_396 : i32 to vector<16xi32>
      %and3A_398 = arith.andi %iota3A, %and3A_397 : vector<16xi32>
      %eq3A_399 = arith.constant 0 : i32
      %eq3A_400 = vector.broadcast %eq3A_399 : i32 to vector<16xi32>
      %eq3A_401 = arith.cmpi eq, %and3A_398, %eq3A_400 : vector<16xi32>
      %add3A_402 = arith.addf %select_n3A_264, %gather3A_382 : vector<16xf32>
      %add3A_403 = arith.addf %select_n3A_334, %gather3A_395 : vector<16xf32>
      %select_n3A_404 = arith.select %eq3A_401, %add3A_402, %add3A_403 : vector<16xi1>, vector<16xf32>
      %xor3A_405 = arith.constant 1 : i32
      %xor3A_406 = vector.broadcast %xor3A_405 : i32 to vector<16xi32>
      %xor3A_407 = arith.xori %iota3A, %xor3A_406 : vector<16xi32>
      %lt3A_408 = arith.constant 0 : i32
      %lt3A_409 = vector.broadcast %lt3A_408 : i32 to vector<16xi32>
      %lt3A_410 = arith.cmpi slt, %xor3A_407, %lt3A_409 : vector<16xi32>
      %add3A_411 = arith.constant 16 : i32
      %add3A_412 = vector.broadcast %add3A_411 : i32 to vector<16xi32>
      %add3A_413 = arith.addi %xor3A_407, %add3A_412 : vector<16xi32>
      %select_n3A_414 = arith.select %lt3A_410, %add3A_413, %xor3A_407 : vector<16xi1>, vector<16xi32>
      %broadcast_in_dim3A_415 = vector.shape_cast %select_n3A_414 : vector<16xi32> to vector<16x1xi32>
      %gather3A_416 = vector.shape_cast %broadcast_in_dim3A_415 : vector<16x1xi32> to vector<16xi32>
      %gather3A_417 = tpu.dynamic_gather %select_n3A_369[%gather3A_416] in [0] : vector<16xf32>, vector<16xi32> -> vector<16xf32>
      %xor3A_418 = arith.constant 1 : i32
      %xor3A_419 = vector.broadcast %xor3A_418 : i32 to vector<16xi32>
      %xor3A_420 = arith.xori %iota3A, %xor3A_419 : vector<16xi32>
      %lt3A_421 = arith.constant 0 : i32
      %lt3A_422 = vector.broadcast %lt3A_421 : i32 to vector<16xi32>
      %lt3A_423 = arith.cmpi slt, %xor3A_420, %lt3A_422 : vector<16xi32>
      %add3A_424 = arith.constant 16 : i32
      %add3A_425 = vector.broadcast %add3A_424 : i32 to vector<16xi32>
      %add3A_426 = arith.addi %xor3A_420, %add3A_425 : vector<16xi32>
      %select_n3A_427 = arith.select %lt3A_423, %add3A_426, %xor3A_420 : vector<16xi1>, vector<16xi32>
      %broadcast_in_dim3A_428 = vector.shape_cast %select_n3A_427 : vector<16xi32> to vector<16x1xi32>
      %gather3A_429 = vector.shape_cast %broadcast_in_dim3A_428 : vector<16x1xi32> to vector<16xi32>
      %gather3A_430 = tpu.dynamic_gather %select_n3A_404[%gather3A_429] in [0] : vector<16xf32>, vector<16xi32> -> vector<16xf32>
      %and3A_431 = arith.constant 1 : i32
      %and3A_432 = vector.broadcast %and3A_431 : i32 to vector<16xi32>
      %and3A_433 = arith.andi %iota3A, %and3A_432 : vector<16xi32>
      %eq3A_434 = arith.constant 0 : i32
      %eq3A_435 = vector.broadcast %eq3A_434 : i32 to vector<16xi32>
      %eq3A_436 = arith.cmpi eq, %and3A_433, %eq3A_435 : vector<16xi32>
      %add3A_437 = arith.addf %select_n3A_369, %gather3A_417 : vector<16xf32>
      %add3A_438 = arith.addf %select_n3A_404, %gather3A_430 : vector<16xf32>
      %select_n3A_439 = arith.select %eq3A_436, %add3A_437, %add3A_438 : vector<16xi1>, vector<16xf32>
      %add3A_440 = arith.constant 9.99999996E-13 : f32
      %add3A_441 = vector.broadcast %add3A_440 : f32 to vector<16xf32>
      %add3A_442 = arith.addf %select_n3A_439, %add3A_441 : vector<16xf32>
      %bitcast_convert_type3A = tpu.bitcast %add3A_442 : vector<16xf32> -> vector<16xi32>
      %shift_right_arithmetic3A = arith.constant 1 : i32
      %shift_right_arithmetic3A_443 = vector.broadcast %shift_right_arithmetic3A : i32 to vector<16xi32>
      %shift_right_arithmetic3A_444 = arith.shrsi %bitcast_convert_type3A, %shift_right_arithmetic3A_443 : vector<16xi32>
      %sub3A = arith.constant 1597463007 : i32
      %sub3A_445 = vector.broadcast %sub3A : i32 to vector<16xi32>
      %sub3A_446 = arith.subi %sub3A_445, %shift_right_arithmetic3A_444 : vector<16xi32>
      %bitcast_convert_type3A_447 = tpu.bitcast %sub3A_446 : vector<16xi32> -> vector<16xf32>
      %mul3A_448 = arith.constant 5.000000e-01 : f32
      %mul3A_449 = vector.broadcast %mul3A_448 : f32 to vector<16xf32>
      %mul3A_450 = arith.mulf %mul3A_449, %add3A_442 : vector<16xf32>
      %mul3A_451 = arith.mulf %mul3A_450, %bitcast_convert_type3A_447 : vector<16xf32>
      %mul3A_452 = arith.mulf %mul3A_451, %bitcast_convert_type3A_447 : vector<16xf32>
      %sub3A_453 = arith.constant 1.500000e+00 : f32
      %sub3A_454 = vector.broadcast %sub3A_453 : f32 to vector<16xf32>
      %sub3A_455 = arith.subf %sub3A_454, %mul3A_452 : vector<16xf32>
      %mul3A_456 = arith.mulf %bitcast_convert_type3A_447, %sub3A_455 : vector<16xf32>
      %mul3A_457 = arith.constant 5.000000e-01 : f32
      %mul3A_458 = vector.broadcast %mul3A_457 : f32 to vector<16xf32>
      %mul3A_459 = arith.mulf %mul3A_458, %add3A_442 : vector<16xf32>
      %mul3A_460 = arith.mulf %mul3A_459, %mul3A_456 : vector<16xf32>
      %mul3A_461 = arith.mulf %mul3A_460, %mul3A_456 : vector<16xf32>
      %sub3A_462 = arith.constant 1.500000e+00 : f32
      %sub3A_463 = vector.broadcast %sub3A_462 : f32 to vector<16xf32>
      %sub3A_464 = arith.subf %sub3A_463, %mul3A_461 : vector<16xf32>
      %mul3A_465 = arith.mulf %mul3A_456, %sub3A_464 : vector<16xf32>
      %mul3A_466 = arith.constant 5.000000e-01 : f32
      %mul3A_467 = vector.broadcast %mul3A_466 : f32 to vector<16xf32>
      %mul3A_468 = arith.mulf %mul3A_467, %add3A_442 : vector<16xf32>
      %mul3A_469 = arith.mulf %mul3A_468, %mul3A_465 : vector<16xf32>
      %mul3A_470 = arith.mulf %mul3A_469, %mul3A_465 : vector<16xf32>
      %sub3A_471 = arith.constant 1.500000e+00 : f32
      %sub3A_472 = vector.broadcast %sub3A_471 : f32 to vector<16xf32>
      %sub3A_473 = arith.subf %sub3A_472, %mul3A_470 : vector<16xf32>
      %mul3A_474 = arith.mulf %mul3A_465, %sub3A_473 : vector<16xf32>
      %mul3A_475 = arith.mulf %add3A_442, %mul3A_474 : vector<16xf32>
      %neg3A = arith.constant 0.000000e+00 : f32
      %neg3A_476 = vector.broadcast %neg3A : f32 to vector<16xf32>
      %neg3A_477 = arith.subf %neg3A_476, %mul3A_475 : vector<16xf32>
      %mul3A_478 = arith.constant 16 : i32
      %mul3A_479 = arith.muli %scan3A_144, %mul3A_478 : i32
      %swap3A = arith.index_cast %mul3A_479 : i32 to index
      %swap3A_480 = tpu.vector_load %arg20[%swap3A] {strides = array<i32>} : memref<128xf32, #tpu.memory_space<vmem>>, vector<16xf32>,
      %swap3A_481 = vector.shape_cast %swap3A_480 : vector<16xf32> to vector<16xf32>
      %swap3A_482 = vector.shape_cast %neg3A_477 : vector<16xf32> to vector<16xf32>
      tpu.vector_store %arg20[%swap3A], %swap3A_482 {strides = array<i32>} : memref<128xf32, #tpu.memory_space<vmem>>, vector<16xf32>,
    }
    %scan3A_44 = arith.constant 8 : i32
    %add3A_45 = arith.constant 0 : i32
    %add3A_46 = arith.addi %multiple_of3A, %add3A_45 : i32
    %multiple_of3A_47 = tpu.assume_multiple %add3A_46, 128 : i32
    "tpu.region"() ({
      %run_scoped3A = tpu.sem_alloc : memref<!tpu.dma_semaphore, #tpu.memory_space<semaphore_mem>>
      %dma_start3A_144 = tpu.memref_slice %arg7[%multiple_of3A_47] : memref<16384xf32, #tpu.memory_space<hbm>> -> memref<128xf32, #tpu.memory_space<hbm>>
      %dma_start3A_145 = tpu.memref_slice %arg7[%multiple_of3A_47] : memref<16384xf32, #tpu.memory_space<hbm>> -> memref<128xf32, #tpu.memory_space<hbm>>
      tpu.enqueue_dma source(%arg20 : memref<128xf32, #tpu.memory_space<vmem>>) target(%dma_start3A_145 : memref<128xf32, #tpu.memory_space<hbm>>) target_semaphore(%run_scoped3A : memref<!tpu.dma_semaphore, #tpu.memory_space<semaphore_mem>>)
      %dma_wait3A_146 = tpu.memref_slice %arg7[%multiple_of3A_47] : memref<16384xf32, #tpu.memory_space<hbm>> -> memref<128xf32, #tpu.memory_space<hbm>>
      %dma_wait3A_147 = tpu.memref_slice %arg7[%multiple_of3A_47] : memref<16384xf32, #tpu.memory_space<hbm>> -> memref<128xf32, #tpu.memory_space<hbm>>
      tpu.wait_dma2 semaphore(%run_scoped3A : memref<!tpu.dma_semaphore, #tpu.memory_space<semaphore_mem>>) src(%arg20 : memref<128xf32, #tpu.memory_space<vmem>>) dst(%dma_wait3A_147 : memref<128xf32, #tpu.memory_space<hbm>>)
      tpu.yield
    }) : () -> ()
    %add3A_48 = arith.constant 256 : i32
    %add3A_49 = arith.addi %multiple_of3A, %add3A_48 : i32
    %multiple_of3A_50 = tpu.assume_multiple %add3A_49, 128 : i32
    "tpu.region"() ({
      %run_scoped3A = tpu.sem_alloc : memref<!tpu.dma_semaphore, #tpu.memory_space<semaphore_mem>>
      %dma_start3A_144 = tpu.memref_slice %arg2[%multiple_of3A_50] : memref<16384xi32, #tpu.memory_space<hbm>> -> memref<128xi32, #tpu.memory_space<hbm>>
      %dma_start3A_145 = tpu.memref_slice %arg2[%multiple_of3A_50] : memref<16384xi32, #tpu.memory_space<hbm>> -> memref<128xi32, #tpu.memory_space<hbm>>
      tpu.enqueue_dma source(%dma_start3A_145 : memref<128xi32, #tpu.memory_space<hbm>>) target(%arg8 : memref<128xi32, #tpu.memory_space<vmem>>) target_semaphore(%run_scoped3A : memref<!tpu.dma_semaphore, #tpu.memory_space<semaphore_mem>>)
      %dma_wait3A_146 = tpu.memref_slice %arg2[%multiple_of3A_50] : memref<16384xi32, #tpu.memory_space<hbm>> -> memref<128xi32, #tpu.memory_space<hbm>>
      %dma_wait3A_147 = tpu.memref_slice %arg2[%multiple_of3A_50] : memref<16384xi32, #tpu.memory_space<hbm>> -> memref<128xi32, #tpu.memory_space<hbm>>
      tpu.wait_dma2 semaphore(%run_scoped3A : memref<!tpu.dma_semaphore, #tpu.memory_space<semaphore_mem>>) src(%dma_wait3A_147 : memref<128xi32, #tpu.memory_space<hbm>>) dst(%arg8 : memref<128xi32, #tpu.memory_space<vmem>>)
      tpu.yield
    }) : () -> ()
    "tpu.region"() ({
      %run_scoped3A = tpu.sem_alloc : memref<!tpu.dma_semaphore, #tpu.memory_space<semaphore_mem>>
      %dma_start3A_144 = tpu.memref_slice %arg3[%multiple_of3A_50] : memref<16384xi32, #tpu.memory_space<hbm>> -> memref<128xi32, #tpu.memory_space<hbm>>
      %dma_start3A_145 = tpu.memref_slice %arg3[%multiple_of3A_50] : memref<16384xi32, #tpu.memory_space<hbm>> -> memref<128xi32, #tpu.memory_space<hbm>>
      tpu.enqueue_dma source(%dma_start3A_145 : memref<128xi32, #tpu.memory_space<hbm>>) target(%arg10 : memref<128xi32, #tpu.memory_space<vmem>>) target_semaphore(%run_scoped3A : memref<!tpu.dma_semaphore, #tpu.memory_space<semaphore_mem>>)
      %dma_wait3A_146 = tpu.memref_slice %arg3[%multiple_of3A_50] : memref<16384xi32, #tpu.memory_space<hbm>> -> memref<128xi32, #tpu.memory_space<hbm>>
      %dma_wait3A_147 = tpu.memref_slice %arg3[%multiple_of3A_50] : memref<16384xi32, #tpu.memory_space<hbm>> -> memref<128xi32, #tpu.memory_space<hbm>>
      tpu.wait_dma2 semaphore(%run_scoped3A : memref<!tpu.dma_semaphore, #tpu.memory_space<semaphore_mem>>) src(%dma_wait3A_147 : memref<128xi32, #tpu.memory_space<hbm>>) dst(%arg10 : memref<128xi32, #tpu.memory_space<vmem>>)
      tpu.yield
    }) : () -> ()
    "tpu.region"() ({
      %run_scoped3A = tpu.sem_alloc : memref<!tpu.dma_semaphore, #tpu.memory_space<semaphore_mem>>
      %dma_start3A_144 = tpu.memref_slice %arg4[%multiple_of3A_50] : memref<16384xi32, #tpu.memory_space<hbm>> -> memref<128xi32, #tpu.memory_space<hbm>>
      %dma_start3A_145 = tpu.memref_slice %arg4[%multiple_of3A_50] : memref<16384xi32, #tpu.memory_space<hbm>> -> memref<128xi32, #tpu.memory_space<hbm>>
      tpu.enqueue_dma source(%dma_start3A_145 : memref<128xi32, #tpu.memory_space<hbm>>) target(%arg12 : memref<128xi32, #tpu.memory_space<vmem>>) target_semaphore(%run_scoped3A : memref<!tpu.dma_semaphore, #tpu.memory_space<semaphore_mem>>)
      %dma_wait3A_146 = tpu.memref_slice %arg4[%multiple_of3A_50] : memref<16384xi32, #tpu.memory_space<hbm>> -> memref<128xi32, #tpu.memory_space<hbm>>
      %dma_wait3A_147 = tpu.memref_slice %arg4[%multiple_of3A_50] : memref<16384xi32, #tpu.memory_space<hbm>> -> memref<128xi32, #tpu.memory_space<hbm>>
      tpu.wait_dma2 semaphore(%run_scoped3A : memref<!tpu.dma_semaphore, #tpu.memory_space<semaphore_mem>>) src(%dma_wait3A_147 : memref<128xi32, #tpu.memory_space<hbm>>) dst(%arg12 : memref<128xi32, #tpu.memory_space<vmem>>)
      tpu.yield
    }) : () -> ()
    %dma_start3A_51 = arith.constant 0 : i32
    %dma_start3A_52 = arith.constant 0 : i32
    %dma_start3A_53 = tpu.memref_slice %arg5[%dma_start3A_51, %dma_start3A_52] : memref<1000000x64xf32, #tpu.memory_space<hbm>> -> memref<1000000x64xf32, #tpu.memory_space<hbm>>
    tpu.enqueue_indirect_dma source(%dma_start3A_53 : memref<1000000x64xf32, #tpu.memory_space<hbm>>) target(%arg14 : memref<128x64xf32, #tpu.memory_space<vmem>>) offsets(%arg8 : memref<128xi32, #tpu.memory_space<vmem>>) semaphore(%arg22 : memref<!tpu.dma_semaphore, #tpu.memory_space<semaphore_mem>>)
    %dma_start3A_54 = arith.constant 0 : i32
    %dma_start3A_55 = arith.constant 0 : i32
    %dma_start3A_56 = tpu.memref_slice %arg6[%dma_start3A_54, %dma_start3A_55] : memref<1000x64xf32, #tpu.memory_space<hbm>> -> memref<1000x64xf32, #tpu.memory_space<hbm>>
    tpu.enqueue_indirect_dma source(%dma_start3A_56 : memref<1000x64xf32, #tpu.memory_space<hbm>>) target(%arg16 : memref<128x64xf32, #tpu.memory_space<vmem>>) offsets(%arg10 : memref<128xi32, #tpu.memory_space<vmem>>) semaphore(%arg22 : memref<!tpu.dma_semaphore, #tpu.memory_space<semaphore_mem>>)
    %dma_start3A_57 = arith.constant 0 : i32
    %dma_start3A_58 = arith.constant 0 : i32
    %dma_start3A_59 = tpu.memref_slice %arg5[%dma_start3A_57, %dma_start3A_58] : memref<1000000x64xf32, #tpu.memory_space<hbm>> -> memref<1000000x64xf32, #tpu.memory_space<hbm>>
    tpu.enqueue_indirect_dma source(%dma_start3A_59 : memref<1000000x64xf32, #tpu.memory_space<hbm>>) target(%arg18 : memref<128x64xf32, #tpu.memory_space<vmem>>) offsets(%arg12 : memref<128xi32, #tpu.memory_space<vmem>>) semaphore(%arg22 : memref<!tpu.dma_semaphore, #tpu.memory_space<semaphore_mem>>)
    %dma_wait3A_60 = arith.constant 0 : i32
    %dma_wait3A_61 = arith.constant 0 : i32
    %dma_wait3A_62 = tpu.memref_slice %arg5[%dma_wait3A_60, %dma_wait3A_61] : memref<1000000x64xf32, #tpu.memory_space<hbm>> -> memref<1000000x64xf32, #tpu.memory_space<hbm>>
    tpu.wait_indirect_dma semaphore(%arg23 : memref<!tpu.dma_semaphore, #tpu.memory_space<semaphore_mem>>) src(%dma_wait3A_62 : memref<1000000x64xf32, #tpu.memory_space<hbm>>) dst(%arg15 : memref<128x64xf32, #tpu.memory_space<vmem>>)
    %dma_wait3A_63 = arith.constant 0 : i32
    %dma_wait3A_64 = arith.constant 0 : i32
    %dma_wait3A_65 = tpu.memref_slice %arg6[%dma_wait3A_63, %dma_wait3A_64] : memref<1000x64xf32, #tpu.memory_space<hbm>> -> memref<1000x64xf32, #tpu.memory_space<hbm>>
    tpu.wait_indirect_dma semaphore(%arg23 : memref<!tpu.dma_semaphore, #tpu.memory_space<semaphore_mem>>) src(%dma_wait3A_65 : memref<1000x64xf32, #tpu.memory_space<hbm>>) dst(%arg17 : memref<128x64xf32, #tpu.memory_space<vmem>>)
    %dma_wait3A_66 = arith.constant 0 : i32
    %dma_wait3A_67 = arith.constant 0 : i32
    %dma_wait3A_68 = tpu.memref_slice %arg5[%dma_wait3A_66, %dma_wait3A_67] : memref<1000000x64xf32, #tpu.memory_space<hbm>> -> memref<1000000x64xf32, #tpu.memory_space<hbm>>
    tpu.wait_indirect_dma semaphore(%arg23 : memref<!tpu.dma_semaphore, #tpu.memory_space<semaphore_mem>>) src(%dma_wait3A_68 : memref<1000000x64xf32, #tpu.memory_space<hbm>>) dst(%arg19 : memref<128x64xf32, #tpu.memory_space<vmem>>)
    %scan3A_69 = arith.constant 0 : i32
    %scan3A_70 = arith.constant 0 : i32
    %scan3A_71 = arith.constant 64 : i32
    %scan3A_72 = arith.addi %scan3A_70, %scan3A_71 : i32
    %scan3A_73 = arith.constant 1 : i32
    scf.for %scan3A_144 = %scan3A_70 to %scan3A_72 step %scan3A_73  : i32 {
      %shift_right_arithmetic3A = arith.constant 3 : i32
      %shift_right_arithmetic3A_145 = arith.shrsi %scan3A_144, %shift_right_arithmetic3A : i32
      %and3A = arith.constant 7 : i32
      %and3A_146 = arith.andi %scan3A_144, %and3A : i32
      %shift_left3A = arith.constant 4 : i32
      %shift_left3A_147 = arith.shli %shift_right_arithmetic3A_145, %shift_left3A : i32
      %add3A_148 = arith.addi %shift_left3A_147, %and3A_146 : i32
      %get3A = arith.index_cast %add3A_148 : i32 to index
      %get3A_149 = arith.constant 0 : index
      %get3A_150 = tpu.vector_load %arg15[%get3A, %get3A_149] {strides = array<i32>} : memref<128x64xf32, #tpu.memory_space<vmem>>, vector<1x16xf32>,
      %get3A_151 = vector.shape_cast %get3A_150 : vector<1x16xf32> to vector<16xf32>
      %get3A_152 = arith.index_cast %add3A_148 : i32 to index
      %get3A_153 = arith.constant 0 : index
      %get3A_154 = tpu.vector_load %arg17[%get3A_152, %get3A_153] {strides = array<i32>} : memref<128x64xf32, #tpu.memory_space<vmem>>, vector<1x16xf32>,
      %get3A_155 = vector.shape_cast %get3A_154 : vector<1x16xf32> to vector<16xf32>
      %get3A_156 = arith.index_cast %add3A_148 : i32 to index
      %get3A_157 = arith.constant 0 : index
      %get3A_158 = tpu.vector_load %arg19[%get3A_156, %get3A_157] {strides = array<i32>} : memref<128x64xf32, #tpu.memory_space<vmem>>, vector<1x16xf32>,
      %get3A_159 = vector.shape_cast %get3A_158 : vector<1x16xf32> to vector<16xf32>
      %add3A_160 = arith.addf %get3A_151, %get3A_155 : vector<16xf32>
      %sub3A = arith.subf %add3A_160, %get3A_159 : vector<16xf32>
      %mul3A_161 = arith.mulf %sub3A, %sub3A : vector<16xf32>
      %get3A_162 = arith.index_cast %add3A_148 : i32 to index
      %get3A_163 = arith.constant 16 : index
      %get3A_164 = tpu.vector_load %arg15[%get3A_162, %get3A_163] {strides = array<i32>} : memref<128x64xf32, #tpu.memory_space<vmem>>, vector<1x16xf32>,
      %get3A_165 = vector.shape_cast %get3A_164 : vector<1x16xf32> to vector<16xf32>
      %get3A_166 = arith.index_cast %add3A_148 : i32 to index
      %get3A_167 = arith.constant 16 : index
      %get3A_168 = tpu.vector_load %arg17[%get3A_166, %get3A_167] {strides = array<i32>} : memref<128x64xf32, #tpu.memory_space<vmem>>, vector<1x16xf32>,
      %get3A_169 = vector.shape_cast %get3A_168 : vector<1x16xf32> to vector<16xf32>
      %get3A_170 = arith.index_cast %add3A_148 : i32 to index
      %get3A_171 = arith.constant 16 : index
      %get3A_172 = tpu.vector_load %arg19[%get3A_170, %get3A_171] {strides = array<i32>} : memref<128x64xf32, #tpu.memory_space<vmem>>, vector<1x16xf32>,
      %get3A_173 = vector.shape_cast %get3A_172 : vector<1x16xf32> to vector<16xf32>
      %add3A_174 = arith.addf %get3A_165, %get3A_169 : vector<16xf32>
      %sub3A_175 = arith.subf %add3A_174, %get3A_173 : vector<16xf32>
      %mul3A_176 = arith.mulf %sub3A_175, %sub3A_175 : vector<16xf32>
      %add3A_177 = arith.addf %mul3A_161, %mul3A_176 : vector<16xf32>
      %get3A_178 = arith.index_cast %add3A_148 : i32 to index
      %get3A_179 = arith.constant 32 : index
      %get3A_180 = tpu.vector_load %arg15[%get3A_178, %get3A_179] {strides = array<i32>} : memref<128x64xf32, #tpu.memory_space<vmem>>, vector<1x16xf32>,
      %get3A_181 = vector.shape_cast %get3A_180 : vector<1x16xf32> to vector<16xf32>
      %get3A_182 = arith.index_cast %add3A_148 : i32 to index
      %get3A_183 = arith.constant 32 : index
      %get3A_184 = tpu.vector_load %arg17[%get3A_182, %get3A_183] {strides = array<i32>} : memref<128x64xf32, #tpu.memory_space<vmem>>, vector<1x16xf32>,
      %get3A_185 = vector.shape_cast %get3A_184 : vector<1x16xf32> to vector<16xf32>
      %get3A_186 = arith.index_cast %add3A_148 : i32 to index
      %get3A_187 = arith.constant 32 : index
      %get3A_188 = tpu.vector_load %arg19[%get3A_186, %get3A_187] {strides = array<i32>} : memref<128x64xf32, #tpu.memory_space<vmem>>, vector<1x16xf32>,
      %get3A_189 = vector.shape_cast %get3A_188 : vector<1x16xf32> to vector<16xf32>
      %add3A_190 = arith.addf %get3A_181, %get3A_185 : vector<16xf32>
      %sub3A_191 = arith.subf %add3A_190, %get3A_189 : vector<16xf32>
      %mul3A_192 = arith.mulf %sub3A_191, %sub3A_191 : vector<16xf32>
      %add3A_193 = arith.addf %add3A_177, %mul3A_192 : vector<16xf32>
      %get3A_194 = arith.index_cast %add3A_148 : i32 to index
      %get3A_195 = arith.constant 48 : index
      %get3A_196 = tpu.vector_load %arg15[%get3A_194, %get3A_195] {strides = array<i32>} : memref<128x64xf32, #tpu.memory_space<vmem>>, vector<1x16xf32>,
      %get3A_197 = vector.shape_cast %get3A_196 : vector<1x16xf32> to vector<16xf32>
      %get3A_198 = arith.index_cast %add3A_148 : i32 to index
      %get3A_199 = arith.constant 48 : index
      %get3A_200 = tpu.vector_load %arg17[%get3A_198, %get3A_199] {strides = array<i32>} : memref<128x64xf32, #tpu.memory_space<vmem>>, vector<1x16xf32>,
      %get3A_201 = vector.shape_cast %get3A_200 : vector<1x16xf32> to vector<16xf32>
      %get3A_202 = arith.index_cast %add3A_148 : i32 to index
      %get3A_203 = arith.constant 48 : index
      %get3A_204 = tpu.vector_load %arg19[%get3A_202, %get3A_203] {strides = array<i32>} : memref<128x64xf32, #tpu.memory_space<vmem>>, vector<1x16xf32>,
      %get3A_205 = vector.shape_cast %get3A_204 : vector<1x16xf32> to vector<16xf32>
      %add3A_206 = arith.addf %get3A_197, %get3A_201 : vector<16xf32>
      %sub3A_207 = arith.subf %add3A_206, %get3A_205 : vector<16xf32>
      %mul3A_208 = arith.mulf %sub3A_207, %sub3A_207 : vector<16xf32>
      %add3A_209 = arith.addf %add3A_193, %mul3A_208 : vector<16xf32>
      %add3A_210 = arith.constant 8 : i32
      %add3A_211 = arith.addi %add3A_148, %add3A_210 : i32
      %get3A_212 = arith.index_cast %add3A_211 : i32 to index
      %get3A_213 = arith.constant 0 : index
      %get3A_214 = tpu.vector_load %arg15[%get3A_212, %get3A_213] {strides = array<i32>} : memref<128x64xf32, #tpu.memory_space<vmem>>, vector<1x16xf32>,
      %get3A_215 = vector.shape_cast %get3A_214 : vector<1x16xf32> to vector<16xf32>
      %get3A_216 = arith.index_cast %add3A_211 : i32 to index
      %get3A_217 = arith.constant 0 : index
      %get3A_218 = tpu.vector_load %arg17[%get3A_216, %get3A_217] {strides = array<i32>} : memref<128x64xf32, #tpu.memory_space<vmem>>, vector<1x16xf32>,
      %get3A_219 = vector.shape_cast %get3A_218 : vector<1x16xf32> to vector<16xf32>
      %get3A_220 = arith.index_cast %add3A_211 : i32 to index
      %get3A_221 = arith.constant 0 : index
      %get3A_222 = tpu.vector_load %arg19[%get3A_220, %get3A_221] {strides = array<i32>} : memref<128x64xf32, #tpu.memory_space<vmem>>, vector<1x16xf32>,
      %get3A_223 = vector.shape_cast %get3A_222 : vector<1x16xf32> to vector<16xf32>
      %add3A_224 = arith.addf %get3A_215, %get3A_219 : vector<16xf32>
      %sub3A_225 = arith.subf %add3A_224, %get3A_223 : vector<16xf32>
      %mul3A_226 = arith.mulf %sub3A_225, %sub3A_225 : vector<16xf32>
      %get3A_227 = arith.index_cast %add3A_211 : i32 to index
      %get3A_228 = arith.constant 16 : index
      %get3A_229 = tpu.vector_load %arg15[%get3A_227, %get3A_228] {strides = array<i32>} : memref<128x64xf32, #tpu.memory_space<vmem>>, vector<1x16xf32>,
      %get3A_230 = vector.shape_cast %get3A_229 : vector<1x16xf32> to vector<16xf32>
      %get3A_231 = arith.index_cast %add3A_211 : i32 to index
      %get3A_232 = arith.constant 16 : index
      %get3A_233 = tpu.vector_load %arg17[%get3A_231, %get3A_232] {strides = array<i32>} : memref<128x64xf32, #tpu.memory_space<vmem>>, vector<1x16xf32>,
      %get3A_234 = vector.shape_cast %get3A_233 : vector<1x16xf32> to vector<16xf32>
      %get3A_235 = arith.index_cast %add3A_211 : i32 to index
      %get3A_236 = arith.constant 16 : index
      %get3A_237 = tpu.vector_load %arg19[%get3A_235, %get3A_236] {strides = array<i32>} : memref<128x64xf32, #tpu.memory_space<vmem>>, vector<1x16xf32>,
      %get3A_238 = vector.shape_cast %get3A_237 : vector<1x16xf32> to vector<16xf32>
      %add3A_239 = arith.addf %get3A_230, %get3A_234 : vector<16xf32>
      %sub3A_240 = arith.subf %add3A_239, %get3A_238 : vector<16xf32>
      %mul3A_241 = arith.mulf %sub3A_240, %sub3A_240 : vector<16xf32>
      %add3A_242 = arith.addf %mul3A_226, %mul3A_241 : vector<16xf32>
      %get3A_243 = arith.index_cast %add3A_211 : i32 to index
      %get3A_244 = arith.constant 32 : index
      %get3A_245 = tpu.vector_load %arg15[%get3A_243, %get3A_244] {strides = array<i32>} : memref<128x64xf32, #tpu.memory_space<vmem>>, vector<1x16xf32>,
      %get3A_246 = vector.shape_cast %get3A_245 : vector<1x16xf32> to vector<16xf32>
      %get3A_247 = arith.index_cast %add3A_211 : i32 to index
      %get3A_248 = arith.constant 32 : index
      %get3A_249 = tpu.vector_load %arg17[%get3A_247, %get3A_248] {strides = array<i32>} : memref<128x64xf32, #tpu.memory_space<vmem>>, vector<1x16xf32>,
      %get3A_250 = vector.shape_cast %get3A_249 : vector<1x16xf32> to vector<16xf32>
      %get3A_251 = arith.index_cast %add3A_211 : i32 to index
      %get3A_252 = arith.constant 32 : index
      %get3A_253 = tpu.vector_load %arg19[%get3A_251, %get3A_252] {strides = array<i32>} : memref<128x64xf32, #tpu.memory_space<vmem>>, vector<1x16xf32>,
      %get3A_254 = vector.shape_cast %get3A_253 : vector<1x16xf32> to vector<16xf32>
      %add3A_255 = arith.addf %get3A_246, %get3A_250 : vector<16xf32>
      %sub3A_256 = arith.subf %add3A_255, %get3A_254 : vector<16xf32>
      %mul3A_257 = arith.mulf %sub3A_256, %sub3A_256 : vector<16xf32>
      %add3A_258 = arith.addf %add3A_242, %mul3A_257 : vector<16xf32>
      %get3A_259 = arith.index_cast %add3A_211 : i32 to index
      %get3A_260 = arith.constant 48 : index
      %get3A_261 = tpu.vector_load %arg15[%get3A_259, %get3A_260] {strides = array<i32>} : memref<128x64xf32, #tpu.memory_space<vmem>>, vector<1x16xf32>,
      %get3A_262 = vector.shape_cast %get3A_261 : vector<1x16xf32> to vector<16xf32>
      %get3A_263 = arith.index_cast %add3A_211 : i32 to index
      %get3A_264 = arith.constant 48 : index
      %get3A_265 = tpu.vector_load %arg17[%get3A_263, %get3A_264] {strides = array<i32>} : memref<128x64xf32, #tpu.memory_space<vmem>>, vector<1x16xf32>,
      %get3A_266 = vector.shape_cast %get3A_265 : vector<1x16xf32> to vector<16xf32>
      %get3A_267 = arith.index_cast %add3A_211 : i32 to index
      %get3A_268 = arith.constant 48 : index
      %get3A_269 = tpu.vector_load %arg19[%get3A_267, %get3A_268] {strides = array<i32>} : memref<128x64xf32, #tpu.memory_space<vmem>>, vector<1x16xf32>,
      %get3A_270 = vector.shape_cast %get3A_269 : vector<1x16xf32> to vector<16xf32>
      %add3A_271 = arith.addf %get3A_262, %get3A_266 : vector<16xf32>
      %sub3A_272 = arith.subf %add3A_271, %get3A_270 : vector<16xf32>
      %mul3A_273 = arith.mulf %sub3A_272, %sub3A_272 : vector<16xf32>
      %add3A_274 = arith.addf %add3A_258, %mul3A_273 : vector<16xf32>
      %xor3A = arith.constant 8 : i32
      %xor3A_275 = vector.broadcast %xor3A : i32 to vector<16xi32>
      %xor3A_276 = arith.xori %iota3A, %xor3A_275 : vector<16xi32>
      %lt3A = arith.constant 0 : i32
      %lt3A_277 = vector.broadcast %lt3A : i32 to vector<16xi32>
      %lt3A_278 = arith.cmpi slt, %xor3A_276, %lt3A_277 : vector<16xi32>
      %add3A_279 = arith.constant 16 : i32
      %add3A_280 = vector.broadcast %add3A_279 : i32 to vector<16xi32>
      %add3A_281 = arith.addi %xor3A_276, %add3A_280 : vector<16xi32>
      %select_n3A = arith.select %lt3A_278, %add3A_281, %xor3A_276 : vector<16xi1>, vector<16xi32>
      %broadcast_in_dim3A = vector.shape_cast %select_n3A : vector<16xi32> to vector<16x1xi32>
      %gather3A = vector.shape_cast %broadcast_in_dim3A : vector<16x1xi32> to vector<16xi32>
      %gather3A_282 = tpu.dynamic_gather %add3A_209[%gather3A] in [0] : vector<16xf32>, vector<16xi32> -> vector<16xf32>
      %xor3A_283 = arith.constant 8 : i32
      %xor3A_284 = vector.broadcast %xor3A_283 : i32 to vector<16xi32>
      %xor3A_285 = arith.xori %iota3A, %xor3A_284 : vector<16xi32>
      %lt3A_286 = arith.constant 0 : i32
      %lt3A_287 = vector.broadcast %lt3A_286 : i32 to vector<16xi32>
      %lt3A_288 = arith.cmpi slt, %xor3A_285, %lt3A_287 : vector<16xi32>
      %add3A_289 = arith.constant 16 : i32
      %add3A_290 = vector.broadcast %add3A_289 : i32 to vector<16xi32>
      %add3A_291 = arith.addi %xor3A_285, %add3A_290 : vector<16xi32>
      %select_n3A_292 = arith.select %lt3A_288, %add3A_291, %xor3A_285 : vector<16xi1>, vector<16xi32>
      %broadcast_in_dim3A_293 = vector.shape_cast %select_n3A_292 : vector<16xi32> to vector<16x1xi32>
      %gather3A_294 = vector.shape_cast %broadcast_in_dim3A_293 : vector<16x1xi32> to vector<16xi32>
      %gather3A_295 = tpu.dynamic_gather %add3A_274[%gather3A_294] in [0] : vector<16xf32>, vector<16xi32> -> vector<16xf32>
      %and3A_296 = arith.constant 8 : i32
      %and3A_297 = vector.broadcast %and3A_296 : i32 to vector<16xi32>
      %and3A_298 = arith.andi %iota3A, %and3A_297 : vector<16xi32>
      %eq3A = arith.constant 0 : i32
      %eq3A_299 = vector.broadcast %eq3A : i32 to vector<16xi32>
      %eq3A_300 = arith.cmpi eq, %and3A_298, %eq3A_299 : vector<16xi32>
      %add3A_301 = arith.addf %add3A_209, %gather3A_282 : vector<16xf32>
      %add3A_302 = arith.addf %add3A_274, %gather3A_295 : vector<16xf32>
      %select_n3A_303 = arith.select %eq3A_300, %add3A_301, %add3A_302 : vector<16xi1>, vector<16xf32>
      %mul3A_304 = arith.constant 16 : i32
      %mul3A_305 = arith.muli %scan3A_144, %mul3A_304 : i32
      %swap3A = arith.index_cast %mul3A_305 : i32 to index
      %swap3A_306 = tpu.vector_load %arg21[%swap3A] {strides = array<i32>} : memref<1024xf32, #tpu.memory_space<vmem>>, vector<16xf32>,
      %swap3A_307 = vector.shape_cast %swap3A_306 : vector<16xf32> to vector<16xf32>
      %swap3A_308 = vector.shape_cast %select_n3A_303 : vector<16xf32> to vector<16xf32>
      tpu.vector_store %arg21[%swap3A], %swap3A_308 {strides = array<i32>} : memref<1024xf32, #tpu.memory_space<vmem>>, vector<16xf32>,
    }
    %scan3A_74 = arith.constant 64 : i32
    %scan3A_75 = arith.constant 0 : i32
    %scan3A_76 = arith.constant 0 : i32
    %scan3A_77 = arith.constant 8 : i32
    %scan3A_78 = arith.addi %scan3A_76, %scan3A_77 : i32
    %scan3A_79 = arith.constant 1 : i32
    scf.for %scan3A_144 = %scan3A_76 to %scan3A_78 step %scan3A_79  : i32 {
      %mul3A_145 = arith.constant 8 : i32
      %mul3A_146 = arith.muli %scan3A_144, %mul3A_145 : i32
      %add3A_147 = arith.constant 0 : i32
      %add3A_148 = arith.addi %mul3A_146, %add3A_147 : i32
      %mul3A_149 = arith.constant 16 : i32
      %mul3A_150 = arith.muli %add3A_148, %mul3A_149 : i32
      %get3A = arith.index_cast %mul3A_150 : i32 to index
      %get3A_151 = tpu.vector_load %arg21[%get3A] {strides = array<i32>} : memref<1024xf32, #tpu.memory_space<vmem>>, vector<16xf32>,
      %get3A_152 = vector.shape_cast %get3A_151 : vector<16xf32> to vector<16xf32>
      %add3A_153 = arith.constant 1 : i32
      %add3A_154 = arith.addi %mul3A_146, %add3A_153 : i32
      %mul3A_155 = arith.constant 16 : i32
      %mul3A_156 = arith.muli %add3A_154, %mul3A_155 : i32
      %get3A_157 = arith.index_cast %mul3A_156 : i32 to index
      %get3A_158 = tpu.vector_load %arg21[%get3A_157] {strides = array<i32>} : memref<1024xf32, #tpu.memory_space<vmem>>, vector<16xf32>,
      %get3A_159 = vector.shape_cast %get3A_158 : vector<16xf32> to vector<16xf32>
      %add3A_160 = arith.constant 2 : i32
      %add3A_161 = arith.addi %mul3A_146, %add3A_160 : i32
      %mul3A_162 = arith.constant 16 : i32
      %mul3A_163 = arith.muli %add3A_161, %mul3A_162 : i32
      %get3A_164 = arith.index_cast %mul3A_163 : i32 to index
      %get3A_165 = tpu.vector_load %arg21[%get3A_164] {strides = array<i32>} : memref<1024xf32, #tpu.memory_space<vmem>>, vector<16xf32>,
      %get3A_166 = vector.shape_cast %get3A_165 : vector<16xf32> to vector<16xf32>
      %add3A_167 = arith.constant 3 : i32
      %add3A_168 = arith.addi %mul3A_146, %add3A_167 : i32
      %mul3A_169 = arith.constant 16 : i32
      %mul3A_170 = arith.muli %add3A_168, %mul3A_169 : i32
      %get3A_171 = arith.index_cast %mul3A_170 : i32 to index
      %get3A_172 = tpu.vector_load %arg21[%get3A_171] {strides = array<i32>} : memref<1024xf32, #tpu.memory_space<vmem>>, vector<16xf32>,
      %get3A_173 = vector.shape_cast %get3A_172 : vector<16xf32> to vector<16xf32>
      %add3A_174 = arith.constant 4 : i32
      %add3A_175 = arith.addi %mul3A_146, %add3A_174 : i32
      %mul3A_176 = arith.constant 16 : i32
      %mul3A_177 = arith.muli %add3A_175, %mul3A_176 : i32
      %get3A_178 = arith.index_cast %mul3A_177 : i32 to index
      %get3A_179 = tpu.vector_load %arg21[%get3A_178] {strides = array<i32>} : memref<1024xf32, #tpu.memory_space<vmem>>, vector<16xf32>,
      %get3A_180 = vector.shape_cast %get3A_179 : vector<16xf32> to vector<16xf32>
      %add3A_181 = arith.constant 5 : i32
      %add3A_182 = arith.addi %mul3A_146, %add3A_181 : i32
      %mul3A_183 = arith.constant 16 : i32
      %mul3A_184 = arith.muli %add3A_182, %mul3A_183 : i32
      %get3A_185 = arith.index_cast %mul3A_184 : i32 to index
      %get3A_186 = tpu.vector_load %arg21[%get3A_185] {strides = array<i32>} : memref<1024xf32, #tpu.memory_space<vmem>>, vector<16xf32>,
      %get3A_187 = vector.shape_cast %get3A_186 : vector<16xf32> to vector<16xf32>
      %add3A_188 = arith.constant 6 : i32
      %add3A_189 = arith.addi %mul3A_146, %add3A_188 : i32
      %mul3A_190 = arith.constant 16 : i32
      %mul3A_191 = arith.muli %add3A_189, %mul3A_190 : i32
      %get3A_192 = arith.index_cast %mul3A_191 : i32 to index
      %get3A_193 = tpu.vector_load %arg21[%get3A_192] {strides = array<i32>} : memref<1024xf32, #tpu.memory_space<vmem>>, vector<16xf32>,
      %get3A_194 = vector.shape_cast %get3A_193 : vector<16xf32> to vector<16xf32>
      %add3A_195 = arith.constant 7 : i32
      %add3A_196 = arith.addi %mul3A_146, %add3A_195 : i32
      %mul3A_197 = arith.constant 16 : i32
      %mul3A_198 = arith.muli %add3A_196, %mul3A_197 : i32
      %get3A_199 = arith.index_cast %mul3A_198 : i32 to index
      %get3A_200 = tpu.vector_load %arg21[%get3A_199] {strides = array<i32>} : memref<1024xf32, #tpu.memory_space<vmem>>, vector<16xf32>,
      %get3A_201 = vector.shape_cast %get3A_200 : vector<16xf32> to vector<16xf32>
      %xor3A = arith.constant 4 : i32
      %xor3A_202 = vector.broadcast %xor3A : i32 to vector<16xi32>
      %xor3A_203 = arith.xori %iota3A, %xor3A_202 : vector<16xi32>
      %lt3A = arith.constant 0 : i32
      %lt3A_204 = vector.broadcast %lt3A : i32 to vector<16xi32>
      %lt3A_205 = arith.cmpi slt, %xor3A_203, %lt3A_204 : vector<16xi32>
      %add3A_206 = arith.constant 16 : i32
      %add3A_207 = vector.broadcast %add3A_206 : i32 to vector<16xi32>
      %add3A_208 = arith.addi %xor3A_203, %add3A_207 : vector<16xi32>
      %select_n3A = arith.select %lt3A_205, %add3A_208, %xor3A_203 : vector<16xi1>, vector<16xi32>
      %broadcast_in_dim3A = vector.shape_cast %select_n3A : vector<16xi32> to vector<16x1xi32>
      %gather3A = vector.shape_cast %broadcast_in_dim3A : vector<16x1xi32> to vector<16xi32>
      %gather3A_209 = tpu.dynamic_gather %get3A_152[%gather3A] in [0] : vector<16xf32>, vector<16xi32> -> vector<16xf32>
      %xor3A_210 = arith.constant 4 : i32
      %xor3A_211 = vector.broadcast %xor3A_210 : i32 to vector<16xi32>
      %xor3A_212 = arith.xori %iota3A, %xor3A_211 : vector<16xi32>
      %lt3A_213 = arith.constant 0 : i32
      %lt3A_214 = vector.broadcast %lt3A_213 : i32 to vector<16xi32>
      %lt3A_215 = arith.cmpi slt, %xor3A_212, %lt3A_214 : vector<16xi32>
      %add3A_216 = arith.constant 16 : i32
      %add3A_217 = vector.broadcast %add3A_216 : i32 to vector<16xi32>
      %add3A_218 = arith.addi %xor3A_212, %add3A_217 : vector<16xi32>
      %select_n3A_219 = arith.select %lt3A_215, %add3A_218, %xor3A_212 : vector<16xi1>, vector<16xi32>
      %broadcast_in_dim3A_220 = vector.shape_cast %select_n3A_219 : vector<16xi32> to vector<16x1xi32>
      %gather3A_221 = vector.shape_cast %broadcast_in_dim3A_220 : vector<16x1xi32> to vector<16xi32>
      %gather3A_222 = tpu.dynamic_gather %get3A_180[%gather3A_221] in [0] : vector<16xf32>, vector<16xi32> -> vector<16xf32>
      %and3A = arith.constant 4 : i32
      %and3A_223 = vector.broadcast %and3A : i32 to vector<16xi32>
      %and3A_224 = arith.andi %iota3A, %and3A_223 : vector<16xi32>
      %eq3A = arith.constant 0 : i32
      %eq3A_225 = vector.broadcast %eq3A : i32 to vector<16xi32>
      %eq3A_226 = arith.cmpi eq, %and3A_224, %eq3A_225 : vector<16xi32>
      %add3A_227 = arith.addf %get3A_152, %gather3A_209 : vector<16xf32>
      %add3A_228 = arith.addf %get3A_180, %gather3A_222 : vector<16xf32>
      %select_n3A_229 = arith.select %eq3A_226, %add3A_227, %add3A_228 : vector<16xi1>, vector<16xf32>
      %xor3A_230 = arith.constant 4 : i32
      %xor3A_231 = vector.broadcast %xor3A_230 : i32 to vector<16xi32>
      %xor3A_232 = arith.xori %iota3A, %xor3A_231 : vector<16xi32>
      %lt3A_233 = arith.constant 0 : i32
      %lt3A_234 = vector.broadcast %lt3A_233 : i32 to vector<16xi32>
      %lt3A_235 = arith.cmpi slt, %xor3A_232, %lt3A_234 : vector<16xi32>
      %add3A_236 = arith.constant 16 : i32
      %add3A_237 = vector.broadcast %add3A_236 : i32 to vector<16xi32>
      %add3A_238 = arith.addi %xor3A_232, %add3A_237 : vector<16xi32>
      %select_n3A_239 = arith.select %lt3A_235, %add3A_238, %xor3A_232 : vector<16xi1>, vector<16xi32>
      %broadcast_in_dim3A_240 = vector.shape_cast %select_n3A_239 : vector<16xi32> to vector<16x1xi32>
      %gather3A_241 = vector.shape_cast %broadcast_in_dim3A_240 : vector<16x1xi32> to vector<16xi32>
      %gather3A_242 = tpu.dynamic_gather %get3A_159[%gather3A_241] in [0] : vector<16xf32>, vector<16xi32> -> vector<16xf32>
      %xor3A_243 = arith.constant 4 : i32
      %xor3A_244 = vector.broadcast %xor3A_243 : i32 to vector<16xi32>
      %xor3A_245 = arith.xori %iota3A, %xor3A_244 : vector<16xi32>
      %lt3A_246 = arith.constant 0 : i32
      %lt3A_247 = vector.broadcast %lt3A_246 : i32 to vector<16xi32>
      %lt3A_248 = arith.cmpi slt, %xor3A_245, %lt3A_247 : vector<16xi32>
      %add3A_249 = arith.constant 16 : i32
      %add3A_250 = vector.broadcast %add3A_249 : i32 to vector<16xi32>
      %add3A_251 = arith.addi %xor3A_245, %add3A_250 : vector<16xi32>
      %select_n3A_252 = arith.select %lt3A_248, %add3A_251, %xor3A_245 : vector<16xi1>, vector<16xi32>
      %broadcast_in_dim3A_253 = vector.shape_cast %select_n3A_252 : vector<16xi32> to vector<16x1xi32>
      %gather3A_254 = vector.shape_cast %broadcast_in_dim3A_253 : vector<16x1xi32> to vector<16xi32>
      %gather3A_255 = tpu.dynamic_gather %get3A_187[%gather3A_254] in [0] : vector<16xf32>, vector<16xi32> -> vector<16xf32>
      %and3A_256 = arith.constant 4 : i32
      %and3A_257 = vector.broadcast %and3A_256 : i32 to vector<16xi32>
      %and3A_258 = arith.andi %iota3A, %and3A_257 : vector<16xi32>
      %eq3A_259 = arith.constant 0 : i32
      %eq3A_260 = vector.broadcast %eq3A_259 : i32 to vector<16xi32>
      %eq3A_261 = arith.cmpi eq, %and3A_258, %eq3A_260 : vector<16xi32>
      %add3A_262 = arith.addf %get3A_159, %gather3A_242 : vector<16xf32>
      %add3A_263 = arith.addf %get3A_187, %gather3A_255 : vector<16xf32>
      %select_n3A_264 = arith.select %eq3A_261, %add3A_262, %add3A_263 : vector<16xi1>, vector<16xf32>
      %xor3A_265 = arith.constant 4 : i32
      %xor3A_266 = vector.broadcast %xor3A_265 : i32 to vector<16xi32>
      %xor3A_267 = arith.xori %iota3A, %xor3A_266 : vector<16xi32>
      %lt3A_268 = arith.constant 0 : i32
      %lt3A_269 = vector.broadcast %lt3A_268 : i32 to vector<16xi32>
      %lt3A_270 = arith.cmpi slt, %xor3A_267, %lt3A_269 : vector<16xi32>
      %add3A_271 = arith.constant 16 : i32
      %add3A_272 = vector.broadcast %add3A_271 : i32 to vector<16xi32>
      %add3A_273 = arith.addi %xor3A_267, %add3A_272 : vector<16xi32>
      %select_n3A_274 = arith.select %lt3A_270, %add3A_273, %xor3A_267 : vector<16xi1>, vector<16xi32>
      %broadcast_in_dim3A_275 = vector.shape_cast %select_n3A_274 : vector<16xi32> to vector<16x1xi32>
      %gather3A_276 = vector.shape_cast %broadcast_in_dim3A_275 : vector<16x1xi32> to vector<16xi32>
      %gather3A_277 = tpu.dynamic_gather %get3A_166[%gather3A_276] in [0] : vector<16xf32>, vector<16xi32> -> vector<16xf32>
      %xor3A_278 = arith.constant 4 : i32
      %xor3A_279 = vector.broadcast %xor3A_278 : i32 to vector<16xi32>
      %xor3A_280 = arith.xori %iota3A, %xor3A_279 : vector<16xi32>
      %lt3A_281 = arith.constant 0 : i32
      %lt3A_282 = vector.broadcast %lt3A_281 : i32 to vector<16xi32>
      %lt3A_283 = arith.cmpi slt, %xor3A_280, %lt3A_282 : vector<16xi32>
      %add3A_284 = arith.constant 16 : i32
      %add3A_285 = vector.broadcast %add3A_284 : i32 to vector<16xi32>
      %add3A_286 = arith.addi %xor3A_280, %add3A_285 : vector<16xi32>
      %select_n3A_287 = arith.select %lt3A_283, %add3A_286, %xor3A_280 : vector<16xi1>, vector<16xi32>
      %broadcast_in_dim3A_288 = vector.shape_cast %select_n3A_287 : vector<16xi32> to vector<16x1xi32>
      %gather3A_289 = vector.shape_cast %broadcast_in_dim3A_288 : vector<16x1xi32> to vector<16xi32>
      %gather3A_290 = tpu.dynamic_gather %get3A_194[%gather3A_289] in [0] : vector<16xf32>, vector<16xi32> -> vector<16xf32>
      %and3A_291 = arith.constant 4 : i32
      %and3A_292 = vector.broadcast %and3A_291 : i32 to vector<16xi32>
      %and3A_293 = arith.andi %iota3A, %and3A_292 : vector<16xi32>
      %eq3A_294 = arith.constant 0 : i32
      %eq3A_295 = vector.broadcast %eq3A_294 : i32 to vector<16xi32>
      %eq3A_296 = arith.cmpi eq, %and3A_293, %eq3A_295 : vector<16xi32>
      %add3A_297 = arith.addf %get3A_166, %gather3A_277 : vector<16xf32>
      %add3A_298 = arith.addf %get3A_194, %gather3A_290 : vector<16xf32>
      %select_n3A_299 = arith.select %eq3A_296, %add3A_297, %add3A_298 : vector<16xi1>, vector<16xf32>
      %xor3A_300 = arith.constant 4 : i32
      %xor3A_301 = vector.broadcast %xor3A_300 : i32 to vector<16xi32>
      %xor3A_302 = arith.xori %iota3A, %xor3A_301 : vector<16xi32>
      %lt3A_303 = arith.constant 0 : i32
      %lt3A_304 = vector.broadcast %lt3A_303 : i32 to vector<16xi32>
      %lt3A_305 = arith.cmpi slt, %xor3A_302, %lt3A_304 : vector<16xi32>
      %add3A_306 = arith.constant 16 : i32
      %add3A_307 = vector.broadcast %add3A_306 : i32 to vector<16xi32>
      %add3A_308 = arith.addi %xor3A_302, %add3A_307 : vector<16xi32>
      %select_n3A_309 = arith.select %lt3A_305, %add3A_308, %xor3A_302 : vector<16xi1>, vector<16xi32>
      %broadcast_in_dim3A_310 = vector.shape_cast %select_n3A_309 : vector<16xi32> to vector<16x1xi32>
      %gather3A_311 = vector.shape_cast %broadcast_in_dim3A_310 : vector<16x1xi32> to vector<16xi32>
      %gather3A_312 = tpu.dynamic_gather %get3A_173[%gather3A_311] in [0] : vector<16xf32>, vector<16xi32> -> vector<16xf32>
      %xor3A_313 = arith.constant 4 : i32
      %xor3A_314 = vector.broadcast %xor3A_313 : i32 to vector<16xi32>
      %xor3A_315 = arith.xori %iota3A, %xor3A_314 : vector<16xi32>
      %lt3A_316 = arith.constant 0 : i32
      %lt3A_317 = vector.broadcast %lt3A_316 : i32 to vector<16xi32>
      %lt3A_318 = arith.cmpi slt, %xor3A_315, %lt3A_317 : vector<16xi32>
      %add3A_319 = arith.constant 16 : i32
      %add3A_320 = vector.broadcast %add3A_319 : i32 to vector<16xi32>
      %add3A_321 = arith.addi %xor3A_315, %add3A_320 : vector<16xi32>
      %select_n3A_322 = arith.select %lt3A_318, %add3A_321, %xor3A_315 : vector<16xi1>, vector<16xi32>
      %broadcast_in_dim3A_323 = vector.shape_cast %select_n3A_322 : vector<16xi32> to vector<16x1xi32>
      %gather3A_324 = vector.shape_cast %broadcast_in_dim3A_323 : vector<16x1xi32> to vector<16xi32>
      %gather3A_325 = tpu.dynamic_gather %get3A_201[%gather3A_324] in [0] : vector<16xf32>, vector<16xi32> -> vector<16xf32>
      %and3A_326 = arith.constant 4 : i32
      %and3A_327 = vector.broadcast %and3A_326 : i32 to vector<16xi32>
      %and3A_328 = arith.andi %iota3A, %and3A_327 : vector<16xi32>
      %eq3A_329 = arith.constant 0 : i32
      %eq3A_330 = vector.broadcast %eq3A_329 : i32 to vector<16xi32>
      %eq3A_331 = arith.cmpi eq, %and3A_328, %eq3A_330 : vector<16xi32>
      %add3A_332 = arith.addf %get3A_173, %gather3A_312 : vector<16xf32>
      %add3A_333 = arith.addf %get3A_201, %gather3A_325 : vector<16xf32>
      %select_n3A_334 = arith.select %eq3A_331, %add3A_332, %add3A_333 : vector<16xi1>, vector<16xf32>
      %xor3A_335 = arith.constant 2 : i32
      %xor3A_336 = vector.broadcast %xor3A_335 : i32 to vector<16xi32>
      %xor3A_337 = arith.xori %iota3A, %xor3A_336 : vector<16xi32>
      %lt3A_338 = arith.constant 0 : i32
      %lt3A_339 = vector.broadcast %lt3A_338 : i32 to vector<16xi32>
      %lt3A_340 = arith.cmpi slt, %xor3A_337, %lt3A_339 : vector<16xi32>
      %add3A_341 = arith.constant 16 : i32
      %add3A_342 = vector.broadcast %add3A_341 : i32 to vector<16xi32>
      %add3A_343 = arith.addi %xor3A_337, %add3A_342 : vector<16xi32>
      %select_n3A_344 = arith.select %lt3A_340, %add3A_343, %xor3A_337 : vector<16xi1>, vector<16xi32>
      %broadcast_in_dim3A_345 = vector.shape_cast %select_n3A_344 : vector<16xi32> to vector<16x1xi32>
      %gather3A_346 = vector.shape_cast %broadcast_in_dim3A_345 : vector<16x1xi32> to vector<16xi32>
      %gather3A_347 = tpu.dynamic_gather %select_n3A_229[%gather3A_346] in [0] : vector<16xf32>, vector<16xi32> -> vector<16xf32>
      %xor3A_348 = arith.constant 2 : i32
      %xor3A_349 = vector.broadcast %xor3A_348 : i32 to vector<16xi32>
      %xor3A_350 = arith.xori %iota3A, %xor3A_349 : vector<16xi32>
      %lt3A_351 = arith.constant 0 : i32
      %lt3A_352 = vector.broadcast %lt3A_351 : i32 to vector<16xi32>
      %lt3A_353 = arith.cmpi slt, %xor3A_350, %lt3A_352 : vector<16xi32>
      %add3A_354 = arith.constant 16 : i32
      %add3A_355 = vector.broadcast %add3A_354 : i32 to vector<16xi32>
      %add3A_356 = arith.addi %xor3A_350, %add3A_355 : vector<16xi32>
      %select_n3A_357 = arith.select %lt3A_353, %add3A_356, %xor3A_350 : vector<16xi1>, vector<16xi32>
      %broadcast_in_dim3A_358 = vector.shape_cast %select_n3A_357 : vector<16xi32> to vector<16x1xi32>
      %gather3A_359 = vector.shape_cast %broadcast_in_dim3A_358 : vector<16x1xi32> to vector<16xi32>
      %gather3A_360 = tpu.dynamic_gather %select_n3A_299[%gather3A_359] in [0] : vector<16xf32>, vector<16xi32> -> vector<16xf32>
      %and3A_361 = arith.constant 2 : i32
      %and3A_362 = vector.broadcast %and3A_361 : i32 to vector<16xi32>
      %and3A_363 = arith.andi %iota3A, %and3A_362 : vector<16xi32>
      %eq3A_364 = arith.constant 0 : i32
      %eq3A_365 = vector.broadcast %eq3A_364 : i32 to vector<16xi32>
      %eq3A_366 = arith.cmpi eq, %and3A_363, %eq3A_365 : vector<16xi32>
      %add3A_367 = arith.addf %select_n3A_229, %gather3A_347 : vector<16xf32>
      %add3A_368 = arith.addf %select_n3A_299, %gather3A_360 : vector<16xf32>
      %select_n3A_369 = arith.select %eq3A_366, %add3A_367, %add3A_368 : vector<16xi1>, vector<16xf32>
      %xor3A_370 = arith.constant 2 : i32
      %xor3A_371 = vector.broadcast %xor3A_370 : i32 to vector<16xi32>
      %xor3A_372 = arith.xori %iota3A, %xor3A_371 : vector<16xi32>
      %lt3A_373 = arith.constant 0 : i32
      %lt3A_374 = vector.broadcast %lt3A_373 : i32 to vector<16xi32>
      %lt3A_375 = arith.cmpi slt, %xor3A_372, %lt3A_374 : vector<16xi32>
      %add3A_376 = arith.constant 16 : i32
      %add3A_377 = vector.broadcast %add3A_376 : i32 to vector<16xi32>
      %add3A_378 = arith.addi %xor3A_372, %add3A_377 : vector<16xi32>
      %select_n3A_379 = arith.select %lt3A_375, %add3A_378, %xor3A_372 : vector<16xi1>, vector<16xi32>
      %broadcast_in_dim3A_380 = vector.shape_cast %select_n3A_379 : vector<16xi32> to vector<16x1xi32>
      %gather3A_381 = vector.shape_cast %broadcast_in_dim3A_380 : vector<16x1xi32> to vector<16xi32>
      %gather3A_382 = tpu.dynamic_gather %select_n3A_264[%gather3A_381] in [0] : vector<16xf32>, vector<16xi32> -> vector<16xf32>
      %xor3A_383 = arith.constant 2 : i32
      %xor3A_384 = vector.broadcast %xor3A_383 : i32 to vector<16xi32>
      %xor3A_385 = arith.xori %iota3A, %xor3A_384 : vector<16xi32>
      %lt3A_386 = arith.constant 0 : i32
      %lt3A_387 = vector.broadcast %lt3A_386 : i32 to vector<16xi32>
      %lt3A_388 = arith.cmpi slt, %xor3A_385, %lt3A_387 : vector<16xi32>
      %add3A_389 = arith.constant 16 : i32
      %add3A_390 = vector.broadcast %add3A_389 : i32 to vector<16xi32>
      %add3A_391 = arith.addi %xor3A_385, %add3A_390 : vector<16xi32>
      %select_n3A_392 = arith.select %lt3A_388, %add3A_391, %xor3A_385 : vector<16xi1>, vector<16xi32>
      %broadcast_in_dim3A_393 = vector.shape_cast %select_n3A_392 : vector<16xi32> to vector<16x1xi32>
      %gather3A_394 = vector.shape_cast %broadcast_in_dim3A_393 : vector<16x1xi32> to vector<16xi32>
      %gather3A_395 = tpu.dynamic_gather %select_n3A_334[%gather3A_394] in [0] : vector<16xf32>, vector<16xi32> -> vector<16xf32>
      %and3A_396 = arith.constant 2 : i32
      %and3A_397 = vector.broadcast %and3A_396 : i32 to vector<16xi32>
      %and3A_398 = arith.andi %iota3A, %and3A_397 : vector<16xi32>
      %eq3A_399 = arith.constant 0 : i32
      %eq3A_400 = vector.broadcast %eq3A_399 : i32 to vector<16xi32>
      %eq3A_401 = arith.cmpi eq, %and3A_398, %eq3A_400 : vector<16xi32>
      %add3A_402 = arith.addf %select_n3A_264, %gather3A_382 : vector<16xf32>
      %add3A_403 = arith.addf %select_n3A_334, %gather3A_395 : vector<16xf32>
      %select_n3A_404 = arith.select %eq3A_401, %add3A_402, %add3A_403 : vector<16xi1>, vector<16xf32>
      %xor3A_405 = arith.constant 1 : i32
      %xor3A_406 = vector.broadcast %xor3A_405 : i32 to vector<16xi32>
      %xor3A_407 = arith.xori %iota3A, %xor3A_406 : vector<16xi32>
      %lt3A_408 = arith.constant 0 : i32
      %lt3A_409 = vector.broadcast %lt3A_408 : i32 to vector<16xi32>
      %lt3A_410 = arith.cmpi slt, %xor3A_407, %lt3A_409 : vector<16xi32>
      %add3A_411 = arith.constant 16 : i32
      %add3A_412 = vector.broadcast %add3A_411 : i32 to vector<16xi32>
      %add3A_413 = arith.addi %xor3A_407, %add3A_412 : vector<16xi32>
      %select_n3A_414 = arith.select %lt3A_410, %add3A_413, %xor3A_407 : vector<16xi1>, vector<16xi32>
      %broadcast_in_dim3A_415 = vector.shape_cast %select_n3A_414 : vector<16xi32> to vector<16x1xi32>
      %gather3A_416 = vector.shape_cast %broadcast_in_dim3A_415 : vector<16x1xi32> to vector<16xi32>
      %gather3A_417 = tpu.dynamic_gather %select_n3A_369[%gather3A_416] in [0] : vector<16xf32>, vector<16xi32> -> vector<16xf32>
      %xor3A_418 = arith.constant 1 : i32
      %xor3A_419 = vector.broadcast %xor3A_418 : i32 to vector<16xi32>
      %xor3A_420 = arith.xori %iota3A, %xor3A_419 : vector<16xi32>
      %lt3A_421 = arith.constant 0 : i32
      %lt3A_422 = vector.broadcast %lt3A_421 : i32 to vector<16xi32>
      %lt3A_423 = arith.cmpi slt, %xor3A_420, %lt3A_422 : vector<16xi32>
      %add3A_424 = arith.constant 16 : i32
      %add3A_425 = vector.broadcast %add3A_424 : i32 to vector<16xi32>
      %add3A_426 = arith.addi %xor3A_420, %add3A_425 : vector<16xi32>
      %select_n3A_427 = arith.select %lt3A_423, %add3A_426, %xor3A_420 : vector<16xi1>, vector<16xi32>
      %broadcast_in_dim3A_428 = vector.shape_cast %select_n3A_427 : vector<16xi32> to vector<16x1xi32>
      %gather3A_429 = vector.shape_cast %broadcast_in_dim3A_428 : vector<16x1xi32> to vector<16xi32>
      %gather3A_430 = tpu.dynamic_gather %select_n3A_404[%gather3A_429] in [0] : vector<16xf32>, vector<16xi32> -> vector<16xf32>
      %and3A_431 = arith.constant 1 : i32
      %and3A_432 = vector.broadcast %and3A_431 : i32 to vector<16xi32>
      %and3A_433 = arith.andi %iota3A, %and3A_432 : vector<16xi32>
      %eq3A_434 = arith.constant 0 : i32
      %eq3A_435 = vector.broadcast %eq3A_434 : i32 to vector<16xi32>
      %eq3A_436 = arith.cmpi eq, %and3A_433, %eq3A_435 : vector<16xi32>
      %add3A_437 = arith.addf %select_n3A_369, %gather3A_417 : vector<16xf32>
      %add3A_438 = arith.addf %select_n3A_404, %gather3A_430 : vector<16xf32>
      %select_n3A_439 = arith.select %eq3A_436, %add3A_437, %add3A_438 : vector<16xi1>, vector<16xf32>
      %add3A_440 = arith.constant 9.99999996E-13 : f32
      %add3A_441 = vector.broadcast %add3A_440 : f32 to vector<16xf32>
      %add3A_442 = arith.addf %select_n3A_439, %add3A_441 : vector<16xf32>
      %bitcast_convert_type3A = tpu.bitcast %add3A_442 : vector<16xf32> -> vector<16xi32>
      %shift_right_arithmetic3A = arith.constant 1 : i32
      %shift_right_arithmetic3A_443 = vector.broadcast %shift_right_arithmetic3A : i32 to vector<16xi32>
      %shift_right_arithmetic3A_444 = arith.shrsi %bitcast_convert_type3A, %shift_right_arithmetic3A_443 : vector<16xi32>
      %sub3A = arith.constant 1597463007 : i32
      %sub3A_445 = vector.broadcast %sub3A : i32 to vector<16xi32>
      %sub3A_446 = arith.subi %sub3A_445, %shift_right_arithmetic3A_444 : vector<16xi32>
      %bitcast_convert_type3A_447 = tpu.bitcast %sub3A_446 : vector<16xi32> -> vector<16xf32>
      %mul3A_448 = arith.constant 5.000000e-01 : f32
      %mul3A_449 = vector.broadcast %mul3A_448 : f32 to vector<16xf32>
      %mul3A_450 = arith.mulf %mul3A_449, %add3A_442 : vector<16xf32>
      %mul3A_451 = arith.mulf %mul3A_450, %bitcast_convert_type3A_447 : vector<16xf32>
      %mul3A_452 = arith.mulf %mul3A_451, %bitcast_convert_type3A_447 : vector<16xf32>
      %sub3A_453 = arith.constant 1.500000e+00 : f32
      %sub3A_454 = vector.broadcast %sub3A_453 : f32 to vector<16xf32>
      %sub3A_455 = arith.subf %sub3A_454, %mul3A_452 : vector<16xf32>
      %mul3A_456 = arith.mulf %bitcast_convert_type3A_447, %sub3A_455 : vector<16xf32>
      %mul3A_457 = arith.constant 5.000000e-01 : f32
      %mul3A_458 = vector.broadcast %mul3A_457 : f32 to vector<16xf32>
      %mul3A_459 = arith.mulf %mul3A_458, %add3A_442 : vector<16xf32>
      %mul3A_460 = arith.mulf %mul3A_459, %mul3A_456 : vector<16xf32>
      %mul3A_461 = arith.mulf %mul3A_460, %mul3A_456 : vector<16xf32>
      %sub3A_462 = arith.constant 1.500000e+00 : f32
      %sub3A_463 = vector.broadcast %sub3A_462 : f32 to vector<16xf32>
      %sub3A_464 = arith.subf %sub3A_463, %mul3A_461 : vector<16xf32>
      %mul3A_465 = arith.mulf %mul3A_456, %sub3A_464 : vector<16xf32>
      %mul3A_466 = arith.constant 5.000000e-01 : f32
      %mul3A_467 = vector.broadcast %mul3A_466 : f32 to vector<16xf32>
      %mul3A_468 = arith.mulf %mul3A_467, %add3A_442 : vector<16xf32>
      %mul3A_469 = arith.mulf %mul3A_468, %mul3A_465 : vector<16xf32>
      %mul3A_470 = arith.mulf %mul3A_469, %mul3A_465 : vector<16xf32>
      %sub3A_471 = arith.constant 1.500000e+00 : f32
      %sub3A_472 = vector.broadcast %sub3A_471 : f32 to vector<16xf32>
      %sub3A_473 = arith.subf %sub3A_472, %mul3A_470 : vector<16xf32>
      %mul3A_474 = arith.mulf %mul3A_465, %sub3A_473 : vector<16xf32>
      %mul3A_475 = arith.mulf %add3A_442, %mul3A_474 : vector<16xf32>
      %neg3A = arith.constant 0.000000e+00 : f32
      %neg3A_476 = vector.broadcast %neg3A : f32 to vector<16xf32>
      %neg3A_477 = arith.subf %neg3A_476, %mul3A_475 : vector<16xf32>
      %mul3A_478 = arith.constant 16 : i32
      %mul3A_479 = arith.muli %scan3A_144, %mul3A_478 : i32
      %swap3A = arith.index_cast %mul3A_479 : i32 to index
      %swap3A_480 = tpu.vector_load %arg20[%swap3A] {strides = array<i32>} : memref<128xf32, #tpu.memory_space<vmem>>, vector<16xf32>,
      %swap3A_481 = vector.shape_cast %swap3A_480 : vector<16xf32> to vector<16xf32>
      %swap3A_482 = vector.shape_cast %neg3A_477 : vector<16xf32> to vector<16xf32>
      tpu.vector_store %arg20[%swap3A], %swap3A_482 {strides = array<i32>} : memref<128xf32, #tpu.memory_space<vmem>>, vector<16xf32>,
    }
    %scan3A_80 = arith.constant 8 : i32
    %add3A_81 = arith.constant 128 : i32
    %add3A_82 = arith.addi %multiple_of3A, %add3A_81 : i32
    %multiple_of3A_83 = tpu.assume_multiple %add3A_82, 128 : i32
    "tpu.region"() ({
      %run_scoped3A = tpu.sem_alloc : memref<!tpu.dma_semaphore, #tpu.memory_space<semaphore_mem>>
      %dma_start3A_144 = tpu.memref_slice %arg7[%multiple_of3A_83] : memref<16384xf32, #tpu.memory_space<hbm>> -> memref<128xf32, #tpu.memory_space<hbm>>
      %dma_start3A_145 = tpu.memref_slice %arg7[%multiple_of3A_83] : memref<16384xf32, #tpu.memory_space<hbm>> -> memref<128xf32, #tpu.memory_space<hbm>>
      tpu.enqueue_dma source(%arg20 : memref<128xf32, #tpu.memory_space<vmem>>) target(%dma_start3A_145 : memref<128xf32, #tpu.memory_space<hbm>>) target_semaphore(%run_scoped3A : memref<!tpu.dma_semaphore, #tpu.memory_space<semaphore_mem>>)
      %dma_wait3A_146 = tpu.memref_slice %arg7[%multiple_of3A_83] : memref<16384xf32, #tpu.memory_space<hbm>> -> memref<128xf32, #tpu.memory_space<hbm>>
      %dma_wait3A_147 = tpu.memref_slice %arg7[%multiple_of3A_83] : memref<16384xf32, #tpu.memory_space<hbm>> -> memref<128xf32, #tpu.memory_space<hbm>>
      tpu.wait_dma2 semaphore(%run_scoped3A : memref<!tpu.dma_semaphore, #tpu.memory_space<semaphore_mem>>) src(%arg20 : memref<128xf32, #tpu.memory_space<vmem>>) dst(%dma_wait3A_147 : memref<128xf32, #tpu.memory_space<hbm>>)
      tpu.yield
    }) : () -> ()
    %add3A_84 = arith.constant 384 : i32
    %add3A_85 = arith.addi %multiple_of3A, %add3A_84 : i32
    %multiple_of3A_86 = tpu.assume_multiple %add3A_85, 128 : i32
    "tpu.region"() ({
      %run_scoped3A = tpu.sem_alloc : memref<!tpu.dma_semaphore, #tpu.memory_space<semaphore_mem>>
      %dma_start3A_144 = tpu.memref_slice %arg2[%multiple_of3A_86] : memref<16384xi32, #tpu.memory_space<hbm>> -> memref<128xi32, #tpu.memory_space<hbm>>
      %dma_start3A_145 = tpu.memref_slice %arg2[%multiple_of3A_86] : memref<16384xi32, #tpu.memory_space<hbm>> -> memref<128xi32, #tpu.memory_space<hbm>>
      tpu.enqueue_dma source(%dma_start3A_145 : memref<128xi32, #tpu.memory_space<hbm>>) target(%arg9 : memref<128xi32, #tpu.memory_space<vmem>>) target_semaphore(%run_scoped3A : memref<!tpu.dma_semaphore, #tpu.memory_space<semaphore_mem>>)
      %dma_wait3A_146 = tpu.memref_slice %arg2[%multiple_of3A_86] : memref<16384xi32, #tpu.memory_space<hbm>> -> memref<128xi32, #tpu.memory_space<hbm>>
      %dma_wait3A_147 = tpu.memref_slice %arg2[%multiple_of3A_86] : memref<16384xi32, #tpu.memory_space<hbm>> -> memref<128xi32, #tpu.memory_space<hbm>>
      tpu.wait_dma2 semaphore(%run_scoped3A : memref<!tpu.dma_semaphore, #tpu.memory_space<semaphore_mem>>) src(%dma_wait3A_147 : memref<128xi32, #tpu.memory_space<hbm>>) dst(%arg9 : memref<128xi32, #tpu.memory_space<vmem>>)
      tpu.yield
    }) : () -> ()
    "tpu.region"() ({
      %run_scoped3A = tpu.sem_alloc : memref<!tpu.dma_semaphore, #tpu.memory_space<semaphore_mem>>
      %dma_start3A_144 = tpu.memref_slice %arg3[%multiple_of3A_86] : memref<16384xi32, #tpu.memory_space<hbm>> -> memref<128xi32, #tpu.memory_space<hbm>>
      %dma_start3A_145 = tpu.memref_slice %arg3[%multiple_of3A_86] : memref<16384xi32, #tpu.memory_space<hbm>> -> memref<128xi32, #tpu.memory_space<hbm>>
      tpu.enqueue_dma source(%dma_start3A_145 : memref<128xi32, #tpu.memory_space<hbm>>) target(%arg11 : memref<128xi32, #tpu.memory_space<vmem>>) target_semaphore(%run_scoped3A : memref<!tpu.dma_semaphore, #tpu.memory_space<semaphore_mem>>)
      %dma_wait3A_146 = tpu.memref_slice %arg3[%multiple_of3A_86] : memref<16384xi32, #tpu.memory_space<hbm>> -> memref<128xi32, #tpu.memory_space<hbm>>
      %dma_wait3A_147 = tpu.memref_slice %arg3[%multiple_of3A_86] : memref<16384xi32, #tpu.memory_space<hbm>> -> memref<128xi32, #tpu.memory_space<hbm>>
      tpu.wait_dma2 semaphore(%run_scoped3A : memref<!tpu.dma_semaphore, #tpu.memory_space<semaphore_mem>>) src(%dma_wait3A_147 : memref<128xi32, #tpu.memory_space<hbm>>) dst(%arg11 : memref<128xi32, #tpu.memory_space<vmem>>)
      tpu.yield
    }) : () -> ()
    "tpu.region"() ({
      %run_scoped3A = tpu.sem_alloc : memref<!tpu.dma_semaphore, #tpu.memory_space<semaphore_mem>>
      %dma_start3A_144 = tpu.memref_slice %arg4[%multiple_of3A_86] : memref<16384xi32, #tpu.memory_space<hbm>> -> memref<128xi32, #tpu.memory_space<hbm>>
      %dma_start3A_145 = tpu.memref_slice %arg4[%multiple_of3A_86] : memref<16384xi32, #tpu.memory_space<hbm>> -> memref<128xi32, #tpu.memory_space<hbm>>
      tpu.enqueue_dma source(%dma_start3A_145 : memref<128xi32, #tpu.memory_space<hbm>>) target(%arg13 : memref<128xi32, #tpu.memory_space<vmem>>) target_semaphore(%run_scoped3A : memref<!tpu.dma_semaphore, #tpu.memory_space<semaphore_mem>>)
      %dma_wait3A_146 = tpu.memref_slice %arg4[%multiple_of3A_86] : memref<16384xi32, #tpu.memory_space<hbm>> -> memref<128xi32, #tpu.memory_space<hbm>>
      %dma_wait3A_147 = tpu.memref_slice %arg4[%multiple_of3A_86] : memref<16384xi32, #tpu.memory_space<hbm>> -> memref<128xi32, #tpu.memory_space<hbm>>
      tpu.wait_dma2 semaphore(%run_scoped3A : memref<!tpu.dma_semaphore, #tpu.memory_space<semaphore_mem>>) src(%dma_wait3A_147 : memref<128xi32, #tpu.memory_space<hbm>>) dst(%arg13 : memref<128xi32, #tpu.memory_space<vmem>>)
      tpu.yield
    }) : () -> ()
    %dma_start3A_87 = arith.constant 0 : i32
    %dma_start3A_88 = arith.constant 0 : i32
    %dma_start3A_89 = tpu.memref_slice %arg5[%dma_start3A_87, %dma_start3A_88] : memref<1000000x64xf32, #tpu.memory_space<hbm>> -> memref<1000000x64xf32, #tpu.memory_space<hbm>>
    tpu.enqueue_indirect_dma source(%dma_start3A_89 : memref<1000000x64xf32, #tpu.memory_space<hbm>>) target(%arg15 : memref<128x64xf32, #tpu.memory_space<vmem>>) offsets(%arg9 : memref<128xi32, #tpu.memory_space<vmem>>) semaphore(%arg23 : memref<!tpu.dma_semaphore, #tpu.memory_space<semaphore_mem>>)
    %dma_start3A_90 = arith.constant 0 : i32
    %dma_start3A_91 = arith.constant 0 : i32
    %dma_start3A_92 = tpu.memref_slice %arg6[%dma_start3A_90, %dma_start3A_91] : memref<1000x64xf32, #tpu.memory_space<hbm>> -> memref<1000x64xf32, #tpu.memory_space<hbm>>
    tpu.enqueue_indirect_dma source(%dma_start3A_92 : memref<1000x64xf32, #tpu.memory_space<hbm>>) target(%arg17 : memref<128x64xf32, #tpu.memory_space<vmem>>) offsets(%arg11 : memref<128xi32, #tpu.memory_space<vmem>>) semaphore(%arg23 : memref<!tpu.dma_semaphore, #tpu.memory_space<semaphore_mem>>)
    %dma_start3A_93 = arith.constant 0 : i32
    %dma_start3A_94 = arith.constant 0 : i32
    %dma_start3A_95 = tpu.memref_slice %arg5[%dma_start3A_93, %dma_start3A_94] : memref<1000000x64xf32, #tpu.memory_space<hbm>> -> memref<1000000x64xf32, #tpu.memory_space<hbm>>
    tpu.enqueue_indirect_dma source(%dma_start3A_95 : memref<1000000x64xf32, #tpu.memory_space<hbm>>) target(%arg19 : memref<128x64xf32, #tpu.memory_space<vmem>>) offsets(%arg13 : memref<128xi32, #tpu.memory_space<vmem>>) semaphore(%arg23 : memref<!tpu.dma_semaphore, #tpu.memory_space<semaphore_mem>>)
    %dma_wait3A_96 = arith.constant 0 : i32
    %dma_wait3A_97 = arith.constant 0 : i32
    %dma_wait3A_98 = tpu.memref_slice %arg5[%dma_wait3A_96, %dma_wait3A_97] : memref<1000000x64xf32, #tpu.memory_space<hbm>> -> memref<1000000x64xf32, #tpu.memory_space<hbm>>
    tpu.wait_indirect_dma semaphore(%arg22 : memref<!tpu.dma_semaphore, #tpu.memory_space<semaphore_mem>>) src(%dma_wait3A_98 : memref<1000000x64xf32, #tpu.memory_space<hbm>>) dst(%arg14 : memref<128x64xf32, #tpu.memory_space<vmem>>)
    %dma_wait3A_99 = arith.constant 0 : i32
    %dma_wait3A_100 = arith.constant 0 : i32
    %dma_wait3A_101 = tpu.memref_slice %arg6[%dma_wait3A_99, %dma_wait3A_100] : memref<1000x64xf32, #tpu.memory_space<hbm>> -> memref<1000x64xf32, #tpu.memory_space<hbm>>
    tpu.wait_indirect_dma semaphore(%arg22 : memref<!tpu.dma_semaphore, #tpu.memory_space<semaphore_mem>>) src(%dma_wait3A_101 : memref<1000x64xf32, #tpu.memory_space<hbm>>) dst(%arg16 : memref<128x64xf32, #tpu.memory_space<vmem>>)
    %dma_wait3A_102 = arith.constant 0 : i32
    %dma_wait3A_103 = arith.constant 0 : i32
    %dma_wait3A_104 = tpu.memref_slice %arg5[%dma_wait3A_102, %dma_wait3A_103] : memref<1000000x64xf32, #tpu.memory_space<hbm>> -> memref<1000000x64xf32, #tpu.memory_space<hbm>>
    tpu.wait_indirect_dma semaphore(%arg22 : memref<!tpu.dma_semaphore, #tpu.memory_space<semaphore_mem>>) src(%dma_wait3A_104 : memref<1000000x64xf32, #tpu.memory_space<hbm>>) dst(%arg18 : memref<128x64xf32, #tpu.memory_space<vmem>>)
    %scan3A_105 = arith.constant 0 : i32
    %scan3A_106 = arith.constant 0 : i32
    %scan3A_107 = arith.constant 64 : i32
    %scan3A_108 = arith.addi %scan3A_106, %scan3A_107 : i32
    %scan3A_109 = arith.constant 1 : i32
    scf.for %scan3A_144 = %scan3A_106 to %scan3A_108 step %scan3A_109  : i32 {
      %shift_right_arithmetic3A = arith.constant 3 : i32
      %shift_right_arithmetic3A_145 = arith.shrsi %scan3A_144, %shift_right_arithmetic3A : i32
      %and3A = arith.constant 7 : i32
      %and3A_146 = arith.andi %scan3A_144, %and3A : i32
      %shift_left3A = arith.constant 4 : i32
      %shift_left3A_147 = arith.shli %shift_right_arithmetic3A_145, %shift_left3A : i32
      %add3A_148 = arith.addi %shift_left3A_147, %and3A_146 : i32
      %get3A = arith.index_cast %add3A_148 : i32 to index
      %get3A_149 = arith.constant 0 : index
      %get3A_150 = tpu.vector_load %arg14[%get3A, %get3A_149] {strides = array<i32>} : memref<128x64xf32, #tpu.memory_space<vmem>>, vector<1x16xf32>,
      %get3A_151 = vector.shape_cast %get3A_150 : vector<1x16xf32> to vector<16xf32>
      %get3A_152 = arith.index_cast %add3A_148 : i32 to index
      %get3A_153 = arith.constant 0 : index
      %get3A_154 = tpu.vector_load %arg16[%get3A_152, %get3A_153] {strides = array<i32>} : memref<128x64xf32, #tpu.memory_space<vmem>>, vector<1x16xf32>,
      %get3A_155 = vector.shape_cast %get3A_154 : vector<1x16xf32> to vector<16xf32>
      %get3A_156 = arith.index_cast %add3A_148 : i32 to index
      %get3A_157 = arith.constant 0 : index
      %get3A_158 = tpu.vector_load %arg18[%get3A_156, %get3A_157] {strides = array<i32>} : memref<128x64xf32, #tpu.memory_space<vmem>>, vector<1x16xf32>,
      %get3A_159 = vector.shape_cast %get3A_158 : vector<1x16xf32> to vector<16xf32>
      %add3A_160 = arith.addf %get3A_151, %get3A_155 : vector<16xf32>
      %sub3A = arith.subf %add3A_160, %get3A_159 : vector<16xf32>
      %mul3A_161 = arith.mulf %sub3A, %sub3A : vector<16xf32>
      %get3A_162 = arith.index_cast %add3A_148 : i32 to index
      %get3A_163 = arith.constant 16 : index
      %get3A_164 = tpu.vector_load %arg14[%get3A_162, %get3A_163] {strides = array<i32>} : memref<128x64xf32, #tpu.memory_space<vmem>>, vector<1x16xf32>,
      %get3A_165 = vector.shape_cast %get3A_164 : vector<1x16xf32> to vector<16xf32>
      %get3A_166 = arith.index_cast %add3A_148 : i32 to index
      %get3A_167 = arith.constant 16 : index
      %get3A_168 = tpu.vector_load %arg16[%get3A_166, %get3A_167] {strides = array<i32>} : memref<128x64xf32, #tpu.memory_space<vmem>>, vector<1x16xf32>,
      %get3A_169 = vector.shape_cast %get3A_168 : vector<1x16xf32> to vector<16xf32>
      %get3A_170 = arith.index_cast %add3A_148 : i32 to index
      %get3A_171 = arith.constant 16 : index
      %get3A_172 = tpu.vector_load %arg18[%get3A_170, %get3A_171] {strides = array<i32>} : memref<128x64xf32, #tpu.memory_space<vmem>>, vector<1x16xf32>,
      %get3A_173 = vector.shape_cast %get3A_172 : vector<1x16xf32> to vector<16xf32>
      %add3A_174 = arith.addf %get3A_165, %get3A_169 : vector<16xf32>
      %sub3A_175 = arith.subf %add3A_174, %get3A_173 : vector<16xf32>
      %mul3A_176 = arith.mulf %sub3A_175, %sub3A_175 : vector<16xf32>
      %add3A_177 = arith.addf %mul3A_161, %mul3A_176 : vector<16xf32>
      %get3A_178 = arith.index_cast %add3A_148 : i32 to index
      %get3A_179 = arith.constant 32 : index
      %get3A_180 = tpu.vector_load %arg14[%get3A_178, %get3A_179] {strides = array<i32>} : memref<128x64xf32, #tpu.memory_space<vmem>>, vector<1x16xf32>,
      %get3A_181 = vector.shape_cast %get3A_180 : vector<1x16xf32> to vector<16xf32>
      %get3A_182 = arith.index_cast %add3A_148 : i32 to index
      %get3A_183 = arith.constant 32 : index
      %get3A_184 = tpu.vector_load %arg16[%get3A_182, %get3A_183] {strides = array<i32>} : memref<128x64xf32, #tpu.memory_space<vmem>>, vector<1x16xf32>,
      %get3A_185 = vector.shape_cast %get3A_184 : vector<1x16xf32> to vector<16xf32>
      %get3A_186 = arith.index_cast %add3A_148 : i32 to index
      %get3A_187 = arith.constant 32 : index
      %get3A_188 = tpu.vector_load %arg18[%get3A_186, %get3A_187] {strides = array<i32>} : memref<128x64xf32, #tpu.memory_space<vmem>>, vector<1x16xf32>,
      %get3A_189 = vector.shape_cast %get3A_188 : vector<1x16xf32> to vector<16xf32>
      %add3A_190 = arith.addf %get3A_181, %get3A_185 : vector<16xf32>
      %sub3A_191 = arith.subf %add3A_190, %get3A_189 : vector<16xf32>
      %mul3A_192 = arith.mulf %sub3A_191, %sub3A_191 : vector<16xf32>
      %add3A_193 = arith.addf %add3A_177, %mul3A_192 : vector<16xf32>
      %get3A_194 = arith.index_cast %add3A_148 : i32 to index
      %get3A_195 = arith.constant 48 : index
      %get3A_196 = tpu.vector_load %arg14[%get3A_194, %get3A_195] {strides = array<i32>} : memref<128x64xf32, #tpu.memory_space<vmem>>, vector<1x16xf32>,
      %get3A_197 = vector.shape_cast %get3A_196 : vector<1x16xf32> to vector<16xf32>
      %get3A_198 = arith.index_cast %add3A_148 : i32 to index
      %get3A_199 = arith.constant 48 : index
      %get3A_200 = tpu.vector_load %arg16[%get3A_198, %get3A_199] {strides = array<i32>} : memref<128x64xf32, #tpu.memory_space<vmem>>, vector<1x16xf32>,
      %get3A_201 = vector.shape_cast %get3A_200 : vector<1x16xf32> to vector<16xf32>
      %get3A_202 = arith.index_cast %add3A_148 : i32 to index
      %get3A_203 = arith.constant 48 : index
      %get3A_204 = tpu.vector_load %arg18[%get3A_202, %get3A_203] {strides = array<i32>} : memref<128x64xf32, #tpu.memory_space<vmem>>, vector<1x16xf32>,
      %get3A_205 = vector.shape_cast %get3A_204 : vector<1x16xf32> to vector<16xf32>
      %add3A_206 = arith.addf %get3A_197, %get3A_201 : vector<16xf32>
      %sub3A_207 = arith.subf %add3A_206, %get3A_205 : vector<16xf32>
      %mul3A_208 = arith.mulf %sub3A_207, %sub3A_207 : vector<16xf32>
      %add3A_209 = arith.addf %add3A_193, %mul3A_208 : vector<16xf32>
      %add3A_210 = arith.constant 8 : i32
      %add3A_211 = arith.addi %add3A_148, %add3A_210 : i32
      %get3A_212 = arith.index_cast %add3A_211 : i32 to index
      %get3A_213 = arith.constant 0 : index
      %get3A_214 = tpu.vector_load %arg14[%get3A_212, %get3A_213] {strides = array<i32>} : memref<128x64xf32, #tpu.memory_space<vmem>>, vector<1x16xf32>,
      %get3A_215 = vector.shape_cast %get3A_214 : vector<1x16xf32> to vector<16xf32>
      %get3A_216 = arith.index_cast %add3A_211 : i32 to index
      %get3A_217 = arith.constant 0 : index
      %get3A_218 = tpu.vector_load %arg16[%get3A_216, %get3A_217] {strides = array<i32>} : memref<128x64xf32, #tpu.memory_space<vmem>>, vector<1x16xf32>,
      %get3A_219 = vector.shape_cast %get3A_218 : vector<1x16xf32> to vector<16xf32>
      %get3A_220 = arith.index_cast %add3A_211 : i32 to index
      %get3A_221 = arith.constant 0 : index
      %get3A_222 = tpu.vector_load %arg18[%get3A_220, %get3A_221] {strides = array<i32>} : memref<128x64xf32, #tpu.memory_space<vmem>>, vector<1x16xf32>,
      %get3A_223 = vector.shape_cast %get3A_222 : vector<1x16xf32> to vector<16xf32>
      %add3A_224 = arith.addf %get3A_215, %get3A_219 : vector<16xf32>
      %sub3A_225 = arith.subf %add3A_224, %get3A_223 : vector<16xf32>
      %mul3A_226 = arith.mulf %sub3A_225, %sub3A_225 : vector<16xf32>
      %get3A_227 = arith.index_cast %add3A_211 : i32 to index
      %get3A_228 = arith.constant 16 : index
      %get3A_229 = tpu.vector_load %arg14[%get3A_227, %get3A_228] {strides = array<i32>} : memref<128x64xf32, #tpu.memory_space<vmem>>, vector<1x16xf32>,
      %get3A_230 = vector.shape_cast %get3A_229 : vector<1x16xf32> to vector<16xf32>
      %get3A_231 = arith.index_cast %add3A_211 : i32 to index
      %get3A_232 = arith.constant 16 : index
      %get3A_233 = tpu.vector_load %arg16[%get3A_231, %get3A_232] {strides = array<i32>} : memref<128x64xf32, #tpu.memory_space<vmem>>, vector<1x16xf32>,
      %get3A_234 = vector.shape_cast %get3A_233 : vector<1x16xf32> to vector<16xf32>
      %get3A_235 = arith.index_cast %add3A_211 : i32 to index
      %get3A_236 = arith.constant 16 : index
      %get3A_237 = tpu.vector_load %arg18[%get3A_235, %get3A_236] {strides = array<i32>} : memref<128x64xf32, #tpu.memory_space<vmem>>, vector<1x16xf32>,
      %get3A_238 = vector.shape_cast %get3A_237 : vector<1x16xf32> to vector<16xf32>
      %add3A_239 = arith.addf %get3A_230, %get3A_234 : vector<16xf32>
      %sub3A_240 = arith.subf %add3A_239, %get3A_238 : vector<16xf32>
      %mul3A_241 = arith.mulf %sub3A_240, %sub3A_240 : vector<16xf32>
      %add3A_242 = arith.addf %mul3A_226, %mul3A_241 : vector<16xf32>
      %get3A_243 = arith.index_cast %add3A_211 : i32 to index
      %get3A_244 = arith.constant 32 : index
      %get3A_245 = tpu.vector_load %arg14[%get3A_243, %get3A_244] {strides = array<i32>} : memref<128x64xf32, #tpu.memory_space<vmem>>, vector<1x16xf32>,
      %get3A_246 = vector.shape_cast %get3A_245 : vector<1x16xf32> to vector<16xf32>
      %get3A_247 = arith.index_cast %add3A_211 : i32 to index
      %get3A_248 = arith.constant 32 : index
      %get3A_249 = tpu.vector_load %arg16[%get3A_247, %get3A_248] {strides = array<i32>} : memref<128x64xf32, #tpu.memory_space<vmem>>, vector<1x16xf32>,
      %get3A_250 = vector.shape_cast %get3A_249 : vector<1x16xf32> to vector<16xf32>
      %get3A_251 = arith.index_cast %add3A_211 : i32 to index
      %get3A_252 = arith.constant 32 : index
      %get3A_253 = tpu.vector_load %arg18[%get3A_251, %get3A_252] {strides = array<i32>} : memref<128x64xf32, #tpu.memory_space<vmem>>, vector<1x16xf32>,
      %get3A_254 = vector.shape_cast %get3A_253 : vector<1x16xf32> to vector<16xf32>
      %add3A_255 = arith.addf %get3A_246, %get3A_250 : vector<16xf32>
      %sub3A_256 = arith.subf %add3A_255, %get3A_254 : vector<16xf32>
      %mul3A_257 = arith.mulf %sub3A_256, %sub3A_256 : vector<16xf32>
      %add3A_258 = arith.addf %add3A_242, %mul3A_257 : vector<16xf32>
      %get3A_259 = arith.index_cast %add3A_211 : i32 to index
      %get3A_260 = arith.constant 48 : index
      %get3A_261 = tpu.vector_load %arg14[%get3A_259, %get3A_260] {strides = array<i32>} : memref<128x64xf32, #tpu.memory_space<vmem>>, vector<1x16xf32>,
      %get3A_262 = vector.shape_cast %get3A_261 : vector<1x16xf32> to vector<16xf32>
      %get3A_263 = arith.index_cast %add3A_211 : i32 to index
      %get3A_264 = arith.constant 48 : index
      %get3A_265 = tpu.vector_load %arg16[%get3A_263, %get3A_264] {strides = array<i32>} : memref<128x64xf32, #tpu.memory_space<vmem>>, vector<1x16xf32>,
      %get3A_266 = vector.shape_cast %get3A_265 : vector<1x16xf32> to vector<16xf32>
      %get3A_267 = arith.index_cast %add3A_211 : i32 to index
      %get3A_268 = arith.constant 48 : index
      %get3A_269 = tpu.vector_load %arg18[%get3A_267, %get3A_268] {strides = array<i32>} : memref<128x64xf32, #tpu.memory_space<vmem>>, vector<1x16xf32>,
      %get3A_270 = vector.shape_cast %get3A_269 : vector<1x16xf32> to vector<16xf32>
      %add3A_271 = arith.addf %get3A_262, %get3A_266 : vector<16xf32>
      %sub3A_272 = arith.subf %add3A_271, %get3A_270 : vector<16xf32>
      %mul3A_273 = arith.mulf %sub3A_272, %sub3A_272 : vector<16xf32>
      %add3A_274 = arith.addf %add3A_258, %mul3A_273 : vector<16xf32>
      %xor3A = arith.constant 8 : i32
      %xor3A_275 = vector.broadcast %xor3A : i32 to vector<16xi32>
      %xor3A_276 = arith.xori %iota3A, %xor3A_275 : vector<16xi32>
      %lt3A = arith.constant 0 : i32
      %lt3A_277 = vector.broadcast %lt3A : i32 to vector<16xi32>
      %lt3A_278 = arith.cmpi slt, %xor3A_276, %lt3A_277 : vector<16xi32>
      %add3A_279 = arith.constant 16 : i32
      %add3A_280 = vector.broadcast %add3A_279 : i32 to vector<16xi32>
      %add3A_281 = arith.addi %xor3A_276, %add3A_280 : vector<16xi32>
      %select_n3A = arith.select %lt3A_278, %add3A_281, %xor3A_276 : vector<16xi1>, vector<16xi32>
      %broadcast_in_dim3A = vector.shape_cast %select_n3A : vector<16xi32> to vector<16x1xi32>
      %gather3A = vector.shape_cast %broadcast_in_dim3A : vector<16x1xi32> to vector<16xi32>
      %gather3A_282 = tpu.dynamic_gather %add3A_209[%gather3A] in [0] : vector<16xf32>, vector<16xi32> -> vector<16xf32>
      %xor3A_283 = arith.constant 8 : i32
      %xor3A_284 = vector.broadcast %xor3A_283 : i32 to vector<16xi32>
      %xor3A_285 = arith.xori %iota3A, %xor3A_284 : vector<16xi32>
      %lt3A_286 = arith.constant 0 : i32
      %lt3A_287 = vector.broadcast %lt3A_286 : i32 to vector<16xi32>
      %lt3A_288 = arith.cmpi slt, %xor3A_285, %lt3A_287 : vector<16xi32>
      %add3A_289 = arith.constant 16 : i32
      %add3A_290 = vector.broadcast %add3A_289 : i32 to vector<16xi32>
      %add3A_291 = arith.addi %xor3A_285, %add3A_290 : vector<16xi32>
      %select_n3A_292 = arith.select %lt3A_288, %add3A_291, %xor3A_285 : vector<16xi1>, vector<16xi32>
      %broadcast_in_dim3A_293 = vector.shape_cast %select_n3A_292 : vector<16xi32> to vector<16x1xi32>
      %gather3A_294 = vector.shape_cast %broadcast_in_dim3A_293 : vector<16x1xi32> to vector<16xi32>
      %gather3A_295 = tpu.dynamic_gather %add3A_274[%gather3A_294] in [0] : vector<16xf32>, vector<16xi32> -> vector<16xf32>
      %and3A_296 = arith.constant 8 : i32
      %and3A_297 = vector.broadcast %and3A_296 : i32 to vector<16xi32>
      %and3A_298 = arith.andi %iota3A, %and3A_297 : vector<16xi32>
      %eq3A = arith.constant 0 : i32
      %eq3A_299 = vector.broadcast %eq3A : i32 to vector<16xi32>
      %eq3A_300 = arith.cmpi eq, %and3A_298, %eq3A_299 : vector<16xi32>
      %add3A_301 = arith.addf %add3A_209, %gather3A_282 : vector<16xf32>
      %add3A_302 = arith.addf %add3A_274, %gather3A_295 : vector<16xf32>
      %select_n3A_303 = arith.select %eq3A_300, %add3A_301, %add3A_302 : vector<16xi1>, vector<16xf32>
      %mul3A_304 = arith.constant 16 : i32
      %mul3A_305 = arith.muli %scan3A_144, %mul3A_304 : i32
      %swap3A = arith.index_cast %mul3A_305 : i32 to index
      %swap3A_306 = tpu.vector_load %arg21[%swap3A] {strides = array<i32>} : memref<1024xf32, #tpu.memory_space<vmem>>, vector<16xf32>,
      %swap3A_307 = vector.shape_cast %swap3A_306 : vector<16xf32> to vector<16xf32>
      %swap3A_308 = vector.shape_cast %select_n3A_303 : vector<16xf32> to vector<16xf32>
      tpu.vector_store %arg21[%swap3A], %swap3A_308 {strides = array<i32>} : memref<1024xf32, #tpu.memory_space<vmem>>, vector<16xf32>,
    }
    %scan3A_110 = arith.constant 64 : i32
    %scan3A_111 = arith.constant 0 : i32
    %scan3A_112 = arith.constant 0 : i32
    %scan3A_113 = arith.constant 8 : i32
    %scan3A_114 = arith.addi %scan3A_112, %scan3A_113 : i32
    %scan3A_115 = arith.constant 1 : i32
    scf.for %scan3A_144 = %scan3A_112 to %scan3A_114 step %scan3A_115  : i32 {
      %mul3A_145 = arith.constant 8 : i32
      %mul3A_146 = arith.muli %scan3A_144, %mul3A_145 : i32
      %add3A_147 = arith.constant 0 : i32
      %add3A_148 = arith.addi %mul3A_146, %add3A_147 : i32
      %mul3A_149 = arith.constant 16 : i32
      %mul3A_150 = arith.muli %add3A_148, %mul3A_149 : i32
      %get3A = arith.index_cast %mul3A_150 : i32 to index
      %get3A_151 = tpu.vector_load %arg21[%get3A] {strides = array<i32>} : memref<1024xf32, #tpu.memory_space<vmem>>, vector<16xf32>,
      %get3A_152 = vector.shape_cast %get3A_151 : vector<16xf32> to vector<16xf32>
      %add3A_153 = arith.constant 1 : i32
      %add3A_154 = arith.addi %mul3A_146, %add3A_153 : i32
      %mul3A_155 = arith.constant 16 : i32
      %mul3A_156 = arith.muli %add3A_154, %mul3A_155 : i32
      %get3A_157 = arith.index_cast %mul3A_156 : i32 to index
      %get3A_158 = tpu.vector_load %arg21[%get3A_157] {strides = array<i32>} : memref<1024xf32, #tpu.memory_space<vmem>>, vector<16xf32>,
      %get3A_159 = vector.shape_cast %get3A_158 : vector<16xf32> to vector<16xf32>
      %add3A_160 = arith.constant 2 : i32
      %add3A_161 = arith.addi %mul3A_146, %add3A_160 : i32
      %mul3A_162 = arith.constant 16 : i32
      %mul3A_163 = arith.muli %add3A_161, %mul3A_162 : i32
      %get3A_164 = arith.index_cast %mul3A_163 : i32 to index
      %get3A_165 = tpu.vector_load %arg21[%get3A_164] {strides = array<i32>} : memref<1024xf32, #tpu.memory_space<vmem>>, vector<16xf32>,
      %get3A_166 = vector.shape_cast %get3A_165 : vector<16xf32> to vector<16xf32>
      %add3A_167 = arith.constant 3 : i32
      %add3A_168 = arith.addi %mul3A_146, %add3A_167 : i32
      %mul3A_169 = arith.constant 16 : i32
      %mul3A_170 = arith.muli %add3A_168, %mul3A_169 : i32
      %get3A_171 = arith.index_cast %mul3A_170 : i32 to index
      %get3A_172 = tpu.vector_load %arg21[%get3A_171] {strides = array<i32>} : memref<1024xf32, #tpu.memory_space<vmem>>, vector<16xf32>,
      %get3A_173 = vector.shape_cast %get3A_172 : vector<16xf32> to vector<16xf32>
      %add3A_174 = arith.constant 4 : i32
      %add3A_175 = arith.addi %mul3A_146, %add3A_174 : i32
      %mul3A_176 = arith.constant 16 : i32
      %mul3A_177 = arith.muli %add3A_175, %mul3A_176 : i32
      %get3A_178 = arith.index_cast %mul3A_177 : i32 to index
      %get3A_179 = tpu.vector_load %arg21[%get3A_178] {strides = array<i32>} : memref<1024xf32, #tpu.memory_space<vmem>>, vector<16xf32>,
      %get3A_180 = vector.shape_cast %get3A_179 : vector<16xf32> to vector<16xf32>
      %add3A_181 = arith.constant 5 : i32
      %add3A_182 = arith.addi %mul3A_146, %add3A_181 : i32
      %mul3A_183 = arith.constant 16 : i32
      %mul3A_184 = arith.muli %add3A_182, %mul3A_183 : i32
      %get3A_185 = arith.index_cast %mul3A_184 : i32 to index
      %get3A_186 = tpu.vector_load %arg21[%get3A_185] {strides = array<i32>} : memref<1024xf32, #tpu.memory_space<vmem>>, vector<16xf32>,
      %get3A_187 = vector.shape_cast %get3A_186 : vector<16xf32> to vector<16xf32>
      %add3A_188 = arith.constant 6 : i32
      %add3A_189 = arith.addi %mul3A_146, %add3A_188 : i32
      %mul3A_190 = arith.constant 16 : i32
      %mul3A_191 = arith.muli %add3A_189, %mul3A_190 : i32
      %get3A_192 = arith.index_cast %mul3A_191 : i32 to index
      %get3A_193 = tpu.vector_load %arg21[%get3A_192] {strides = array<i32>} : memref<1024xf32, #tpu.memory_space<vmem>>, vector<16xf32>,
      %get3A_194 = vector.shape_cast %get3A_193 : vector<16xf32> to vector<16xf32>
      %add3A_195 = arith.constant 7 : i32
      %add3A_196 = arith.addi %mul3A_146, %add3A_195 : i32
      %mul3A_197 = arith.constant 16 : i32
      %mul3A_198 = arith.muli %add3A_196, %mul3A_197 : i32
      %get3A_199 = arith.index_cast %mul3A_198 : i32 to index
      %get3A_200 = tpu.vector_load %arg21[%get3A_199] {strides = array<i32>} : memref<1024xf32, #tpu.memory_space<vmem>>, vector<16xf32>,
      %get3A_201 = vector.shape_cast %get3A_200 : vector<16xf32> to vector<16xf32>
      %xor3A = arith.constant 4 : i32
      %xor3A_202 = vector.broadcast %xor3A : i32 to vector<16xi32>
      %xor3A_203 = arith.xori %iota3A, %xor3A_202 : vector<16xi32>
      %lt3A = arith.constant 0 : i32
      %lt3A_204 = vector.broadcast %lt3A : i32 to vector<16xi32>
      %lt3A_205 = arith.cmpi slt, %xor3A_203, %lt3A_204 : vector<16xi32>
      %add3A_206 = arith.constant 16 : i32
      %add3A_207 = vector.broadcast %add3A_206 : i32 to vector<16xi32>
      %add3A_208 = arith.addi %xor3A_203, %add3A_207 : vector<16xi32>
      %select_n3A = arith.select %lt3A_205, %add3A_208, %xor3A_203 : vector<16xi1>, vector<16xi32>
      %broadcast_in_dim3A = vector.shape_cast %select_n3A : vector<16xi32> to vector<16x1xi32>
      %gather3A = vector.shape_cast %broadcast_in_dim3A : vector<16x1xi32> to vector<16xi32>
      %gather3A_209 = tpu.dynamic_gather %get3A_152[%gather3A] in [0] : vector<16xf32>, vector<16xi32> -> vector<16xf32>
      %xor3A_210 = arith.constant 4 : i32
      %xor3A_211 = vector.broadcast %xor3A_210 : i32 to vector<16xi32>
      %xor3A_212 = arith.xori %iota3A, %xor3A_211 : vector<16xi32>
      %lt3A_213 = arith.constant 0 : i32
      %lt3A_214 = vector.broadcast %lt3A_213 : i32 to vector<16xi32>
      %lt3A_215 = arith.cmpi slt, %xor3A_212, %lt3A_214 : vector<16xi32>
      %add3A_216 = arith.constant 16 : i32
      %add3A_217 = vector.broadcast %add3A_216 : i32 to vector<16xi32>
      %add3A_218 = arith.addi %xor3A_212, %add3A_217 : vector<16xi32>
      %select_n3A_219 = arith.select %lt3A_215, %add3A_218, %xor3A_212 : vector<16xi1>, vector<16xi32>
      %broadcast_in_dim3A_220 = vector.shape_cast %select_n3A_219 : vector<16xi32> to vector<16x1xi32>
      %gather3A_221 = vector.shape_cast %broadcast_in_dim3A_220 : vector<16x1xi32> to vector<16xi32>
      %gather3A_222 = tpu.dynamic_gather %get3A_180[%gather3A_221] in [0] : vector<16xf32>, vector<16xi32> -> vector<16xf32>
      %and3A = arith.constant 4 : i32
      %and3A_223 = vector.broadcast %and3A : i32 to vector<16xi32>
      %and3A_224 = arith.andi %iota3A, %and3A_223 : vector<16xi32>
      %eq3A = arith.constant 0 : i32
      %eq3A_225 = vector.broadcast %eq3A : i32 to vector<16xi32>
      %eq3A_226 = arith.cmpi eq, %and3A_224, %eq3A_225 : vector<16xi32>
      %add3A_227 = arith.addf %get3A_152, %gather3A_209 : vector<16xf32>
      %add3A_228 = arith.addf %get3A_180, %gather3A_222 : vector<16xf32>
      %select_n3A_229 = arith.select %eq3A_226, %add3A_227, %add3A_228 : vector<16xi1>, vector<16xf32>
      %xor3A_230 = arith.constant 4 : i32
      %xor3A_231 = vector.broadcast %xor3A_230 : i32 to vector<16xi32>
      %xor3A_232 = arith.xori %iota3A, %xor3A_231 : vector<16xi32>
      %lt3A_233 = arith.constant 0 : i32
      %lt3A_234 = vector.broadcast %lt3A_233 : i32 to vector<16xi32>
      %lt3A_235 = arith.cmpi slt, %xor3A_232, %lt3A_234 : vector<16xi32>
      %add3A_236 = arith.constant 16 : i32
      %add3A_237 = vector.broadcast %add3A_236 : i32 to vector<16xi32>
      %add3A_238 = arith.addi %xor3A_232, %add3A_237 : vector<16xi32>
      %select_n3A_239 = arith.select %lt3A_235, %add3A_238, %xor3A_232 : vector<16xi1>, vector<16xi32>
      %broadcast_in_dim3A_240 = vector.shape_cast %select_n3A_239 : vector<16xi32> to vector<16x1xi32>
      %gather3A_241 = vector.shape_cast %broadcast_in_dim3A_240 : vector<16x1xi32> to vector<16xi32>
      %gather3A_242 = tpu.dynamic_gather %get3A_159[%gather3A_241] in [0] : vector<16xf32>, vector<16xi32> -> vector<16xf32>
      %xor3A_243 = arith.constant 4 : i32
      %xor3A_244 = vector.broadcast %xor3A_243 : i32 to vector<16xi32>
      %xor3A_245 = arith.xori %iota3A, %xor3A_244 : vector<16xi32>
      %lt3A_246 = arith.constant 0 : i32
      %lt3A_247 = vector.broadcast %lt3A_246 : i32 to vector<16xi32>
      %lt3A_248 = arith.cmpi slt, %xor3A_245, %lt3A_247 : vector<16xi32>
      %add3A_249 = arith.constant 16 : i32
      %add3A_250 = vector.broadcast %add3A_249 : i32 to vector<16xi32>
      %add3A_251 = arith.addi %xor3A_245, %add3A_250 : vector<16xi32>
      %select_n3A_252 = arith.select %lt3A_248, %add3A_251, %xor3A_245 : vector<16xi1>, vector<16xi32>
      %broadcast_in_dim3A_253 = vector.shape_cast %select_n3A_252 : vector<16xi32> to vector<16x1xi32>
      %gather3A_254 = vector.shape_cast %broadcast_in_dim3A_253 : vector<16x1xi32> to vector<16xi32>
      %gather3A_255 = tpu.dynamic_gather %get3A_187[%gather3A_254] in [0] : vector<16xf32>, vector<16xi32> -> vector<16xf32>
      %and3A_256 = arith.constant 4 : i32
      %and3A_257 = vector.broadcast %and3A_256 : i32 to vector<16xi32>
      %and3A_258 = arith.andi %iota3A, %and3A_257 : vector<16xi32>
      %eq3A_259 = arith.constant 0 : i32
      %eq3A_260 = vector.broadcast %eq3A_259 : i32 to vector<16xi32>
      %eq3A_261 = arith.cmpi eq, %and3A_258, %eq3A_260 : vector<16xi32>
      %add3A_262 = arith.addf %get3A_159, %gather3A_242 : vector<16xf32>
      %add3A_263 = arith.addf %get3A_187, %gather3A_255 : vector<16xf32>
      %select_n3A_264 = arith.select %eq3A_261, %add3A_262, %add3A_263 : vector<16xi1>, vector<16xf32>
      %xor3A_265 = arith.constant 4 : i32
      %xor3A_266 = vector.broadcast %xor3A_265 : i32 to vector<16xi32>
      %xor3A_267 = arith.xori %iota3A, %xor3A_266 : vector<16xi32>
      %lt3A_268 = arith.constant 0 : i32
      %lt3A_269 = vector.broadcast %lt3A_268 : i32 to vector<16xi32>
      %lt3A_270 = arith.cmpi slt, %xor3A_267, %lt3A_269 : vector<16xi32>
      %add3A_271 = arith.constant 16 : i32
      %add3A_272 = vector.broadcast %add3A_271 : i32 to vector<16xi32>
      %add3A_273 = arith.addi %xor3A_267, %add3A_272 : vector<16xi32>
      %select_n3A_274 = arith.select %lt3A_270, %add3A_273, %xor3A_267 : vector<16xi1>, vector<16xi32>
      %broadcast_in_dim3A_275 = vector.shape_cast %select_n3A_274 : vector<16xi32> to vector<16x1xi32>
      %gather3A_276 = vector.shape_cast %broadcast_in_dim3A_275 : vector<16x1xi32> to vector<16xi32>
      %gather3A_277 = tpu.dynamic_gather %get3A_166[%gather3A_276] in [0] : vector<16xf32>, vector<16xi32> -> vector<16xf32>
      %xor3A_278 = arith.constant 4 : i32
      %xor3A_279 = vector.broadcast %xor3A_278 : i32 to vector<16xi32>
      %xor3A_280 = arith.xori %iota3A, %xor3A_279 : vector<16xi32>
      %lt3A_281 = arith.constant 0 : i32
      %lt3A_282 = vector.broadcast %lt3A_281 : i32 to vector<16xi32>
      %lt3A_283 = arith.cmpi slt, %xor3A_280, %lt3A_282 : vector<16xi32>
      %add3A_284 = arith.constant 16 : i32
      %add3A_285 = vector.broadcast %add3A_284 : i32 to vector<16xi32>
      %add3A_286 = arith.addi %xor3A_280, %add3A_285 : vector<16xi32>
      %select_n3A_287 = arith.select %lt3A_283, %add3A_286, %xor3A_280 : vector<16xi1>, vector<16xi32>
      %broadcast_in_dim3A_288 = vector.shape_cast %select_n3A_287 : vector<16xi32> to vector<16x1xi32>
      %gather3A_289 = vector.shape_cast %broadcast_in_dim3A_288 : vector<16x1xi32> to vector<16xi32>
      %gather3A_290 = tpu.dynamic_gather %get3A_194[%gather3A_289] in [0] : vector<16xf32>, vector<16xi32> -> vector<16xf32>
      %and3A_291 = arith.constant 4 : i32
      %and3A_292 = vector.broadcast %and3A_291 : i32 to vector<16xi32>
      %and3A_293 = arith.andi %iota3A, %and3A_292 : vector<16xi32>
      %eq3A_294 = arith.constant 0 : i32
      %eq3A_295 = vector.broadcast %eq3A_294 : i32 to vector<16xi32>
      %eq3A_296 = arith.cmpi eq, %and3A_293, %eq3A_295 : vector<16xi32>
      %add3A_297 = arith.addf %get3A_166, %gather3A_277 : vector<16xf32>
      %add3A_298 = arith.addf %get3A_194, %gather3A_290 : vector<16xf32>
      %select_n3A_299 = arith.select %eq3A_296, %add3A_297, %add3A_298 : vector<16xi1>, vector<16xf32>
      %xor3A_300 = arith.constant 4 : i32
      %xor3A_301 = vector.broadcast %xor3A_300 : i32 to vector<16xi32>
      %xor3A_302 = arith.xori %iota3A, %xor3A_301 : vector<16xi32>
      %lt3A_303 = arith.constant 0 : i32
      %lt3A_304 = vector.broadcast %lt3A_303 : i32 to vector<16xi32>
      %lt3A_305 = arith.cmpi slt, %xor3A_302, %lt3A_304 : vector<16xi32>
      %add3A_306 = arith.constant 16 : i32
      %add3A_307 = vector.broadcast %add3A_306 : i32 to vector<16xi32>
      %add3A_308 = arith.addi %xor3A_302, %add3A_307 : vector<16xi32>
      %select_n3A_309 = arith.select %lt3A_305, %add3A_308, %xor3A_302 : vector<16xi1>, vector<16xi32>
      %broadcast_in_dim3A_310 = vector.shape_cast %select_n3A_309 : vector<16xi32> to vector<16x1xi32>
      %gather3A_311 = vector.shape_cast %broadcast_in_dim3A_310 : vector<16x1xi32> to vector<16xi32>
      %gather3A_312 = tpu.dynamic_gather %get3A_173[%gather3A_311] in [0] : vector<16xf32>, vector<16xi32> -> vector<16xf32>
      %xor3A_313 = arith.constant 4 : i32
      %xor3A_314 = vector.broadcast %xor3A_313 : i32 to vector<16xi32>
      %xor3A_315 = arith.xori %iota3A, %xor3A_314 : vector<16xi32>
      %lt3A_316 = arith.constant 0 : i32
      %lt3A_317 = vector.broadcast %lt3A_316 : i32 to vector<16xi32>
      %lt3A_318 = arith.cmpi slt, %xor3A_315, %lt3A_317 : vector<16xi32>
      %add3A_319 = arith.constant 16 : i32
      %add3A_320 = vector.broadcast %add3A_319 : i32 to vector<16xi32>
      %add3A_321 = arith.addi %xor3A_315, %add3A_320 : vector<16xi32>
      %select_n3A_322 = arith.select %lt3A_318, %add3A_321, %xor3A_315 : vector<16xi1>, vector<16xi32>
      %broadcast_in_dim3A_323 = vector.shape_cast %select_n3A_322 : vector<16xi32> to vector<16x1xi32>
      %gather3A_324 = vector.shape_cast %broadcast_in_dim3A_323 : vector<16x1xi32> to vector<16xi32>
      %gather3A_325 = tpu.dynamic_gather %get3A_201[%gather3A_324] in [0] : vector<16xf32>, vector<16xi32> -> vector<16xf32>
      %and3A_326 = arith.constant 4 : i32
      %and3A_327 = vector.broadcast %and3A_326 : i32 to vector<16xi32>
      %and3A_328 = arith.andi %iota3A, %and3A_327 : vector<16xi32>
      %eq3A_329 = arith.constant 0 : i32
      %eq3A_330 = vector.broadcast %eq3A_329 : i32 to vector<16xi32>
      %eq3A_331 = arith.cmpi eq, %and3A_328, %eq3A_330 : vector<16xi32>
      %add3A_332 = arith.addf %get3A_173, %gather3A_312 : vector<16xf32>
      %add3A_333 = arith.addf %get3A_201, %gather3A_325 : vector<16xf32>
      %select_n3A_334 = arith.select %eq3A_331, %add3A_332, %add3A_333 : vector<16xi1>, vector<16xf32>
      %xor3A_335 = arith.constant 2 : i32
      %xor3A_336 = vector.broadcast %xor3A_335 : i32 to vector<16xi32>
      %xor3A_337 = arith.xori %iota3A, %xor3A_336 : vector<16xi32>
      %lt3A_338 = arith.constant 0 : i32
      %lt3A_339 = vector.broadcast %lt3A_338 : i32 to vector<16xi32>
      %lt3A_340 = arith.cmpi slt, %xor3A_337, %lt3A_339 : vector<16xi32>
      %add3A_341 = arith.constant 16 : i32
      %add3A_342 = vector.broadcast %add3A_341 : i32 to vector<16xi32>
      %add3A_343 = arith.addi %xor3A_337, %add3A_342 : vector<16xi32>
      %select_n3A_344 = arith.select %lt3A_340, %add3A_343, %xor3A_337 : vector<16xi1>, vector<16xi32>
      %broadcast_in_dim3A_345 = vector.shape_cast %select_n3A_344 : vector<16xi32> to vector<16x1xi32>
      %gather3A_346 = vector.shape_cast %broadcast_in_dim3A_345 : vector<16x1xi32> to vector<16xi32>
      %gather3A_347 = tpu.dynamic_gather %select_n3A_229[%gather3A_346] in [0] : vector<16xf32>, vector<16xi32> -> vector<16xf32>
      %xor3A_348 = arith.constant 2 : i32
      %xor3A_349 = vector.broadcast %xor3A_348 : i32 to vector<16xi32>
      %xor3A_350 = arith.xori %iota3A, %xor3A_349 : vector<16xi32>
      %lt3A_351 = arith.constant 0 : i32
      %lt3A_352 = vector.broadcast %lt3A_351 : i32 to vector<16xi32>
      %lt3A_353 = arith.cmpi slt, %xor3A_350, %lt3A_352 : vector<16xi32>
      %add3A_354 = arith.constant 16 : i32
      %add3A_355 = vector.broadcast %add3A_354 : i32 to vector<16xi32>
      %add3A_356 = arith.addi %xor3A_350, %add3A_355 : vector<16xi32>
      %select_n3A_357 = arith.select %lt3A_353, %add3A_356, %xor3A_350 : vector<16xi1>, vector<16xi32>
      %broadcast_in_dim3A_358 = vector.shape_cast %select_n3A_357 : vector<16xi32> to vector<16x1xi32>
      %gather3A_359 = vector.shape_cast %broadcast_in_dim3A_358 : vector<16x1xi32> to vector<16xi32>
      %gather3A_360 = tpu.dynamic_gather %select_n3A_299[%gather3A_359] in [0] : vector<16xf32>, vector<16xi32> -> vector<16xf32>
      %and3A_361 = arith.constant 2 : i32
      %and3A_362 = vector.broadcast %and3A_361 : i32 to vector<16xi32>
      %and3A_363 = arith.andi %iota3A, %and3A_362 : vector<16xi32>
      %eq3A_364 = arith.constant 0 : i32
      %eq3A_365 = vector.broadcast %eq3A_364 : i32 to vector<16xi32>
      %eq3A_366 = arith.cmpi eq, %and3A_363, %eq3A_365 : vector<16xi32>
      %add3A_367 = arith.addf %select_n3A_229, %gather3A_347 : vector<16xf32>
      %add3A_368 = arith.addf %select_n3A_299, %gather3A_360 : vector<16xf32>
      %select_n3A_369 = arith.select %eq3A_366, %add3A_367, %add3A_368 : vector<16xi1>, vector<16xf32>
      %xor3A_370 = arith.constant 2 : i32
      %xor3A_371 = vector.broadcast %xor3A_370 : i32 to vector<16xi32>
      %xor3A_372 = arith.xori %iota3A, %xor3A_371 : vector<16xi32>
      %lt3A_373 = arith.constant 0 : i32
      %lt3A_374 = vector.broadcast %lt3A_373 : i32 to vector<16xi32>
      %lt3A_375 = arith.cmpi slt, %xor3A_372, %lt3A_374 : vector<16xi32>
      %add3A_376 = arith.constant 16 : i32
      %add3A_377 = vector.broadcast %add3A_376 : i32 to vector<16xi32>
      %add3A_378 = arith.addi %xor3A_372, %add3A_377 : vector<16xi32>
      %select_n3A_379 = arith.select %lt3A_375, %add3A_378, %xor3A_372 : vector<16xi1>, vector<16xi32>
      %broadcast_in_dim3A_380 = vector.shape_cast %select_n3A_379 : vector<16xi32> to vector<16x1xi32>
      %gather3A_381 = vector.shape_cast %broadcast_in_dim3A_380 : vector<16x1xi32> to vector<16xi32>
      %gather3A_382 = tpu.dynamic_gather %select_n3A_264[%gather3A_381] in [0] : vector<16xf32>, vector<16xi32> -> vector<16xf32>
      %xor3A_383 = arith.constant 2 : i32
      %xor3A_384 = vector.broadcast %xor3A_383 : i32 to vector<16xi32>
      %xor3A_385 = arith.xori %iota3A, %xor3A_384 : vector<16xi32>
      %lt3A_386 = arith.constant 0 : i32
      %lt3A_387 = vector.broadcast %lt3A_386 : i32 to vector<16xi32>
      %lt3A_388 = arith.cmpi slt, %xor3A_385, %lt3A_387 : vector<16xi32>
      %add3A_389 = arith.constant 16 : i32
      %add3A_390 = vector.broadcast %add3A_389 : i32 to vector<16xi32>
      %add3A_391 = arith.addi %xor3A_385, %add3A_390 : vector<16xi32>
      %select_n3A_392 = arith.select %lt3A_388, %add3A_391, %xor3A_385 : vector<16xi1>, vector<16xi32>
      %broadcast_in_dim3A_393 = vector.shape_cast %select_n3A_392 : vector<16xi32> to vector<16x1xi32>
      %gather3A_394 = vector.shape_cast %broadcast_in_dim3A_393 : vector<16x1xi32> to vector<16xi32>
      %gather3A_395 = tpu.dynamic_gather %select_n3A_334[%gather3A_394] in [0] : vector<16xf32>, vector<16xi32> -> vector<16xf32>
      %and3A_396 = arith.constant 2 : i32
      %and3A_397 = vector.broadcast %and3A_396 : i32 to vector<16xi32>
      %and3A_398 = arith.andi %iota3A, %and3A_397 : vector<16xi32>
      %eq3A_399 = arith.constant 0 : i32
      %eq3A_400 = vector.broadcast %eq3A_399 : i32 to vector<16xi32>
      %eq3A_401 = arith.cmpi eq, %and3A_398, %eq3A_400 : vector<16xi32>
      %add3A_402 = arith.addf %select_n3A_264, %gather3A_382 : vector<16xf32>
      %add3A_403 = arith.addf %select_n3A_334, %gather3A_395 : vector<16xf32>
      %select_n3A_404 = arith.select %eq3A_401, %add3A_402, %add3A_403 : vector<16xi1>, vector<16xf32>
      %xor3A_405 = arith.constant 1 : i32
      %xor3A_406 = vector.broadcast %xor3A_405 : i32 to vector<16xi32>
      %xor3A_407 = arith.xori %iota3A, %xor3A_406 : vector<16xi32>
      %lt3A_408 = arith.constant 0 : i32
      %lt3A_409 = vector.broadcast %lt3A_408 : i32 to vector<16xi32>
      %lt3A_410 = arith.cmpi slt, %xor3A_407, %lt3A_409 : vector<16xi32>
      %add3A_411 = arith.constant 16 : i32
      %add3A_412 = vector.broadcast %add3A_411 : i32 to vector<16xi32>
      %add3A_413 = arith.addi %xor3A_407, %add3A_412 : vector<16xi32>
      %select_n3A_414 = arith.select %lt3A_410, %add3A_413, %xor3A_407 : vector<16xi1>, vector<16xi32>
      %broadcast_in_dim3A_415 = vector.shape_cast %select_n3A_414 : vector<16xi32> to vector<16x1xi32>
      %gather3A_416 = vector.shape_cast %broadcast_in_dim3A_415 : vector<16x1xi32> to vector<16xi32>
      %gather3A_417 = tpu.dynamic_gather %select_n3A_369[%gather3A_416] in [0] : vector<16xf32>, vector<16xi32> -> vector<16xf32>
      %xor3A_418 = arith.constant 1 : i32
      %xor3A_419 = vector.broadcast %xor3A_418 : i32 to vector<16xi32>
      %xor3A_420 = arith.xori %iota3A, %xor3A_419 : vector<16xi32>
      %lt3A_421 = arith.constant 0 : i32
      %lt3A_422 = vector.broadcast %lt3A_421 : i32 to vector<16xi32>
      %lt3A_423 = arith.cmpi slt, %xor3A_420, %lt3A_422 : vector<16xi32>
      %add3A_424 = arith.constant 16 : i32
      %add3A_425 = vector.broadcast %add3A_424 : i32 to vector<16xi32>
      %add3A_426 = arith.addi %xor3A_420, %add3A_425 : vector<16xi32>
      %select_n3A_427 = arith.select %lt3A_423, %add3A_426, %xor3A_420 : vector<16xi1>, vector<16xi32>
      %broadcast_in_dim3A_428 = vector.shape_cast %select_n3A_427 : vector<16xi32> to vector<16x1xi32>
      %gather3A_429 = vector.shape_cast %broadcast_in_dim3A_428 : vector<16x1xi32> to vector<16xi32>
      %gather3A_430 = tpu.dynamic_gather %select_n3A_404[%gather3A_429] in [0] : vector<16xf32>, vector<16xi32> -> vector<16xf32>
      %and3A_431 = arith.constant 1 : i32
      %and3A_432 = vector.broadcast %and3A_431 : i32 to vector<16xi32>
      %and3A_433 = arith.andi %iota3A, %and3A_432 : vector<16xi32>
      %eq3A_434 = arith.constant 0 : i32
      %eq3A_435 = vector.broadcast %eq3A_434 : i32 to vector<16xi32>
      %eq3A_436 = arith.cmpi eq, %and3A_433, %eq3A_435 : vector<16xi32>
      %add3A_437 = arith.addf %select_n3A_369, %gather3A_417 : vector<16xf32>
      %add3A_438 = arith.addf %select_n3A_404, %gather3A_430 : vector<16xf32>
      %select_n3A_439 = arith.select %eq3A_436, %add3A_437, %add3A_438 : vector<16xi1>, vector<16xf32>
      %add3A_440 = arith.constant 9.99999996E-13 : f32
      %add3A_441 = vector.broadcast %add3A_440 : f32 to vector<16xf32>
      %add3A_442 = arith.addf %select_n3A_439, %add3A_441 : vector<16xf32>
      %bitcast_convert_type3A = tpu.bitcast %add3A_442 : vector<16xf32> -> vector<16xi32>
      %shift_right_arithmetic3A = arith.constant 1 : i32
      %shift_right_arithmetic3A_443 = vector.broadcast %shift_right_arithmetic3A : i32 to vector<16xi32>
      %shift_right_arithmetic3A_444 = arith.shrsi %bitcast_convert_type3A, %shift_right_arithmetic3A_443 : vector<16xi32>
      %sub3A = arith.constant 1597463007 : i32
      %sub3A_445 = vector.broadcast %sub3A : i32 to vector<16xi32>
      %sub3A_446 = arith.subi %sub3A_445, %shift_right_arithmetic3A_444 : vector<16xi32>
      %bitcast_convert_type3A_447 = tpu.bitcast %sub3A_446 : vector<16xi32> -> vector<16xf32>
      %mul3A_448 = arith.constant 5.000000e-01 : f32
      %mul3A_449 = vector.broadcast %mul3A_448 : f32 to vector<16xf32>
      %mul3A_450 = arith.mulf %mul3A_449, %add3A_442 : vector<16xf32>
      %mul3A_451 = arith.mulf %mul3A_450, %bitcast_convert_type3A_447 : vector<16xf32>
      %mul3A_452 = arith.mulf %mul3A_451, %bitcast_convert_type3A_447 : vector<16xf32>
      %sub3A_453 = arith.constant 1.500000e+00 : f32
      %sub3A_454 = vector.broadcast %sub3A_453 : f32 to vector<16xf32>
      %sub3A_455 = arith.subf %sub3A_454, %mul3A_452 : vector<16xf32>
      %mul3A_456 = arith.mulf %bitcast_convert_type3A_447, %sub3A_455 : vector<16xf32>
      %mul3A_457 = arith.constant 5.000000e-01 : f32
      %mul3A_458 = vector.broadcast %mul3A_457 : f32 to vector<16xf32>
      %mul3A_459 = arith.mulf %mul3A_458, %add3A_442 : vector<16xf32>
      %mul3A_460 = arith.mulf %mul3A_459, %mul3A_456 : vector<16xf32>
      %mul3A_461 = arith.mulf %mul3A_460, %mul3A_456 : vector<16xf32>
      %sub3A_462 = arith.constant 1.500000e+00 : f32
      %sub3A_463 = vector.broadcast %sub3A_462 : f32 to vector<16xf32>
      %sub3A_464 = arith.subf %sub3A_463, %mul3A_461 : vector<16xf32>
      %mul3A_465 = arith.mulf %mul3A_456, %sub3A_464 : vector<16xf32>
      %mul3A_466 = arith.constant 5.000000e-01 : f32
      %mul3A_467 = vector.broadcast %mul3A_466 : f32 to vector<16xf32>
      %mul3A_468 = arith.mulf %mul3A_467, %add3A_442 : vector<16xf32>
      %mul3A_469 = arith.mulf %mul3A_468, %mul3A_465 : vector<16xf32>
      %mul3A_470 = arith.mulf %mul3A_469, %mul3A_465 : vector<16xf32>
      %sub3A_471 = arith.constant 1.500000e+00 : f32
      %sub3A_472 = vector.broadcast %sub3A_471 : f32 to vector<16xf32>
      %sub3A_473 = arith.subf %sub3A_472, %mul3A_470 : vector<16xf32>
      %mul3A_474 = arith.mulf %mul3A_465, %sub3A_473 : vector<16xf32>
      %mul3A_475 = arith.mulf %add3A_442, %mul3A_474 : vector<16xf32>
      %neg3A = arith.constant 0.000000e+00 : f32
      %neg3A_476 = vector.broadcast %neg3A : f32 to vector<16xf32>
      %neg3A_477 = arith.subf %neg3A_476, %mul3A_475 : vector<16xf32>
      %mul3A_478 = arith.constant 16 : i32
      %mul3A_479 = arith.muli %scan3A_144, %mul3A_478 : i32
      %swap3A = arith.index_cast %mul3A_479 : i32 to index
      %swap3A_480 = tpu.vector_load %arg20[%swap3A] {strides = array<i32>} : memref<128xf32, #tpu.memory_space<vmem>>, vector<16xf32>,
      %swap3A_481 = vector.shape_cast %swap3A_480 : vector<16xf32> to vector<16xf32>
      %swap3A_482 = vector.shape_cast %neg3A_477 : vector<16xf32> to vector<16xf32>
      tpu.vector_store %arg20[%swap3A], %swap3A_482 {strides = array<i32>} : memref<128xf32, #tpu.memory_space<vmem>>, vector<16xf32>,
    }
    %scan3A_116 = arith.constant 8 : i32
    %add3A_117 = arith.constant 256 : i32
    %add3A_118 = arith.addi %multiple_of3A, %add3A_117 : i32
    %multiple_of3A_119 = tpu.assume_multiple %add3A_118, 128 : i32
    "tpu.region"() ({
      %run_scoped3A = tpu.sem_alloc : memref<!tpu.dma_semaphore, #tpu.memory_space<semaphore_mem>>
      %dma_start3A_144 = tpu.memref_slice %arg7[%multiple_of3A_119] : memref<16384xf32, #tpu.memory_space<hbm>> -> memref<128xf32, #tpu.memory_space<hbm>>
      %dma_start3A_145 = tpu.memref_slice %arg7[%multiple_of3A_119] : memref<16384xf32, #tpu.memory_space<hbm>> -> memref<128xf32, #tpu.memory_space<hbm>>
      tpu.enqueue_dma source(%arg20 : memref<128xf32, #tpu.memory_space<vmem>>) target(%dma_start3A_145 : memref<128xf32, #tpu.memory_space<hbm>>) target_semaphore(%run_scoped3A : memref<!tpu.dma_semaphore, #tpu.memory_space<semaphore_mem>>)
      %dma_wait3A_146 = tpu.memref_slice %arg7[%multiple_of3A_119] : memref<16384xf32, #tpu.memory_space<hbm>> -> memref<128xf32, #tpu.memory_space<hbm>>
      %dma_wait3A_147 = tpu.memref_slice %arg7[%multiple_of3A_119] : memref<16384xf32, #tpu.memory_space<hbm>> -> memref<128xf32, #tpu.memory_space<hbm>>
      tpu.wait_dma2 semaphore(%run_scoped3A : memref<!tpu.dma_semaphore, #tpu.memory_space<semaphore_mem>>) src(%arg20 : memref<128xf32, #tpu.memory_space<vmem>>) dst(%dma_wait3A_147 : memref<128xf32, #tpu.memory_space<hbm>>)
      tpu.yield
    }) : () -> ()
    %dma_wait3A_120 = arith.constant 0 : i32
    %dma_wait3A_121 = arith.constant 0 : i32
    %dma_wait3A_122 = tpu.memref_slice %arg5[%dma_wait3A_120, %dma_wait3A_121] : memref<1000000x64xf32, #tpu.memory_space<hbm>> -> memref<1000000x64xf32, #tpu.memory_space<hbm>>
    tpu.wait_indirect_dma semaphore(%arg23 : memref<!tpu.dma_semaphore, #tpu.memory_space<semaphore_mem>>) src(%dma_wait3A_122 : memref<1000000x64xf32, #tpu.memory_space<hbm>>) dst(%arg15 : memref<128x64xf32, #tpu.memory_space<vmem>>)
    %dma_wait3A_123 = arith.constant 0 : i32
    %dma_wait3A_124 = arith.constant 0 : i32
    %dma_wait3A_125 = tpu.memref_slice %arg6[%dma_wait3A_123, %dma_wait3A_124] : memref<1000x64xf32, #tpu.memory_space<hbm>> -> memref<1000x64xf32, #tpu.memory_space<hbm>>
    tpu.wait_indirect_dma semaphore(%arg23 : memref<!tpu.dma_semaphore, #tpu.memory_space<semaphore_mem>>) src(%dma_wait3A_125 : memref<1000x64xf32, #tpu.memory_space<hbm>>) dst(%arg17 : memref<128x64xf32, #tpu.memory_space<vmem>>)
    %dma_wait3A_126 = arith.constant 0 : i32
    %dma_wait3A_127 = arith.constant 0 : i32
    %dma_wait3A_128 = tpu.memref_slice %arg5[%dma_wait3A_126, %dma_wait3A_127] : memref<1000000x64xf32, #tpu.memory_space<hbm>> -> memref<1000000x64xf32, #tpu.memory_space<hbm>>
    tpu.wait_indirect_dma semaphore(%arg23 : memref<!tpu.dma_semaphore, #tpu.memory_space<semaphore_mem>>) src(%dma_wait3A_128 : memref<1000000x64xf32, #tpu.memory_space<hbm>>) dst(%arg19 : memref<128x64xf32, #tpu.memory_space<vmem>>)
    %scan3A_129 = arith.constant 0 : i32
    %scan3A_130 = arith.constant 0 : i32
    %scan3A_131 = arith.constant 64 : i32
    %scan3A_132 = arith.addi %scan3A_130, %scan3A_131 : i32
    %scan3A_133 = arith.constant 1 : i32
    scf.for %scan3A_144 = %scan3A_130 to %scan3A_132 step %scan3A_133  : i32 {
      %shift_right_arithmetic3A = arith.constant 3 : i32
      %shift_right_arithmetic3A_145 = arith.shrsi %scan3A_144, %shift_right_arithmetic3A : i32
      %and3A = arith.constant 7 : i32
      %and3A_146 = arith.andi %scan3A_144, %and3A : i32
      %shift_left3A = arith.constant 4 : i32
      %shift_left3A_147 = arith.shli %shift_right_arithmetic3A_145, %shift_left3A : i32
      %add3A_148 = arith.addi %shift_left3A_147, %and3A_146 : i32
      %get3A = arith.index_cast %add3A_148 : i32 to index
      %get3A_149 = arith.constant 0 : index
      %get3A_150 = tpu.vector_load %arg15[%get3A, %get3A_149] {strides = array<i32>} : memref<128x64xf32, #tpu.memory_space<vmem>>, vector<1x16xf32>,
      %get3A_151 = vector.shape_cast %get3A_150 : vector<1x16xf32> to vector<16xf32>
      %get3A_152 = arith.index_cast %add3A_148 : i32 to index
      %get3A_153 = arith.constant 0 : index
      %get3A_154 = tpu.vector_load %arg17[%get3A_152, %get3A_153] {strides = array<i32>} : memref<128x64xf32, #tpu.memory_space<vmem>>, vector<1x16xf32>,
      %get3A_155 = vector.shape_cast %get3A_154 : vector<1x16xf32> to vector<16xf32>
      %get3A_156 = arith.index_cast %add3A_148 : i32 to index
      %get3A_157 = arith.constant 0 : index
      %get3A_158 = tpu.vector_load %arg19[%get3A_156, %get3A_157] {strides = array<i32>} : memref<128x64xf32, #tpu.memory_space<vmem>>, vector<1x16xf32>,
      %get3A_159 = vector.shape_cast %get3A_158 : vector<1x16xf32> to vector<16xf32>
      %add3A_160 = arith.addf %get3A_151, %get3A_155 : vector<16xf32>
      %sub3A = arith.subf %add3A_160, %get3A_159 : vector<16xf32>
      %mul3A_161 = arith.mulf %sub3A, %sub3A : vector<16xf32>
      %get3A_162 = arith.index_cast %add3A_148 : i32 to index
      %get3A_163 = arith.constant 16 : index
      %get3A_164 = tpu.vector_load %arg15[%get3A_162, %get3A_163] {strides = array<i32>} : memref<128x64xf32, #tpu.memory_space<vmem>>, vector<1x16xf32>,
      %get3A_165 = vector.shape_cast %get3A_164 : vector<1x16xf32> to vector<16xf32>
      %get3A_166 = arith.index_cast %add3A_148 : i32 to index
      %get3A_167 = arith.constant 16 : index
      %get3A_168 = tpu.vector_load %arg17[%get3A_166, %get3A_167] {strides = array<i32>} : memref<128x64xf32, #tpu.memory_space<vmem>>, vector<1x16xf32>,
      %get3A_169 = vector.shape_cast %get3A_168 : vector<1x16xf32> to vector<16xf32>
      %get3A_170 = arith.index_cast %add3A_148 : i32 to index
      %get3A_171 = arith.constant 16 : index
      %get3A_172 = tpu.vector_load %arg19[%get3A_170, %get3A_171] {strides = array<i32>} : memref<128x64xf32, #tpu.memory_space<vmem>>, vector<1x16xf32>,
      %get3A_173 = vector.shape_cast %get3A_172 : vector<1x16xf32> to vector<16xf32>
      %add3A_174 = arith.addf %get3A_165, %get3A_169 : vector<16xf32>
      %sub3A_175 = arith.subf %add3A_174, %get3A_173 : vector<16xf32>
      %mul3A_176 = arith.mulf %sub3A_175, %sub3A_175 : vector<16xf32>
      %add3A_177 = arith.addf %mul3A_161, %mul3A_176 : vector<16xf32>
      %get3A_178 = arith.index_cast %add3A_148 : i32 to index
      %get3A_179 = arith.constant 32 : index
      %get3A_180 = tpu.vector_load %arg15[%get3A_178, %get3A_179] {strides = array<i32>} : memref<128x64xf32, #tpu.memory_space<vmem>>, vector<1x16xf32>,
      %get3A_181 = vector.shape_cast %get3A_180 : vector<1x16xf32> to vector<16xf32>
      %get3A_182 = arith.index_cast %add3A_148 : i32 to index
      %get3A_183 = arith.constant 32 : index
      %get3A_184 = tpu.vector_load %arg17[%get3A_182, %get3A_183] {strides = array<i32>} : memref<128x64xf32, #tpu.memory_space<vmem>>, vector<1x16xf32>,
      %get3A_185 = vector.shape_cast %get3A_184 : vector<1x16xf32> to vector<16xf32>
      %get3A_186 = arith.index_cast %add3A_148 : i32 to index
      %get3A_187 = arith.constant 32 : index
      %get3A_188 = tpu.vector_load %arg19[%get3A_186, %get3A_187] {strides = array<i32>} : memref<128x64xf32, #tpu.memory_space<vmem>>, vector<1x16xf32>,
      %get3A_189 = vector.shape_cast %get3A_188 : vector<1x16xf32> to vector<16xf32>
      %add3A_190 = arith.addf %get3A_181, %get3A_185 : vector<16xf32>
      %sub3A_191 = arith.subf %add3A_190, %get3A_189 : vector<16xf32>
      %mul3A_192 = arith.mulf %sub3A_191, %sub3A_191 : vector<16xf32>
      %add3A_193 = arith.addf %add3A_177, %mul3A_192 : vector<16xf32>
      %get3A_194 = arith.index_cast %add3A_148 : i32 to index
      %get3A_195 = arith.constant 48 : index
      %get3A_196 = tpu.vector_load %arg15[%get3A_194, %get3A_195] {strides = array<i32>} : memref<128x64xf32, #tpu.memory_space<vmem>>, vector<1x16xf32>,
      %get3A_197 = vector.shape_cast %get3A_196 : vector<1x16xf32> to vector<16xf32>
      %get3A_198 = arith.index_cast %add3A_148 : i32 to index
      %get3A_199 = arith.constant 48 : index
      %get3A_200 = tpu.vector_load %arg17[%get3A_198, %get3A_199] {strides = array<i32>} : memref<128x64xf32, #tpu.memory_space<vmem>>, vector<1x16xf32>,
      %get3A_201 = vector.shape_cast %get3A_200 : vector<1x16xf32> to vector<16xf32>
      %get3A_202 = arith.index_cast %add3A_148 : i32 to index
      %get3A_203 = arith.constant 48 : index
      %get3A_204 = tpu.vector_load %arg19[%get3A_202, %get3A_203] {strides = array<i32>} : memref<128x64xf32, #tpu.memory_space<vmem>>, vector<1x16xf32>,
      %get3A_205 = vector.shape_cast %get3A_204 : vector<1x16xf32> to vector<16xf32>
      %add3A_206 = arith.addf %get3A_197, %get3A_201 : vector<16xf32>
      %sub3A_207 = arith.subf %add3A_206, %get3A_205 : vector<16xf32>
      %mul3A_208 = arith.mulf %sub3A_207, %sub3A_207 : vector<16xf32>
      %add3A_209 = arith.addf %add3A_193, %mul3A_208 : vector<16xf32>
      %add3A_210 = arith.constant 8 : i32
      %add3A_211 = arith.addi %add3A_148, %add3A_210 : i32
      %get3A_212 = arith.index_cast %add3A_211 : i32 to index
      %get3A_213 = arith.constant 0 : index
      %get3A_214 = tpu.vector_load %arg15[%get3A_212, %get3A_213] {strides = array<i32>} : memref<128x64xf32, #tpu.memory_space<vmem>>, vector<1x16xf32>,
      %get3A_215 = vector.shape_cast %get3A_214 : vector<1x16xf32> to vector<16xf32>
      %get3A_216 = arith.index_cast %add3A_211 : i32 to index
      %get3A_217 = arith.constant 0 : index
      %get3A_218 = tpu.vector_load %arg17[%get3A_216, %get3A_217] {strides = array<i32>} : memref<128x64xf32, #tpu.memory_space<vmem>>, vector<1x16xf32>,
      %get3A_219 = vector.shape_cast %get3A_218 : vector<1x16xf32> to vector<16xf32>
      %get3A_220 = arith.index_cast %add3A_211 : i32 to index
      %get3A_221 = arith.constant 0 : index
      %get3A_222 = tpu.vector_load %arg19[%get3A_220, %get3A_221] {strides = array<i32>} : memref<128x64xf32, #tpu.memory_space<vmem>>, vector<1x16xf32>,
      %get3A_223 = vector.shape_cast %get3A_222 : vector<1x16xf32> to vector<16xf32>
      %add3A_224 = arith.addf %get3A_215, %get3A_219 : vector<16xf32>
      %sub3A_225 = arith.subf %add3A_224, %get3A_223 : vector<16xf32>
      %mul3A_226 = arith.mulf %sub3A_225, %sub3A_225 : vector<16xf32>
      %get3A_227 = arith.index_cast %add3A_211 : i32 to index
      %get3A_228 = arith.constant 16 : index
      %get3A_229 = tpu.vector_load %arg15[%get3A_227, %get3A_228] {strides = array<i32>} : memref<128x64xf32, #tpu.memory_space<vmem>>, vector<1x16xf32>,
      %get3A_230 = vector.shape_cast %get3A_229 : vector<1x16xf32> to vector<16xf32>
      %get3A_231 = arith.index_cast %add3A_211 : i32 to index
      %get3A_232 = arith.constant 16 : index
      %get3A_233 = tpu.vector_load %arg17[%get3A_231, %get3A_232] {strides = array<i32>} : memref<128x64xf32, #tpu.memory_space<vmem>>, vector<1x16xf32>,
      %get3A_234 = vector.shape_cast %get3A_233 : vector<1x16xf32> to vector<16xf32>
      %get3A_235 = arith.index_cast %add3A_211 : i32 to index
      %get3A_236 = arith.constant 16 : index
      %get3A_237 = tpu.vector_load %arg19[%get3A_235, %get3A_236] {strides = array<i32>} : memref<128x64xf32, #tpu.memory_space<vmem>>, vector<1x16xf32>,
      %get3A_238 = vector.shape_cast %get3A_237 : vector<1x16xf32> to vector<16xf32>
      %add3A_239 = arith.addf %get3A_230, %get3A_234 : vector<16xf32>
      %sub3A_240 = arith.subf %add3A_239, %get3A_238 : vector<16xf32>
      %mul3A_241 = arith.mulf %sub3A_240, %sub3A_240 : vector<16xf32>
      %add3A_242 = arith.addf %mul3A_226, %mul3A_241 : vector<16xf32>
      %get3A_243 = arith.index_cast %add3A_211 : i32 to index
      %get3A_244 = arith.constant 32 : index
      %get3A_245 = tpu.vector_load %arg15[%get3A_243, %get3A_244] {strides = array<i32>} : memref<128x64xf32, #tpu.memory_space<vmem>>, vector<1x16xf32>,
      %get3A_246 = vector.shape_cast %get3A_245 : vector<1x16xf32> to vector<16xf32>
      %get3A_247 = arith.index_cast %add3A_211 : i32 to index
      %get3A_248 = arith.constant 32 : index
      %get3A_249 = tpu.vector_load %arg17[%get3A_247, %get3A_248] {strides = array<i32>} : memref<128x64xf32, #tpu.memory_space<vmem>>, vector<1x16xf32>,
      %get3A_250 = vector.shape_cast %get3A_249 : vector<1x16xf32> to vector<16xf32>
      %get3A_251 = arith.index_cast %add3A_211 : i32 to index
      %get3A_252 = arith.constant 32 : index
      %get3A_253 = tpu.vector_load %arg19[%get3A_251, %get3A_252] {strides = array<i32>} : memref<128x64xf32, #tpu.memory_space<vmem>>, vector<1x16xf32>,
      %get3A_254 = vector.shape_cast %get3A_253 : vector<1x16xf32> to vector<16xf32>
      %add3A_255 = arith.addf %get3A_246, %get3A_250 : vector<16xf32>
      %sub3A_256 = arith.subf %add3A_255, %get3A_254 : vector<16xf32>
      %mul3A_257 = arith.mulf %sub3A_256, %sub3A_256 : vector<16xf32>
      %add3A_258 = arith.addf %add3A_242, %mul3A_257 : vector<16xf32>
      %get3A_259 = arith.index_cast %add3A_211 : i32 to index
      %get3A_260 = arith.constant 48 : index
      %get3A_261 = tpu.vector_load %arg15[%get3A_259, %get3A_260] {strides = array<i32>} : memref<128x64xf32, #tpu.memory_space<vmem>>, vector<1x16xf32>,
      %get3A_262 = vector.shape_cast %get3A_261 : vector<1x16xf32> to vector<16xf32>
      %get3A_263 = arith.index_cast %add3A_211 : i32 to index
      %get3A_264 = arith.constant 48 : index
      %get3A_265 = tpu.vector_load %arg17[%get3A_263, %get3A_264] {strides = array<i32>} : memref<128x64xf32, #tpu.memory_space<vmem>>, vector<1x16xf32>,
      %get3A_266 = vector.shape_cast %get3A_265 : vector<1x16xf32> to vector<16xf32>
      %get3A_267 = arith.index_cast %add3A_211 : i32 to index
      %get3A_268 = arith.constant 48 : index
      %get3A_269 = tpu.vector_load %arg19[%get3A_267, %get3A_268] {strides = array<i32>} : memref<128x64xf32, #tpu.memory_space<vmem>>, vector<1x16xf32>,
      %get3A_270 = vector.shape_cast %get3A_269 : vector<1x16xf32> to vector<16xf32>
      %add3A_271 = arith.addf %get3A_262, %get3A_266 : vector<16xf32>
      %sub3A_272 = arith.subf %add3A_271, %get3A_270 : vector<16xf32>
      %mul3A_273 = arith.mulf %sub3A_272, %sub3A_272 : vector<16xf32>
      %add3A_274 = arith.addf %add3A_258, %mul3A_273 : vector<16xf32>
      %xor3A = arith.constant 8 : i32
      %xor3A_275 = vector.broadcast %xor3A : i32 to vector<16xi32>
      %xor3A_276 = arith.xori %iota3A, %xor3A_275 : vector<16xi32>
      %lt3A = arith.constant 0 : i32
      %lt3A_277 = vector.broadcast %lt3A : i32 to vector<16xi32>
      %lt3A_278 = arith.cmpi slt, %xor3A_276, %lt3A_277 : vector<16xi32>
      %add3A_279 = arith.constant 16 : i32
      %add3A_280 = vector.broadcast %add3A_279 : i32 to vector<16xi32>
      %add3A_281 = arith.addi %xor3A_276, %add3A_280 : vector<16xi32>
      %select_n3A = arith.select %lt3A_278, %add3A_281, %xor3A_276 : vector<16xi1>, vector<16xi32>
      %broadcast_in_dim3A = vector.shape_cast %select_n3A : vector<16xi32> to vector<16x1xi32>
      %gather3A = vector.shape_cast %broadcast_in_dim3A : vector<16x1xi32> to vector<16xi32>
      %gather3A_282 = tpu.dynamic_gather %add3A_209[%gather3A] in [0] : vector<16xf32>, vector<16xi32> -> vector<16xf32>
      %xor3A_283 = arith.constant 8 : i32
      %xor3A_284 = vector.broadcast %xor3A_283 : i32 to vector<16xi32>
      %xor3A_285 = arith.xori %iota3A, %xor3A_284 : vector<16xi32>
      %lt3A_286 = arith.constant 0 : i32
      %lt3A_287 = vector.broadcast %lt3A_286 : i32 to vector<16xi32>
      %lt3A_288 = arith.cmpi slt, %xor3A_285, %lt3A_287 : vector<16xi32>
      %add3A_289 = arith.constant 16 : i32
      %add3A_290 = vector.broadcast %add3A_289 : i32 to vector<16xi32>
      %add3A_291 = arith.addi %xor3A_285, %add3A_290 : vector<16xi32>
      %select_n3A_292 = arith.select %lt3A_288, %add3A_291, %xor3A_285 : vector<16xi1>, vector<16xi32>
      %broadcast_in_dim3A_293 = vector.shape_cast %select_n3A_292 : vector<16xi32> to vector<16x1xi32>
      %gather3A_294 = vector.shape_cast %broadcast_in_dim3A_293 : vector<16x1xi32> to vector<16xi32>
      %gather3A_295 = tpu.dynamic_gather %add3A_274[%gather3A_294] in [0] : vector<16xf32>, vector<16xi32> -> vector<16xf32>
      %and3A_296 = arith.constant 8 : i32
      %and3A_297 = vector.broadcast %and3A_296 : i32 to vector<16xi32>
      %and3A_298 = arith.andi %iota3A, %and3A_297 : vector<16xi32>
      %eq3A = arith.constant 0 : i32
      %eq3A_299 = vector.broadcast %eq3A : i32 to vector<16xi32>
      %eq3A_300 = arith.cmpi eq, %and3A_298, %eq3A_299 : vector<16xi32>
      %add3A_301 = arith.addf %add3A_209, %gather3A_282 : vector<16xf32>
      %add3A_302 = arith.addf %add3A_274, %gather3A_295 : vector<16xf32>
      %select_n3A_303 = arith.select %eq3A_300, %add3A_301, %add3A_302 : vector<16xi1>, vector<16xf32>
      %mul3A_304 = arith.constant 16 : i32
      %mul3A_305 = arith.muli %scan3A_144, %mul3A_304 : i32
      %swap3A = arith.index_cast %mul3A_305 : i32 to index
      %swap3A_306 = tpu.vector_load %arg21[%swap3A] {strides = array<i32>} : memref<1024xf32, #tpu.memory_space<vmem>>, vector<16xf32>,
      %swap3A_307 = vector.shape_cast %swap3A_306 : vector<16xf32> to vector<16xf32>
      %swap3A_308 = vector.shape_cast %select_n3A_303 : vector<16xf32> to vector<16xf32>
      tpu.vector_store %arg21[%swap3A], %swap3A_308 {strides = array<i32>} : memref<1024xf32, #tpu.memory_space<vmem>>, vector<16xf32>,
    }
    %scan3A_134 = arith.constant 64 : i32
    %scan3A_135 = arith.constant 0 : i32
    %scan3A_136 = arith.constant 0 : i32
    %scan3A_137 = arith.constant 8 : i32
    %scan3A_138 = arith.addi %scan3A_136, %scan3A_137 : i32
    %scan3A_139 = arith.constant 1 : i32
    scf.for %scan3A_144 = %scan3A_136 to %scan3A_138 step %scan3A_139  : i32 {
      %mul3A_145 = arith.constant 8 : i32
      %mul3A_146 = arith.muli %scan3A_144, %mul3A_145 : i32
      %add3A_147 = arith.constant 0 : i32
      %add3A_148 = arith.addi %mul3A_146, %add3A_147 : i32
      %mul3A_149 = arith.constant 16 : i32
      %mul3A_150 = arith.muli %add3A_148, %mul3A_149 : i32
      %get3A = arith.index_cast %mul3A_150 : i32 to index
      %get3A_151 = tpu.vector_load %arg21[%get3A] {strides = array<i32>} : memref<1024xf32, #tpu.memory_space<vmem>>, vector<16xf32>,
      %get3A_152 = vector.shape_cast %get3A_151 : vector<16xf32> to vector<16xf32>
      %add3A_153 = arith.constant 1 : i32
      %add3A_154 = arith.addi %mul3A_146, %add3A_153 : i32
      %mul3A_155 = arith.constant 16 : i32
      %mul3A_156 = arith.muli %add3A_154, %mul3A_155 : i32
      %get3A_157 = arith.index_cast %mul3A_156 : i32 to index
      %get3A_158 = tpu.vector_load %arg21[%get3A_157] {strides = array<i32>} : memref<1024xf32, #tpu.memory_space<vmem>>, vector<16xf32>,
      %get3A_159 = vector.shape_cast %get3A_158 : vector<16xf32> to vector<16xf32>
      %add3A_160 = arith.constant 2 : i32
      %add3A_161 = arith.addi %mul3A_146, %add3A_160 : i32
      %mul3A_162 = arith.constant 16 : i32
      %mul3A_163 = arith.muli %add3A_161, %mul3A_162 : i32
      %get3A_164 = arith.index_cast %mul3A_163 : i32 to index
      %get3A_165 = tpu.vector_load %arg21[%get3A_164] {strides = array<i32>} : memref<1024xf32, #tpu.memory_space<vmem>>, vector<16xf32>,
      %get3A_166 = vector.shape_cast %get3A_165 : vector<16xf32> to vector<16xf32>
      %add3A_167 = arith.constant 3 : i32
      %add3A_168 = arith.addi %mul3A_146, %add3A_167 : i32
      %mul3A_169 = arith.constant 16 : i32
      %mul3A_170 = arith.muli %add3A_168, %mul3A_169 : i32
      %get3A_171 = arith.index_cast %mul3A_170 : i32 to index
      %get3A_172 = tpu.vector_load %arg21[%get3A_171] {strides = array<i32>} : memref<1024xf32, #tpu.memory_space<vmem>>, vector<16xf32>,
      %get3A_173 = vector.shape_cast %get3A_172 : vector<16xf32> to vector<16xf32>
      %add3A_174 = arith.constant 4 : i32
      %add3A_175 = arith.addi %mul3A_146, %add3A_174 : i32
      %mul3A_176 = arith.constant 16 : i32
      %mul3A_177 = arith.muli %add3A_175, %mul3A_176 : i32
      %get3A_178 = arith.index_cast %mul3A_177 : i32 to index
      %get3A_179 = tpu.vector_load %arg21[%get3A_178] {strides = array<i32>} : memref<1024xf32, #tpu.memory_space<vmem>>, vector<16xf32>,
      %get3A_180 = vector.shape_cast %get3A_179 : vector<16xf32> to vector<16xf32>
      %add3A_181 = arith.constant 5 : i32
      %add3A_182 = arith.addi %mul3A_146, %add3A_181 : i32
      %mul3A_183 = arith.constant 16 : i32
      %mul3A_184 = arith.muli %add3A_182, %mul3A_183 : i32
      %get3A_185 = arith.index_cast %mul3A_184 : i32 to index
      %get3A_186 = tpu.vector_load %arg21[%get3A_185] {strides = array<i32>} : memref<1024xf32, #tpu.memory_space<vmem>>, vector<16xf32>,
      %get3A_187 = vector.shape_cast %get3A_186 : vector<16xf32> to vector<16xf32>
      %add3A_188 = arith.constant 6 : i32
      %add3A_189 = arith.addi %mul3A_146, %add3A_188 : i32
      %mul3A_190 = arith.constant 16 : i32
      %mul3A_191 = arith.muli %add3A_189, %mul3A_190 : i32
      %get3A_192 = arith.index_cast %mul3A_191 : i32 to index
      %get3A_193 = tpu.vector_load %arg21[%get3A_192] {strides = array<i32>} : memref<1024xf32, #tpu.memory_space<vmem>>, vector<16xf32>,
      %get3A_194 = vector.shape_cast %get3A_193 : vector<16xf32> to vector<16xf32>
      %add3A_195 = arith.constant 7 : i32
      %add3A_196 = arith.addi %mul3A_146, %add3A_195 : i32
      %mul3A_197 = arith.constant 16 : i32
      %mul3A_198 = arith.muli %add3A_196, %mul3A_197 : i32
      %get3A_199 = arith.index_cast %mul3A_198 : i32 to index
      %get3A_200 = tpu.vector_load %arg21[%get3A_199] {strides = array<i32>} : memref<1024xf32, #tpu.memory_space<vmem>>, vector<16xf32>,
      %get3A_201 = vector.shape_cast %get3A_200 : vector<16xf32> to vector<16xf32>
      %xor3A = arith.constant 4 : i32
      %xor3A_202 = vector.broadcast %xor3A : i32 to vector<16xi32>
      %xor3A_203 = arith.xori %iota3A, %xor3A_202 : vector<16xi32>
      %lt3A = arith.constant 0 : i32
      %lt3A_204 = vector.broadcast %lt3A : i32 to vector<16xi32>
      %lt3A_205 = arith.cmpi slt, %xor3A_203, %lt3A_204 : vector<16xi32>
      %add3A_206 = arith.constant 16 : i32
      %add3A_207 = vector.broadcast %add3A_206 : i32 to vector<16xi32>
      %add3A_208 = arith.addi %xor3A_203, %add3A_207 : vector<16xi32>
      %select_n3A = arith.select %lt3A_205, %add3A_208, %xor3A_203 : vector<16xi1>, vector<16xi32>
      %broadcast_in_dim3A = vector.shape_cast %select_n3A : vector<16xi32> to vector<16x1xi32>
      %gather3A = vector.shape_cast %broadcast_in_dim3A : vector<16x1xi32> to vector<16xi32>
      %gather3A_209 = tpu.dynamic_gather %get3A_152[%gather3A] in [0] : vector<16xf32>, vector<16xi32> -> vector<16xf32>
      %xor3A_210 = arith.constant 4 : i32
      %xor3A_211 = vector.broadcast %xor3A_210 : i32 to vector<16xi32>
      %xor3A_212 = arith.xori %iota3A, %xor3A_211 : vector<16xi32>
      %lt3A_213 = arith.constant 0 : i32
      %lt3A_214 = vector.broadcast %lt3A_213 : i32 to vector<16xi32>
      %lt3A_215 = arith.cmpi slt, %xor3A_212, %lt3A_214 : vector<16xi32>
      %add3A_216 = arith.constant 16 : i32
      %add3A_217 = vector.broadcast %add3A_216 : i32 to vector<16xi32>
      %add3A_218 = arith.addi %xor3A_212, %add3A_217 : vector<16xi32>
      %select_n3A_219 = arith.select %lt3A_215, %add3A_218, %xor3A_212 : vector<16xi1>, vector<16xi32>
      %broadcast_in_dim3A_220 = vector.shape_cast %select_n3A_219 : vector<16xi32> to vector<16x1xi32>
      %gather3A_221 = vector.shape_cast %broadcast_in_dim3A_220 : vector<16x1xi32> to vector<16xi32>
      %gather3A_222 = tpu.dynamic_gather %get3A_180[%gather3A_221] in [0] : vector<16xf32>, vector<16xi32> -> vector<16xf32>
      %and3A = arith.constant 4 : i32
      %and3A_223 = vector.broadcast %and3A : i32 to vector<16xi32>
      %and3A_224 = arith.andi %iota3A, %and3A_223 : vector<16xi32>
      %eq3A = arith.constant 0 : i32
      %eq3A_225 = vector.broadcast %eq3A : i32 to vector<16xi32>
      %eq3A_226 = arith.cmpi eq, %and3A_224, %eq3A_225 : vector<16xi32>
      %add3A_227 = arith.addf %get3A_152, %gather3A_209 : vector<16xf32>
      %add3A_228 = arith.addf %get3A_180, %gather3A_222 : vector<16xf32>
      %select_n3A_229 = arith.select %eq3A_226, %add3A_227, %add3A_228 : vector<16xi1>, vector<16xf32>
      %xor3A_230 = arith.constant 4 : i32
      %xor3A_231 = vector.broadcast %xor3A_230 : i32 to vector<16xi32>
      %xor3A_232 = arith.xori %iota3A, %xor3A_231 : vector<16xi32>
      %lt3A_233 = arith.constant 0 : i32
      %lt3A_234 = vector.broadcast %lt3A_233 : i32 to vector<16xi32>
      %lt3A_235 = arith.cmpi slt, %xor3A_232, %lt3A_234 : vector<16xi32>
      %add3A_236 = arith.constant 16 : i32
      %add3A_237 = vector.broadcast %add3A_236 : i32 to vector<16xi32>
      %add3A_238 = arith.addi %xor3A_232, %add3A_237 : vector<16xi32>
      %select_n3A_239 = arith.select %lt3A_235, %add3A_238, %xor3A_232 : vector<16xi1>, vector<16xi32>
      %broadcast_in_dim3A_240 = vector.shape_cast %select_n3A_239 : vector<16xi32> to vector<16x1xi32>
      %gather3A_241 = vector.shape_cast %broadcast_in_dim3A_240 : vector<16x1xi32> to vector<16xi32>
      %gather3A_242 = tpu.dynamic_gather %get3A_159[%gather3A_241] in [0] : vector<16xf32>, vector<16xi32> -> vector<16xf32>
      %xor3A_243 = arith.constant 4 : i32
      %xor3A_244 = vector.broadcast %xor3A_243 : i32 to vector<16xi32>
      %xor3A_245 = arith.xori %iota3A, %xor3A_244 : vector<16xi32>
      %lt3A_246 = arith.constant 0 : i32
      %lt3A_247 = vector.broadcast %lt3A_246 : i32 to vector<16xi32>
      %lt3A_248 = arith.cmpi slt, %xor3A_245, %lt3A_247 : vector<16xi32>
      %add3A_249 = arith.constant 16 : i32
      %add3A_250 = vector.broadcast %add3A_249 : i32 to vector<16xi32>
      %add3A_251 = arith.addi %xor3A_245, %add3A_250 : vector<16xi32>
      %select_n3A_252 = arith.select %lt3A_248, %add3A_251, %xor3A_245 : vector<16xi1>, vector<16xi32>
      %broadcast_in_dim3A_253 = vector.shape_cast %select_n3A_252 : vector<16xi32> to vector<16x1xi32>
      %gather3A_254 = vector.shape_cast %broadcast_in_dim3A_253 : vector<16x1xi32> to vector<16xi32>
      %gather3A_255 = tpu.dynamic_gather %get3A_187[%gather3A_254] in [0] : vector<16xf32>, vector<16xi32> -> vector<16xf32>
      %and3A_256 = arith.constant 4 : i32
      %and3A_257 = vector.broadcast %and3A_256 : i32 to vector<16xi32>
      %and3A_258 = arith.andi %iota3A, %and3A_257 : vector<16xi32>
      %eq3A_259 = arith.constant 0 : i32
      %eq3A_260 = vector.broadcast %eq3A_259 : i32 to vector<16xi32>
      %eq3A_261 = arith.cmpi eq, %and3A_258, %eq3A_260 : vector<16xi32>
      %add3A_262 = arith.addf %get3A_159, %gather3A_242 : vector<16xf32>
      %add3A_263 = arith.addf %get3A_187, %gather3A_255 : vector<16xf32>
      %select_n3A_264 = arith.select %eq3A_261, %add3A_262, %add3A_263 : vector<16xi1>, vector<16xf32>
      %xor3A_265 = arith.constant 4 : i32
      %xor3A_266 = vector.broadcast %xor3A_265 : i32 to vector<16xi32>
      %xor3A_267 = arith.xori %iota3A, %xor3A_266 : vector<16xi32>
      %lt3A_268 = arith.constant 0 : i32
      %lt3A_269 = vector.broadcast %lt3A_268 : i32 to vector<16xi32>
      %lt3A_270 = arith.cmpi slt, %xor3A_267, %lt3A_269 : vector<16xi32>
      %add3A_271 = arith.constant 16 : i32
      %add3A_272 = vector.broadcast %add3A_271 : i32 to vector<16xi32>
      %add3A_273 = arith.addi %xor3A_267, %add3A_272 : vector<16xi32>
      %select_n3A_274 = arith.select %lt3A_270, %add3A_273, %xor3A_267 : vector<16xi1>, vector<16xi32>
      %broadcast_in_dim3A_275 = vector.shape_cast %select_n3A_274 : vector<16xi32> to vector<16x1xi32>
      %gather3A_276 = vector.shape_cast %broadcast_in_dim3A_275 : vector<16x1xi32> to vector<16xi32>
      %gather3A_277 = tpu.dynamic_gather %get3A_166[%gather3A_276] in [0] : vector<16xf32>, vector<16xi32> -> vector<16xf32>
      %xor3A_278 = arith.constant 4 : i32
      %xor3A_279 = vector.broadcast %xor3A_278 : i32 to vector<16xi32>
      %xor3A_280 = arith.xori %iota3A, %xor3A_279 : vector<16xi32>
      %lt3A_281 = arith.constant 0 : i32
      %lt3A_282 = vector.broadcast %lt3A_281 : i32 to vector<16xi32>
      %lt3A_283 = arith.cmpi slt, %xor3A_280, %lt3A_282 : vector<16xi32>
      %add3A_284 = arith.constant 16 : i32
      %add3A_285 = vector.broadcast %add3A_284 : i32 to vector<16xi32>
      %add3A_286 = arith.addi %xor3A_280, %add3A_285 : vector<16xi32>
      %select_n3A_287 = arith.select %lt3A_283, %add3A_286, %xor3A_280 : vector<16xi1>, vector<16xi32>
      %broadcast_in_dim3A_288 = vector.shape_cast %select_n3A_287 : vector<16xi32> to vector<16x1xi32>
      %gather3A_289 = vector.shape_cast %broadcast_in_dim3A_288 : vector<16x1xi32> to vector<16xi32>
      %gather3A_290 = tpu.dynamic_gather %get3A_194[%gather3A_289] in [0] : vector<16xf32>, vector<16xi32> -> vector<16xf32>
      %and3A_291 = arith.constant 4 : i32
      %and3A_292 = vector.broadcast %and3A_291 : i32 to vector<16xi32>
      %and3A_293 = arith.andi %iota3A, %and3A_292 : vector<16xi32>
      %eq3A_294 = arith.constant 0 : i32
      %eq3A_295 = vector.broadcast %eq3A_294 : i32 to vector<16xi32>
      %eq3A_296 = arith.cmpi eq, %and3A_293, %eq3A_295 : vector<16xi32>
      %add3A_297 = arith.addf %get3A_166, %gather3A_277 : vector<16xf32>
      %add3A_298 = arith.addf %get3A_194, %gather3A_290 : vector<16xf32>
      %select_n3A_299 = arith.select %eq3A_296, %add3A_297, %add3A_298 : vector<16xi1>, vector<16xf32>
      %xor3A_300 = arith.constant 4 : i32
      %xor3A_301 = vector.broadcast %xor3A_300 : i32 to vector<16xi32>
      %xor3A_302 = arith.xori %iota3A, %xor3A_301 : vector<16xi32>
      %lt3A_303 = arith.constant 0 : i32
      %lt3A_304 = vector.broadcast %lt3A_303 : i32 to vector<16xi32>
      %lt3A_305 = arith.cmpi slt, %xor3A_302, %lt3A_304 : vector<16xi32>
      %add3A_306 = arith.constant 16 : i32
      %add3A_307 = vector.broadcast %add3A_306 : i32 to vector<16xi32>
      %add3A_308 = arith.addi %xor3A_302, %add3A_307 : vector<16xi32>
      %select_n3A_309 = arith.select %lt3A_305, %add3A_308, %xor3A_302 : vector<16xi1>, vector<16xi32>
      %broadcast_in_dim3A_310 = vector.shape_cast %select_n3A_309 : vector<16xi32> to vector<16x1xi32>
      %gather3A_311 = vector.shape_cast %broadcast_in_dim3A_310 : vector<16x1xi32> to vector<16xi32>
      %gather3A_312 = tpu.dynamic_gather %get3A_173[%gather3A_311] in [0] : vector<16xf32>, vector<16xi32> -> vector<16xf32>
      %xor3A_313 = arith.constant 4 : i32
      %xor3A_314 = vector.broadcast %xor3A_313 : i32 to vector<16xi32>
      %xor3A_315 = arith.xori %iota3A, %xor3A_314 : vector<16xi32>
      %lt3A_316 = arith.constant 0 : i32
      %lt3A_317 = vector.broadcast %lt3A_316 : i32 to vector<16xi32>
      %lt3A_318 = arith.cmpi slt, %xor3A_315, %lt3A_317 : vector<16xi32>
      %add3A_319 = arith.constant 16 : i32
      %add3A_320 = vector.broadcast %add3A_319 : i32 to vector<16xi32>
      %add3A_321 = arith.addi %xor3A_315, %add3A_320 : vector<16xi32>
      %select_n3A_322 = arith.select %lt3A_318, %add3A_321, %xor3A_315 : vector<16xi1>, vector<16xi32>
      %broadcast_in_dim3A_323 = vector.shape_cast %select_n3A_322 : vector<16xi32> to vector<16x1xi32>
      %gather3A_324 = vector.shape_cast %broadcast_in_dim3A_323 : vector<16x1xi32> to vector<16xi32>
      %gather3A_325 = tpu.dynamic_gather %get3A_201[%gather3A_324] in [0] : vector<16xf32>, vector<16xi32> -> vector<16xf32>
      %and3A_326 = arith.constant 4 : i32
      %and3A_327 = vector.broadcast %and3A_326 : i32 to vector<16xi32>
      %and3A_328 = arith.andi %iota3A, %and3A_327 : vector<16xi32>
      %eq3A_329 = arith.constant 0 : i32
      %eq3A_330 = vector.broadcast %eq3A_329 : i32 to vector<16xi32>
      %eq3A_331 = arith.cmpi eq, %and3A_328, %eq3A_330 : vector<16xi32>
      %add3A_332 = arith.addf %get3A_173, %gather3A_312 : vector<16xf32>
      %add3A_333 = arith.addf %get3A_201, %gather3A_325 : vector<16xf32>
      %select_n3A_334 = arith.select %eq3A_331, %add3A_332, %add3A_333 : vector<16xi1>, vector<16xf32>
      %xor3A_335 = arith.constant 2 : i32
      %xor3A_336 = vector.broadcast %xor3A_335 : i32 to vector<16xi32>
      %xor3A_337 = arith.xori %iota3A, %xor3A_336 : vector<16xi32>
      %lt3A_338 = arith.constant 0 : i32
      %lt3A_339 = vector.broadcast %lt3A_338 : i32 to vector<16xi32>
      %lt3A_340 = arith.cmpi slt, %xor3A_337, %lt3A_339 : vector<16xi32>
      %add3A_341 = arith.constant 16 : i32
      %add3A_342 = vector.broadcast %add3A_341 : i32 to vector<16xi32>
      %add3A_343 = arith.addi %xor3A_337, %add3A_342 : vector<16xi32>
      %select_n3A_344 = arith.select %lt3A_340, %add3A_343, %xor3A_337 : vector<16xi1>, vector<16xi32>
      %broadcast_in_dim3A_345 = vector.shape_cast %select_n3A_344 : vector<16xi32> to vector<16x1xi32>
      %gather3A_346 = vector.shape_cast %broadcast_in_dim3A_345 : vector<16x1xi32> to vector<16xi32>
      %gather3A_347 = tpu.dynamic_gather %select_n3A_229[%gather3A_346] in [0] : vector<16xf32>, vector<16xi32> -> vector<16xf32>
      %xor3A_348 = arith.constant 2 : i32
      %xor3A_349 = vector.broadcast %xor3A_348 : i32 to vector<16xi32>
      %xor3A_350 = arith.xori %iota3A, %xor3A_349 : vector<16xi32>
      %lt3A_351 = arith.constant 0 : i32
      %lt3A_352 = vector.broadcast %lt3A_351 : i32 to vector<16xi32>
      %lt3A_353 = arith.cmpi slt, %xor3A_350, %lt3A_352 : vector<16xi32>
      %add3A_354 = arith.constant 16 : i32
      %add3A_355 = vector.broadcast %add3A_354 : i32 to vector<16xi32>
      %add3A_356 = arith.addi %xor3A_350, %add3A_355 : vector<16xi32>
      %select_n3A_357 = arith.select %lt3A_353, %add3A_356, %xor3A_350 : vector<16xi1>, vector<16xi32>
      %broadcast_in_dim3A_358 = vector.shape_cast %select_n3A_357 : vector<16xi32> to vector<16x1xi32>
      %gather3A_359 = vector.shape_cast %broadcast_in_dim3A_358 : vector<16x1xi32> to vector<16xi32>
      %gather3A_360 = tpu.dynamic_gather %select_n3A_299[%gather3A_359] in [0] : vector<16xf32>, vector<16xi32> -> vector<16xf32>
      %and3A_361 = arith.constant 2 : i32
      %and3A_362 = vector.broadcast %and3A_361 : i32 to vector<16xi32>
      %and3A_363 = arith.andi %iota3A, %and3A_362 : vector<16xi32>
      %eq3A_364 = arith.constant 0 : i32
      %eq3A_365 = vector.broadcast %eq3A_364 : i32 to vector<16xi32>
      %eq3A_366 = arith.cmpi eq, %and3A_363, %eq3A_365 : vector<16xi32>
      %add3A_367 = arith.addf %select_n3A_229, %gather3A_347 : vector<16xf32>
      %add3A_368 = arith.addf %select_n3A_299, %gather3A_360 : vector<16xf32>
      %select_n3A_369 = arith.select %eq3A_366, %add3A_367, %add3A_368 : vector<16xi1>, vector<16xf32>
      %xor3A_370 = arith.constant 2 : i32
      %xor3A_371 = vector.broadcast %xor3A_370 : i32 to vector<16xi32>
      %xor3A_372 = arith.xori %iota3A, %xor3A_371 : vector<16xi32>
      %lt3A_373 = arith.constant 0 : i32
      %lt3A_374 = vector.broadcast %lt3A_373 : i32 to vector<16xi32>
      %lt3A_375 = arith.cmpi slt, %xor3A_372, %lt3A_374 : vector<16xi32>
      %add3A_376 = arith.constant 16 : i32
      %add3A_377 = vector.broadcast %add3A_376 : i32 to vector<16xi32>
      %add3A_378 = arith.addi %xor3A_372, %add3A_377 : vector<16xi32>
      %select_n3A_379 = arith.select %lt3A_375, %add3A_378, %xor3A_372 : vector<16xi1>, vector<16xi32>
      %broadcast_in_dim3A_380 = vector.shape_cast %select_n3A_379 : vector<16xi32> to vector<16x1xi32>
      %gather3A_381 = vector.shape_cast %broadcast_in_dim3A_380 : vector<16x1xi32> to vector<16xi32>
      %gather3A_382 = tpu.dynamic_gather %select_n3A_264[%gather3A_381] in [0] : vector<16xf32>, vector<16xi32> -> vector<16xf32>
      %xor3A_383 = arith.constant 2 : i32
      %xor3A_384 = vector.broadcast %xor3A_383 : i32 to vector<16xi32>
      %xor3A_385 = arith.xori %iota3A, %xor3A_384 : vector<16xi32>
      %lt3A_386 = arith.constant 0 : i32
      %lt3A_387 = vector.broadcast %lt3A_386 : i32 to vector<16xi32>
      %lt3A_388 = arith.cmpi slt, %xor3A_385, %lt3A_387 : vector<16xi32>
      %add3A_389 = arith.constant 16 : i32
      %add3A_390 = vector.broadcast %add3A_389 : i32 to vector<16xi32>
      %add3A_391 = arith.addi %xor3A_385, %add3A_390 : vector<16xi32>
      %select_n3A_392 = arith.select %lt3A_388, %add3A_391, %xor3A_385 : vector<16xi1>, vector<16xi32>
      %broadcast_in_dim3A_393 = vector.shape_cast %select_n3A_392 : vector<16xi32> to vector<16x1xi32>
      %gather3A_394 = vector.shape_cast %broadcast_in_dim3A_393 : vector<16x1xi32> to vector<16xi32>
      %gather3A_395 = tpu.dynamic_gather %select_n3A_334[%gather3A_394] in [0] : vector<16xf32>, vector<16xi32> -> vector<16xf32>
      %and3A_396 = arith.constant 2 : i32
      %and3A_397 = vector.broadcast %and3A_396 : i32 to vector<16xi32>
      %and3A_398 = arith.andi %iota3A, %and3A_397 : vector<16xi32>
      %eq3A_399 = arith.constant 0 : i32
      %eq3A_400 = vector.broadcast %eq3A_399 : i32 to vector<16xi32>
      %eq3A_401 = arith.cmpi eq, %and3A_398, %eq3A_400 : vector<16xi32>
      %add3A_402 = arith.addf %select_n3A_264, %gather3A_382 : vector<16xf32>
      %add3A_403 = arith.addf %select_n3A_334, %gather3A_395 : vector<16xf32>
      %select_n3A_404 = arith.select %eq3A_401, %add3A_402, %add3A_403 : vector<16xi1>, vector<16xf32>
      %xor3A_405 = arith.constant 1 : i32
      %xor3A_406 = vector.broadcast %xor3A_405 : i32 to vector<16xi32>
      %xor3A_407 = arith.xori %iota3A, %xor3A_406 : vector<16xi32>
      %lt3A_408 = arith.constant 0 : i32
      %lt3A_409 = vector.broadcast %lt3A_408 : i32 to vector<16xi32>
      %lt3A_410 = arith.cmpi slt, %xor3A_407, %lt3A_409 : vector<16xi32>
      %add3A_411 = arith.constant 16 : i32
      %add3A_412 = vector.broadcast %add3A_411 : i32 to vector<16xi32>
      %add3A_413 = arith.addi %xor3A_407, %add3A_412 : vector<16xi32>
      %select_n3A_414 = arith.select %lt3A_410, %add3A_413, %xor3A_407 : vector<16xi1>, vector<16xi32>
      %broadcast_in_dim3A_415 = vector.shape_cast %select_n3A_414 : vector<16xi32> to vector<16x1xi32>
      %gather3A_416 = vector.shape_cast %broadcast_in_dim3A_415 : vector<16x1xi32> to vector<16xi32>
      %gather3A_417 = tpu.dynamic_gather %select_n3A_369[%gather3A_416] in [0] : vector<16xf32>, vector<16xi32> -> vector<16xf32>
      %xor3A_418 = arith.constant 1 : i32
      %xor3A_419 = vector.broadcast %xor3A_418 : i32 to vector<16xi32>
      %xor3A_420 = arith.xori %iota3A, %xor3A_419 : vector<16xi32>
      %lt3A_421 = arith.constant 0 : i32
      %lt3A_422 = vector.broadcast %lt3A_421 : i32 to vector<16xi32>
      %lt3A_423 = arith.cmpi slt, %xor3A_420, %lt3A_422 : vector<16xi32>
      %add3A_424 = arith.constant 16 : i32
      %add3A_425 = vector.broadcast %add3A_424 : i32 to vector<16xi32>
      %add3A_426 = arith.addi %xor3A_420, %add3A_425 : vector<16xi32>
      %select_n3A_427 = arith.select %lt3A_423, %add3A_426, %xor3A_420 : vector<16xi1>, vector<16xi32>
      %broadcast_in_dim3A_428 = vector.shape_cast %select_n3A_427 : vector<16xi32> to vector<16x1xi32>
      %gather3A_429 = vector.shape_cast %broadcast_in_dim3A_428 : vector<16x1xi32> to vector<16xi32>
      %gather3A_430 = tpu.dynamic_gather %select_n3A_404[%gather3A_429] in [0] : vector<16xf32>, vector<16xi32> -> vector<16xf32>
      %and3A_431 = arith.constant 1 : i32
      %and3A_432 = vector.broadcast %and3A_431 : i32 to vector<16xi32>
      %and3A_433 = arith.andi %iota3A, %and3A_432 : vector<16xi32>
      %eq3A_434 = arith.constant 0 : i32
      %eq3A_435 = vector.broadcast %eq3A_434 : i32 to vector<16xi32>
      %eq3A_436 = arith.cmpi eq, %and3A_433, %eq3A_435 : vector<16xi32>
      %add3A_437 = arith.addf %select_n3A_369, %gather3A_417 : vector<16xf32>
      %add3A_438 = arith.addf %select_n3A_404, %gather3A_430 : vector<16xf32>
      %select_n3A_439 = arith.select %eq3A_436, %add3A_437, %add3A_438 : vector<16xi1>, vector<16xf32>
      %add3A_440 = arith.constant 9.99999996E-13 : f32
      %add3A_441 = vector.broadcast %add3A_440 : f32 to vector<16xf32>
      %add3A_442 = arith.addf %select_n3A_439, %add3A_441 : vector<16xf32>
      %bitcast_convert_type3A = tpu.bitcast %add3A_442 : vector<16xf32> -> vector<16xi32>
      %shift_right_arithmetic3A = arith.constant 1 : i32
      %shift_right_arithmetic3A_443 = vector.broadcast %shift_right_arithmetic3A : i32 to vector<16xi32>
      %shift_right_arithmetic3A_444 = arith.shrsi %bitcast_convert_type3A, %shift_right_arithmetic3A_443 : vector<16xi32>
      %sub3A = arith.constant 1597463007 : i32
      %sub3A_445 = vector.broadcast %sub3A : i32 to vector<16xi32>
      %sub3A_446 = arith.subi %sub3A_445, %shift_right_arithmetic3A_444 : vector<16xi32>
      %bitcast_convert_type3A_447 = tpu.bitcast %sub3A_446 : vector<16xi32> -> vector<16xf32>
      %mul3A_448 = arith.constant 5.000000e-01 : f32
      %mul3A_449 = vector.broadcast %mul3A_448 : f32 to vector<16xf32>
      %mul3A_450 = arith.mulf %mul3A_449, %add3A_442 : vector<16xf32>
      %mul3A_451 = arith.mulf %mul3A_450, %bitcast_convert_type3A_447 : vector<16xf32>
      %mul3A_452 = arith.mulf %mul3A_451, %bitcast_convert_type3A_447 : vector<16xf32>
      %sub3A_453 = arith.constant 1.500000e+00 : f32
      %sub3A_454 = vector.broadcast %sub3A_453 : f32 to vector<16xf32>
      %sub3A_455 = arith.subf %sub3A_454, %mul3A_452 : vector<16xf32>
      %mul3A_456 = arith.mulf %bitcast_convert_type3A_447, %sub3A_455 : vector<16xf32>
      %mul3A_457 = arith.constant 5.000000e-01 : f32
      %mul3A_458 = vector.broadcast %mul3A_457 : f32 to vector<16xf32>
      %mul3A_459 = arith.mulf %mul3A_458, %add3A_442 : vector<16xf32>
      %mul3A_460 = arith.mulf %mul3A_459, %mul3A_456 : vector<16xf32>
      %mul3A_461 = arith.mulf %mul3A_460, %mul3A_456 : vector<16xf32>
      %sub3A_462 = arith.constant 1.500000e+00 : f32
      %sub3A_463 = vector.broadcast %sub3A_462 : f32 to vector<16xf32>
      %sub3A_464 = arith.subf %sub3A_463, %mul3A_461 : vector<16xf32>
      %mul3A_465 = arith.mulf %mul3A_456, %sub3A_464 : vector<16xf32>
      %mul3A_466 = arith.constant 5.000000e-01 : f32
      %mul3A_467 = vector.broadcast %mul3A_466 : f32 to vector<16xf32>
      %mul3A_468 = arith.mulf %mul3A_467, %add3A_442 : vector<16xf32>
      %mul3A_469 = arith.mulf %mul3A_468, %mul3A_465 : vector<16xf32>
      %mul3A_470 = arith.mulf %mul3A_469, %mul3A_465 : vector<16xf32>
      %sub3A_471 = arith.constant 1.500000e+00 : f32
      %sub3A_472 = vector.broadcast %sub3A_471 : f32 to vector<16xf32>
      %sub3A_473 = arith.subf %sub3A_472, %mul3A_470 : vector<16xf32>
      %mul3A_474 = arith.mulf %mul3A_465, %sub3A_473 : vector<16xf32>
      %mul3A_475 = arith.mulf %add3A_442, %mul3A_474 : vector<16xf32>
      %neg3A = arith.constant 0.000000e+00 : f32
      %neg3A_476 = vector.broadcast %neg3A : f32 to vector<16xf32>
      %neg3A_477 = arith.subf %neg3A_476, %mul3A_475 : vector<16xf32>
      %mul3A_478 = arith.constant 16 : i32
      %mul3A_479 = arith.muli %scan3A_144, %mul3A_478 : i32
      %swap3A = arith.index_cast %mul3A_479 : i32 to index
      %swap3A_480 = tpu.vector_load %arg20[%swap3A] {strides = array<i32>} : memref<128xf32, #tpu.memory_space<vmem>>, vector<16xf32>,
      %swap3A_481 = vector.shape_cast %swap3A_480 : vector<16xf32> to vector<16xf32>
      %swap3A_482 = vector.shape_cast %neg3A_477 : vector<16xf32> to vector<16xf32>
      tpu.vector_store %arg20[%swap3A], %swap3A_482 {strides = array<i32>} : memref<128xf32, #tpu.memory_space<vmem>>, vector<16xf32>,
    }
    %scan3A_140 = arith.constant 8 : i32
    %add3A_141 = arith.constant 384 : i32
    %add3A_142 = arith.addi %multiple_of3A, %add3A_141 : i32
    %multiple_of3A_143 = tpu.assume_multiple %add3A_142, 128 : i32
    "tpu.region"() ({
      %run_scoped3A = tpu.sem_alloc : memref<!tpu.dma_semaphore, #tpu.memory_space<semaphore_mem>>
      %dma_start3A_144 = tpu.memref_slice %arg7[%multiple_of3A_143] : memref<16384xf32, #tpu.memory_space<hbm>> -> memref<128xf32, #tpu.memory_space<hbm>>
      %dma_start3A_145 = tpu.memref_slice %arg7[%multiple_of3A_143] : memref<16384xf32, #tpu.memory_space<hbm>> -> memref<128xf32, #tpu.memory_space<hbm>>
      tpu.enqueue_dma source(%arg20 : memref<128xf32, #tpu.memory_space<vmem>>) target(%dma_start3A_145 : memref<128xf32, #tpu.memory_space<hbm>>) target_semaphore(%run_scoped3A : memref<!tpu.dma_semaphore, #tpu.memory_space<semaphore_mem>>)
      %dma_wait3A_146 = tpu.memref_slice %arg7[%multiple_of3A_143] : memref<16384xf32, #tpu.memory_space<hbm>> -> memref<128xf32, #tpu.memory_space<hbm>>
      %dma_wait3A_147 = tpu.memref_slice %arg7[%multiple_of3A_143] : memref<16384xf32, #tpu.memory_space<hbm>> -> memref<128xf32, #tpu.memory_space<hbm>>
      tpu.wait_dma2 semaphore(%run_scoped3A : memref<!tpu.dma_semaphore, #tpu.memory_space<semaphore_mem>>) src(%arg20 : memref<128xf32, #tpu.memory_space<vmem>>) dst(%dma_wait3A_147 : memref<128xf32, #tpu.memory_space<hbm>>)
      tpu.yield
    }) : () -> ()
    return
  }
}

</mosaic_0001>

<sc_bundles>
// kernel: kernel.3.cloned.1.call-start
scs
__scs_entry_jumppad:
0x0: {  	(pc) =	sbr.rel $0x88, $3  }
0x1: {  	(tag) =	ssettag $0x0;
	lr =	simm.s32 $0x1  }
0x2: {  	[smem:$0x3F9C] =	sst lr;
	_ =	strace $0xD0000000  }
0x3: {  	_ = 	snop  }
0x4: {  	_ = 	snop  }
0x5: {  	_ = 	snop  }
0x6: {  	_ = 	snop  }
0x7: {  	_ = 	snop  }
__scs_overlays_trampoline_lowered:
0x8: {  	[smem:$0x3FAB] =	sst s0  }
0x9: {  	[smem:$0x3FAC] =	sst s1  }
0xa: {  	[smem:$0x3FAD] =	sst s2  }
0xb: {  	[smem:$0x3FAE] =	sst s3  }
0xc: {  	[smem:$0x3FAF] =	sst s4  }
0xd: {  	[smem:$0x3FB0] =	sst s5  }
0xe: {  	[smem:$0x3FB1] =	sst s6  }
0xf: {  	[smem:$0x3FB2] =	sst s7  }
0x10: {  	[smem:$0x3FB3] =	sst s8  }
0x11: {  	[smem:$0x3FB4] =	sst s9;
	s0 =	simm.s32 @!p0 $0x0  }
0x12: {  	s1 =	sld [smem:$0x3F9A];
	s0 =	simm.s32 @p0 $0x1  }
0x13: {  	[smem:$0x3FB5] =	sst s0;
	s0 =	simm.s32 @!p1 $0x0  }
0x14: {  	s2 =	sld [smem:$0x3F99];
	s0 =	simm.s32 @p1 $0x1  }
0x15: {  	[smem:$0x3FB6] =	sst s0;
	s0 =	simm.s32 @!p2 $0x0  }
0x16: {  	s3 =	sld [smem:$0x3FDB];
	s0 =	simm.s32 @p2 $0x1  }
0x17: {  	s4 =	simm.s32 $0x1BF5;
	[smem:$0x3FB8] =	sst s0  }
0x18: {  	s0 =	sld [smem:$0x3F9B];
	_ =	swait.ge [sflag:s4], $0x0  }
0x19: {  	s7 =	sld [smem:$0x3F9C]  }
0x1a: {  	s8 =	sadd.s32 $0xFFFFE003, lr  }
0x1b: {  	s9 =	sadd.s32 $0xFFFFFEF7, lr;
	s5 =	simm.s32 $0xFFFFFFFF;
	p2 =	slt.u32 s8, $0xFFFFF086  }
0x1c: {  	p1 =	slt.u32 s9, $0xF7A;
	s5 =	simm.s32 @!p2 $0x0  }
0x1d: {  	s5 =	simm.s32 @p1 $0x1;
	p0 =	seq.s32 s7, s2  }
0x1e: {  	s7 =	smul.u32 @!p0 $0xF7A, s2;
	p2 =	seq.s32 @!p0 s5, $0x0  }
0x1f: {  	s9 =	smul.u32 $0xF7A, s1;
	s8 =	simm.s32 @!p0 $0x1BF5;
	p2 =	por !p2, p0  }
0x20: {  	[sflag:s8] =	ssyncset.s32 @!p0 $0xFFFFF086;
	s6 =	sadd.s32 @!p0 s3, s7;
	s7 =	simm.s32 @!p0 $0x108  }
0x21: {  	s3 =	sadd.s32 s3, s9;
	s6 =	sadd.s32 @!p0 $0x88, s6;
	s7 =	simm.s32 @p2 $0x1082  }
0x22: {  	[simem:s7], [sflag:s8] =	dma.local @!p0 [hbm:s6], $0xF7A  }
0x23: {  	s9 =	sor.u32 $0xD0000000, s2;
	s6 =	simm.s32 $0x108;
	_ =	swait.ge @!p0 [sflag:s8], $0x0  }
0x24: {  	s3 =	sadd.s32 $0x88, s3;
	s6 =	simm.s32 @!p1 $0x1082;
	[sflag:s4] =	ssyncset.s32 $0xFFFFF086  }
0x25: {  	[simem:s6], [sflag:s4] =	dma.local [hbm:s3], $0xF7A  }
0x26: {  	[smem:$0x3F9C] =	sst s1;
	(tag) =	ssettag s2;
	_ =	strace s9  }
0x27: {  	s1 =	sld [smem:$0x3FAC]  }
0x28: {  	s2 =	sld [smem:$0x3FAD]  }
0x29: {  	s4 =	sld [smem:$0x3FAF]  }
0x2a: {  	p0 =	seq.s32 s5, $0x0;
	s5 =	sld [smem:$0x3FB0]  }
0x2b: {  	s6 =	sld [smem:$0x3FB1]  }
0x2c: {  	s7 =	sld [smem:$0x3FB2]  }
0x2d: {  	s3 =	simm.s32 $0x108;
	s8 =	sld [smem:$0x3FB3]  }
0x2e: {  	s3 =	simm.s32 @!p0 $0x1082;
	s9 =	sld [smem:$0x3FB4]  }
0x2f: {  	lr =	sadd.s32 s0, s3;
	s0 =	sld [smem:$0x3FAB]  }
0x30: {  	s3 =	sld [smem:$0x3FAE]  }
0x31: {  	[smem:$0x3FB7] =	sst s10  }
0x32: {  	s10 =	sld [smem:$0x3FB5];
	_ =	sdelay $0x3  }
0x33: {  	p0 =	seq.s32 s10, $0x1;
	s10 =	sld [smem:$0x3FB7];
	_ =	sdelay $0x3  }
0x34: {  	[smem:$0x3FB7] =	sst s10  }
0x35: {  	s10 =	sld [smem:$0x3FB6];
	_ =	sdelay $0x3  }
0x36: {  	p1 =	seq.s32 s10, $0x1;
	s10 =	sld [smem:$0x3FB7];
	_ =	sdelay $0x3  }
0x37: {  	[smem:$0x3FB7] =	sst s10  }
0x38: {  	s10 =	sld [smem:$0x3FB8]  }
0x39: {  	_ = 	snop;
	(pc) =	sbr.ind lr, $3  }
0x3a: {  	_ = 	snop  }
0x3b: {  	_ = 	snop  }
0x3c: {  	p2 =	seq.s32 s10, $0x1;
	s10 =	sld [smem:$0x3FB7]  }
0x3d: {  	_ =	shalt  }
0x3e: {  	_ =	shalt  }
0x3f: {  	_ =	shalt  }
0x40: {  	_ =	shalt  }
0x41: {  	_ =	shalt  }
0x42: {  	_ =	shalt  }
0x43: {  	_ =	shalt  }
0x44: {  	_ =	shalt  }
0x45: {  	_ =	shalt  }
0x46: {  	_ =	shalt  }
0x47: {  	_ =	shalt  }
0x48: {  	_ =	shalt  }
0x49: {  	_ =	shalt  }
0x4a: {  	_ =	shalt  }
0x4b: {  	_ =	shalt  }
0x4c: {  	_ =	shalt  }
0x4d: {  	_ =	shalt  }
0x4e: {  	_ =	shalt  }
0x4f: {  	_ =	shalt  }
0x50: {  	_ =	shalt  }
0x51: {  	_ =	shalt  }
0x52: {  	_ =	shalt  }
0x53: {  	_ =	shalt  }
0x54: {  	_ =	shalt  }
0x55: {  	_ =	shalt  }
0x56: {  	_ =	shalt  }
0x57: {  	_ =	shalt  }
0x58: {  	_ =	shalt  }
0x59: {  	_ =	shalt  }
0x5a: {  	_ =	shalt  }
0x5b: {  	_ =	shalt  }
0x5c: {  	_ =	shalt  }
0x5d: {  	_ =	shalt  }
0x5e: {  	_ =	shalt  }
0x5f: {  	_ =	shalt  }
0x60: {  	_ =	shalt  }
0x61: {  	_ =	shalt  }
0x62: {  	_ =	shalt  }
0x63: {  	_ =	shalt  }
0x64: {  	_ =	shalt  }
0x65: {  	_ =	shalt  }
0x66: {  	_ =	shalt  }
0x67: {  	_ =	shalt  }
0x68: {  	_ =	shalt  }
0x69: {  	_ =	shalt  }
0x6a: {  	_ =	shalt  }
0x6b: {  	_ =	shalt  }
0x6c: {  	_ =	shalt  }
0x6d: {  	_ =	shalt  }
0x6e: {  	_ =	shalt  }
0x6f: {  	_ =	shalt  }
0x70: {  	_ =	shalt  }
0x71: {  	_ =	shalt  }
0x72: {  	_ =	shalt  }
0x73: {  	_ =	shalt  }
0x74: {  	_ =	shalt  }
0x75: {  	_ =	shalt  }
0x76: {  	_ =	shalt  }
0x77: {  	_ =	shalt  }
0x78: {  	_ =	shalt  }
0x79: {  	_ =	shalt  }
0x7a: {  	_ =	shalt  }
0x7b: {  	_ =	shalt  }
0x7c: {  	_ =	shalt  }
0x7d: {  	_ =	shalt  }
0x7e: {  	_ =	shalt  }
0x7f: {  	_ =	shalt  }
0x80: {  	_ =	shalt  }
0x81: {  	_ =	shalt  }
0x82: {  	_ =	shalt  }
0x83: {  	_ =	shalt  }
0x84: {  	_ =	shalt  }
0x85: {  	_ =	shalt  }
0x86: {  	_ =	shalt  }
0x87: {  	_ =	shalt  }
.Lfunc_end0:
.L_simem_size_0:
called_computation_lowered:
.L_overlay_start_0:
0x88: {  	s2 =	sld [smem:$0x3FD9]  }
0x89: {  	s3 =	sld [smem:$0x3FFE];
	_ =	sdelay $0x1  }
0x8a: {  	s1 =	srdreg.scid  }
0x8b: {  	s0 =	sand.u32 $0x1, s1  }
0x8c: {  	s17 =	sshll.u32 s0, $0xA;
	s2 =	sadd.s32 s3, s2  }
0x8d: {  	s2 =	sadd.s32 s2, s17  }
0x8e: {  	[smem:$0x3FC3] =	sst s2  }
0x8f: {  	_ = 	snop  }
0x90: {  	s2 =	sld [smem:$0x3FC9]  }
0x91: {  	s18 =	sld [smem:$0x3FC8]  }
0x92: {  	s4 =	sld [smem:$0x3FC7]  }
0x93: {  	s5 =	sld [smem:$0x3FD0];
	(tm) =	ssettm $0x1  }
0x94: {  	s6 =	sld [smem:$0x3FFB];
	_ =	sdelay $0x3  }
0x95: {  	_ =	strace s6  }
0x96: {  	s6 =	sld [smem:$0x3FFC];
	_ =	sdelay $0x3  }
0x97: {  	_ =	strace s6  }
0x98: {  	s6 =	sld [smem:$0x3FFD];
	_ =	sdelay $0x3  }
0x99: {  	_ =	strace s6  }
0x9a: {  	_ =	strace $0x8FFFFFFF  }
0x9b: {  	s19 =	sld [smem:$0x3FDB];
	_ =	sdelay $0x1  }
0x9c: {  	s7 =	simm.s32 $_scs_section_size  }
0x9d: {  	s8 =	simm.s32 $_size__tile_overlayer_lowered;
	s9 =	simm.s32 $_tile_overlayer_lowered  }
0x9e: {  	s22 =	simm.s32 $0x1BFF;
	s21 =	sshll.u32 s9, $0x1;
	s6 =	sadd.s32 s7, s19  }
0x9f: {  	s10 =	simm.s32 $0x0;
	s20 =	sshll.u32 s8, $0x1;
	s8 =	sadd.s32 s21, s6  }
0xa0: {  	[timem:s10], [sflag:s22] =	dma.local [hbm:s8], s20  }
0xa1: {  	_ =	swait.ge [sflag:s22], s20  }
0xa2: {  	s7 =	ssub.s32 $0x0, s20;
	[sflag:s22] =	ssyncset.done $0x0  }
0xa3: {  	[sflag:s22] =	ssyncadd.s32 s7;
	_ =	sdelay $0x1  }
0xa4: {  	s23 =	simm.s32 $0x1B8B  }
0xa5: {  	_ =	swait.ge [sflag:s23], $0x1  }
0xa6: {  	[sflag:s23] =	ssyncset.done $0x0  }
0xa7: {  	s25 =	simm.s32 $0x1B8E;
	s24 =	sld [smem:$0x3FFE];
	[sflag:s23] =	ssyncadd.s32 $0xFFFFFFFF  }
0xa8: {  	s26 =	simm.s32 $execute0_lowered;
	[smem:$0x3FD2] =	sst s25  }
0xa9: {  	s8 =	sshll.u32 s26, $0x1;
	_ =	strace $0x80000046;
	[dreg:$0x1] =	wrdreg $0xFFFFFFFF  }
0xaa: {  	s28 =	simm.s32 $_size_execute0_lowered;
	s6 =	sadd.s32 s6, s8;
	[dreg:$0x0] =	wrdreg $0x0  }
0xab: {  	s8 =	sshll.u32 s28, $0x1;
	[dreg:$0x2] =	wrdreg s6  }
0xac: {  	[dreg:$0x3] =	wrdreg s8  }
0xad: {  	[dreg:$0x4] =	wrdreg $0xC0  }
0xae: {  	_ =	task [dreg:s10], $0x5FFFF  }
0xaf: {  	[dreg:$0x1] =	wrdreg $0xFFFFFFFF  }
0xb0: {  	[dreg:$0x0] =	wrdreg $0x60  }
0xb1: {  	[dreg:$0x2] =	wrdreg s2  }
0xb2: {  	[dreg:$0x3] =	wrdreg s18  }
0xb3: {  	[dreg:$0x4] =	wrdreg s4  }
0xb4: {  	[dreg:$0x5] =	wrdreg s24  }
0xb5: {  	[dreg:$0x6] =	wrdreg s5  }
0xb6: {  	[dreg:$0x7] =	wrdreg $0x9  }
0xb7: {  	_ =	task.clear_ibuf [dreg:s10], $0x8FFFF;
	_ =	strace $0x90000046  }
0xb8: {  	s29 =	simm.s32 $0x9;
	_ =	strace $0x80000048  }
0xb9: {  	_ =	swait.ge [sflag:s29], $0x1  }
0xba: {  	[sflag:s29] =	ssyncadd.s32 $0xFFFFFFFF  }
0xbb: {  	_ =	strace $0x90000048  }
0xbc: {  	_ =	sfence  }
0xbd: {  	s30 =	sld [smem:$0x0];
	_ =	sdelay $0x2  }
0xbe: {  	s31 =	sshll.u32 s1, $0xD;
	s1 =	sshrl.u32 s1, $0x2  }
0xbf: {  	s3 =	sand.u32 $0x4000, s31;
	s1 =	sadd.s32 s1, s30  }
0xc0: {  	s0 =	sor.u32 s3, s0;
	s1 =	sshll.u32 s1, $0x11  }
0xc1: {  	s0 =	sor.u32 s1, s0  }
0xc2: {  	s0 =	sadd.s32 $0x8F2B, s0  }
0xc3: {  	[sflag:s0] =	ssyncadd.remote.s32 $0x1  }
0xc4: {  	_ =	sfence.sel $0xFFFF  }
0xc5: {  	[dreg:$0x0] =	wrdreg $0xFFFFFFFF;
	(pc) =	sbr.abs _section_cstart, $3  }
0xc6: {  	[dreg:$0x1] =	wrdreg $0xFFFFFFFF  }
0xc7: {  	_ =	task.clear_ibuf [dreg:s10], $0x2FFFF;
	_ =	strace $0x9FFFFFFF  }
0xc8: {  	(tm) =	ssettm $0x7FFFFFFF  }
0xc9: {  	_ =	shalt  }
tec
execute0_lowered:
.L_overlay_start_1:
0x0: {  	(tag) =	ssettag $0x1  }
0x1: {  	s6 =	rddreg [dreg:$0x0]  }
0x2: {  	s0 =	rddreg [dreg:$0x1]  }
0x3: {  	s2 =	rddreg [dreg:$0x2]  }
0x4: {  	v0 =	vimm.s32 $0x76543210;
	s4 =	rddreg [dreg:$0x3]  }
0x5: {  	v1 =	vimm.s32 $0xFEDCBA98;
	s5 =	rddreg [dreg:$0x4];
	v2 =	vimm.s32 $0xBA98FEDC;
	v3 =	vimm.s32 $0x32107654;
	s1 =	simm.s32 $0x0  }
0x6: {  	s3 =	srdreg.scid;
	v4 =	vimm.s32 $0xDCFE98BA;
	s10 =	stileid.u32;
	v5 =	vimm.s32 $0x54761032;
	s28 =	simm.s32 $0x300  }
0x7: {  	vm0 =	vcmask $0x2F20;
	vm1 =	vcmask $0xF00;
	vm2 =	vcmask $0x1710;
	s29 =	simm.s32 $0x8300;
	s30 =	simm.s32 $0x180;
	s31 =	simm.s32 $0x280  }
0x8: {  	vm3 =	vcmask $0x700;
	vm4 =	vcmask $0x300;
	v1 =	vunpack.c.l.s4.s8 v1;
	[smem:$0x7FF] =	sst s1;
	s7 =	sand.u32 $0x1, s3;
	s3 =	sadd.s32 $0xF42A00, s4  }
0x9: {  	v0 =	vunpack.c.l.s4.s8 v0;
	v2 =	vunpack.c.l.s4.s8 v2;
	v3 =	vunpack.c.l.s4.s8 v3;
	s10 =	sshll.u32 s10, $0x7;
	s8 =	ssub.s32 $0x2, s7;
	s7 =	sshll.u32 s7, $0x6  }
0xa: {  	v4 =	vunpack.c.l.s4.s8 v4;
	s4 =	sadd.s32 $0x600, s4;
	vm0 =	vmor vm1, vm0;
	v1 =	vunpack.c.0.s8.s32 v1;
	s9 =	sshrl.u32 s8, $0x1;
	s7 =	sor.u32 s7, s10  }
0xb: {  	_ =	strace $0x80000047;
	v0 =	vunpack.c.0.s8.s32 v0;
	v2 =	vunpack.c.0.s8.s32 v2;
	v3 =	vunpack.c.0.s8.s32 v3;
	s8 =	ssub.s32 s8, s9;
	s18 =	sadd.s32 s6, s7  }
0xc: {  	vm1 =	vmor vm3, vm2;
	vm3 =	vcmask $0xB08;
	s19 =	sadd.s32 s0, s7;
	s20 =	sor.u32 $0x10, s7;
	s10 =	sadd.s32 s2, s7;
	v1 =	vand.u32 $0xF, v1  }
0xd: {  	s24 =	sadd.s32 s5, s7;
	s25 =	sor.u32 $0x20, s7;
	[dreg:$0x6] =	wrdreg s18;
	v0 =	vcombine.low v1, v0;
	v1 =	vcombine.low v3, v2;
	v2 =	vunpack.c.l.s4.s8 v5  }
0xe: {  	vm2 =	vcmask $0x2720;
	vm3 =	vmor vm4, vm3;
	s7 =	sor.u32 $0x30, s7;
	s9 =	simm.s32 $0x0;
	[dreg:$0x7] =	wrdreg s19  }
0xf: {  	vm4 =	vcmask $0x1310;
	[dreg:$0x8] =	wrdreg s10;
	s21 =	sadd.s32 s6, s20;
	s22 =	sadd.s32 s0, s20;
	v3 =	vunpack.c.0.s8.s32 v4;
	v2 =	vunpack.c.0.s8.s32 v2  }
0x10: {  	vm1 =	vmor vm1, vm2;
	vm2 =	vcmask $0x3730;
	vm3 =	vmor vm3, vm4;
	s23 =	sadd.s32 s2, s20;
	[dreg:$0xc] =	wrdreg s24;
	s11 =	sadd.s32 s6, s25  }
0x11: {  	s26 =	sadd.s32 s0, s25;
	s14 =	sadd.s32 s2, s25;
	s15 =	sadd.s32 s5, s20;
	v4 =	vimm.s32 $0x67452301;
	v2 =	vcombine.low v2, v3;
	v3 =	vimm.s32 $0xEFCDAB89  }
0x12: {  	vm4 =	vcmask $0x1B18;
	s16 =	sadd.s32 s6, s7;
	s17 =	sadd.s32 s0, s7;
	s18 =	sadd.s32 s2, s7;
	v4 =	vunpack.c.l.s4.s8 v4;
	v3 =	vunpack.c.l.s4.s8 v3  }
0x13: {  	vm1 =	vmor vm1, vm2;
	vm2 =	vmor vm3, vm4;
	s19 =	sadd.s32 s5, s25;
	s20 =	sadd.s32 s5, s7;
	[dreg:$0x9] =	wrdreg s21  }
0x14: {  	vm3 =	vcmask $0x2320;
	s24 =	simm.s32 $0x200;
	s25 =	simm.s32 $0x80;
	[dreg:$0xa] =	wrdreg s22;
	v4 =	vunpack.c.0.s8.s32 v4;
	v3 =	vunpack.c.0.s8.s32 v3  }
0x15: {  	vm4 =	vcmask $0x2B28;
	vm3 =	vmor vm2, vm3;
	vm2 =	vmmov $0xff;
	s0 =	simm.s32 $0x2300;
	s2 =	simm.s32 $0x6300;
	[dreg:$0xb] =	wrdreg s23  }
0x16: {  	s5 =	simm.s32 $0xA300;
	s6 =	simm.s32 $0x1;
	[dreg:$0xd] =	wrdreg s11;
	vm3 =	vmor vm3, vm4;
	vm4 =	vcmask $0x3330;
	v3 =	vcombine.low v4, v3  }
0x17: {  	s7 =	simm.s32 $0xC300;
	[dreg:$0xe] =	wrdreg s26;
	s21 =	smax.u32 s8, $0x1;
	vm3 =	vmor vm3, vm4;
	vm4 =	vcmask $0x3B38;
	v1 =	vand.u32 $0xF, v1  }
0x18: {  	s22 =	simm.s32 $0x3;
	s23 =	simm.s32 $0x100;
	s8 =	simm.s32 $0x2;
	vm3 =	vmor vm3, vm4;
	v2 =	vand.u32 $0xF, v2;
	v3 =	vand.u32 $0xF, v3  }
.LBB2_1:
0x19: {  	s10 =	rddreg [dreg:$0x6]  }
0x1a: {  	[tilespmem:s1], [sflag:$0x3] =	stream.linear.gather [hbm4b:s10+s1], $0x80, $0x38;
	[tilespmem:$0xC780] =	vst v63  }
0x1b: {  	_ =	swait.ge [sflag:s22], $0x80  }
0x1c: {  	[sflag:s22] =	ssyncset.done $0x0  }
0x1d: {  	s11 =	rddreg [dreg:$0x7];
	[sflag:s22] =	ssyncadd.s32 $0xFFFFFF80  }
0x1e: {  	[tilespmem:s23], [sflag:$0x3] =	stream.linear.gather [hbm4b:s11+s1], $0x80, $0x38;
	[tilespmem:$0xC780] =	vst v63  }
0x1f: {  	_ =	swait.ge [sflag:s22], $0x80  }
0x20: {  	[sflag:s22] =	ssyncset.done $0x0  }
0x21: {  	s12 =	rddreg [dreg:$0x8];
	[sflag:s22] =	ssyncadd.s32 $0xFFFFFF80  }
0x22: {  	[tilespmem:s24], [sflag:$0x3] =	stream.linear.gather [hbm4b:s12+s1], $0x80, $0x38;
	[tilespmem:$0xC780] =	vst v63  }
0x23: {  	_ =	swait.ge [sflag:s22], $0x80  }
0x24: {  	[sflag:s22] =	ssyncset.done $0x0  }
0x25: {  	[sflag:s22] =	ssyncadd.s32 $0xFFFFFF80  }
0x26: {  	[tilespmem:s28], [sflag:$0x1] =	stream.indirect.gather [hbm4b:s3+s25], $0x40, s1, s25, $0xb8;
	[tilespmem:$0xC780] =	vst v63  }
0x27: {  	s13 =	simm.s32 $0x4300  }
0x28: {  	[tilespmem:s13], [sflag:$0x1] =	stream.indirect.gather [hbm4b:s4+s25], $0x40, s23, s25, $0xb8;
	[tilespmem:$0xC780] =	vst v63  }
0x29: {  	_ = 	snop  }
0x2a: {  	[tilespmem:s29], [sflag:$0x1] =	stream.indirect.gather [hbm4b:s3+s25], $0x40, s24, s25, $0xb8;
	[tilespmem:$0xC780] =	vst v63  }
0x2b: {  	s26 =	rddreg [dreg:$0x9]  }
0x2c: {  	[tilespmem:s25], [sflag:$0x3] =	stream.linear.gather [hbm4b:s26+s1], $0x80, $0x38;
	[tilespmem:$0xC780] =	vst v63  }
0x2d: {  	_ =	swait.ge [sflag:s22], $0x80  }
0x2e: {  	[sflag:s22] =	ssyncset.done $0x0  }
0x2f: {  	s11 =	rddreg [dreg:$0xa];
	[sflag:s22] =	ssyncadd.s32 $0xFFFFFF80  }
0x30: {  	[tilespmem:s30], [sflag:$0x3] =	stream.linear.gather [hbm4b:s11+s1], $0x80, $0x38;
	[tilespmem:$0xC780] =	vst v63  }
0x31: {  	_ =	swait.ge [sflag:s22], $0x80  }
0x32: {  	[sflag:s22] =	ssyncset.done $0x0  }
0x33: {  	s12 =	rddreg [dreg:$0xb];
	[sflag:s22] =	ssyncadd.s32 $0xFFFFFF80  }
0x34: {  	[tilespmem:s31], [sflag:$0x3] =	stream.linear.gather [hbm4b:s12+s1], $0x80, $0x38;
	[tilespmem:$0xC780] =	vst v63  }
0x35: {  	_ =	swait.ge [sflag:s22], $0x80  }
0x36: {  	[sflag:s22] =	ssyncset.done $0x0  }
0x37: {  	[sflag:s22] =	ssyncadd.s32 $0xFFFFFF80  }
0x38: {  	[tilespmem:s0], [sflag:$0x2] =	stream.indirect.gather [hbm4b:s3+s25], $0x40, s25, s25, $0xb8;
	[tilespmem:$0xC780] =	vst v63  }
0x39: {  	_ = 	snop  }
0x3a: {  	[tilespmem:s2], [sflag:$0x2] =	stream.indirect.gather [hbm4b:s4+s25], $0x40, s30, s25, $0xb8;
	[tilespmem:$0xC780] =	vst v63  }
0x3b: {  	_ = 	snop  }
0x3c: {  	[tilespmem:s5], [sflag:$0x2] =	stream.indirect.gather [hbm4b:s3+s25], $0x40, s31, s25, $0xb8;
	[tilespmem:$0xC780] =	vst v63  }
0x3d: {  	_ =	swait.ge [sflag:s6], $0x2000  }
0x3e: {  	[sflag:s6] =	ssyncset.done $0x0  }
0x3f: {  	[sflag:s6] =	ssyncadd.s32 $0xFFFFE000  }
0x40: {  	_ =	swait.ge [sflag:s6], $0x2000  }
0x41: {  	[sflag:s6] =	ssyncset.done $0x0  }
0x42: {  	[sflag:s6] =	ssyncadd.s32 $0xFFFFE000  }
0x43: {  	s13 =	sand.u32 $0x7, s1;
	s11 =	sand.u32 $0x70, s1;
	_ =	swait.ge [sflag:s6], $0x2000  }
0x44: {  	s10 =	sor.u32 s13, s11;
	[sflag:s6] =	ssyncset.done $0x0  }
0x45: {  	s10 =	sshll.u32 s10, $0x6;
	[sflag:s6] =	ssyncadd.s32 $0xFFFFE000  }
0x46: {  	v4 =	vld [tilespmem:s10+$0x8330]  }
0x47: {  	v5 =	vld [tilespmem:s10+$0x330]  }
0x48: {  	v6 =	vld [tilespmem:s10+$0x4330]  }
0x49: {  	v7 =	vld [tilespmem:s10+$0x530]  }
0x4a: {  	v8 =	vld [tilespmem:s10+$0x4530]  }
0x4b: {  	v9 =	vld [tilespmem:s10+$0x8300]  }
0x4c: {  	v10 =	vld [tilespmem:s10+$0x8310]  }
0x4d: {  	v11 =	vld [tilespmem:s10+$0x320]  }
0x4e: {  	v12 =	vld [tilespmem:s10+$0x4320]  }
0x4f: {  	v13 =	vld [tilespmem:s10+$0x520]  }
0x50: {  	v14 =	vld [tilespmem:s10+$0x4520]  }
0x51: {  	v15 =	vld [tilespmem:s10+$0x4300]  }
0x52: {  	v16 =	vld [tilespmem:s10+$0x300]  }
0x53: {  	v17 =	vld [tilespmem:s10+$0x310]  }
0x54: {  	v18 =	vld [tilespmem:s10+$0x4310]  }
0x55: {  	v19 =	vld [tilespmem:s10+$0x500]  }
0x56: {  	v20 =	vld [tilespmem:s10+$0x4500]  }
0x57: {  	v21 =	vld [tilespmem:s10+$0x510]  }
0x58: {  	v22 =	vld [tilespmem:s10+$0x4510]  }
0x59: {  	v23 =	vld [tilespmem:s10+$0x8500];
	v5 =	vadd.f32 v6, v5  }
0x5a: {  	v6 =	vld [tilespmem:s10+$0x8510];
	v7 =	vadd.f32 v8, v7;
	v11 =	vadd.f32 v12, v11  }
0x5b: {  	v8 =	vld [tilespmem:s10+$0x8320];
	v12 =	vadd.f32 v14, v13;
	v13 =	vadd.f32 v15, v16  }
0x5c: {  	v14 =	vadd.f32 v18, v17;
	v15 =	vld [tilespmem:s10+$0x8520];
	v16 =	vadd.f32 v20, v19  }
0x5d: {  	v17 =	vadd.f32 v22, v21;
	v18 =	vld [tilespmem:s10+$0x8530];
	v9 =	vsub.f32 v13, v9  }
0x5e: {  	v10 =	vsub.f32 v14, v10;
	v13 =	vsub.f32 v16, v23  }
0x5f: {  	v4 =	vsub.f32 v5, v4;
	v6 =	vsub.f32 v17, v6  }
0x60: {  	v9 =	vmul.f32 v9, v9;
	v10 =	vmul.f32 v10, v10;
	v8 =	vsub.f32 v11, v8  }
0x61: {  	v11 =	vmul.f32 v13, v13;
	v12 =	vsub.f32 v12, v15;
	v6 =	vmul.f32 v6, v6  }
0x62: {  	v5 =	vsub.f32 v7, v18;
	v7 =	vadd.f32 v10, v9  }
0x63: {  	v8 =	vmul.f32 v8, v8;
	v9 =	vmul.f32 v12, v12;
	v6 =	vadd.f32 v6, v11  }
0x64: {  	v4 =	vmul.f32 v4, v4  }
0x65: {  	v5 =	vmul.f32 v5, v5;
	v7 =	vadd.f32 v8, v7;
	v6 =	vadd.f32 v9, v6;
	_ =	sdelay $0x1  }
0x66: {  	v4 =	vadd.f32 v4, v7;
	v5 =	vadd.f32 v5, v6;
	_ =	sdelay $0x1  }
0x67: {  	v6 =	vperm.xlane v4, v0;
	v7 =	vperm.xlane v5, v0;
	_ =	sdelay $0x1  }
0x68: {  	s26 =	simm.s32 $0x1;
	s11 =	simm.s32 $0x2;
	v4 =	vadd.f32 v6, v4;
	v5 =	vadd.f32 v5, v7  }
0x69: {  	s13 =	sand.u32 $0x70, s11;
	s12 =	sand.u32 $0x7, s26  }
0x6a: {  	s12 =	sor.u32 s12, s13;
	s10 =	simm.s32 $0xC380;
	v4 =	vsel vm2, v4, v5  }
0x6b: {  	s13 =	sshll.u32 s12, $0x6;
	[tilespmem:s10+$0x0] =	vst v4  }
0x6c: {  	v4 =	vld [tilespmem:s13+$0x8330]  }
0x6d: {  	v7 =	vld [tilespmem:s13+$0x330]  }
0x6e: {  	v9 =	vld [tilespmem:s13+$0x4330]  }
0x6f: {  	v8 =	vld [tilespmem:s13+$0x530]  }
0x70: {  	v10 =	vld [tilespmem:s13+$0x4530]  }
0x71: {  	v5 =	vld [tilespmem:s13+$0x8300]  }
0x72: {  	v6 =	vld [tilespmem:s13+$0x8310]  }
0x73: {  	v11 =	vld [tilespmem:s13+$0x320]  }
0x74: {  	v12 =	vld [tilespmem:s13+$0x4320]  }
0x75: {  	v13 =	vld [tilespmem:s13+$0x520]  }
0x76: {  	v14 =	vld [tilespmem:s13+$0x4520]  }
0x77: {  	v15 =	vld [tilespmem:s13+$0x4300]  }
0x78: {  	v16 =	vld [tilespmem:s13+$0x300]  }
0x79: {  	v17 =	vld [tilespmem:s13+$0x310]  }
0x7a: {  	v19 =	vld [tilespmem:s13+$0x4310]  }
0x7b: {  	s12 =	simm.s32 $0x2;
	v18 =	vld [tilespmem:s13+$0x500]  }
.LBB2_2:
0x7c: {  	p0 =	sne.s32 s12, $0x3F;
	v20 =	vld [tilespmem:s13+$0x4500]  }
0x7d: {  	v21 =	vld [tilespmem:s13+$0x510]  }
0x7e: {  	v22 =	vld [tilespmem:s13+$0x4510]  }
0x7f: {  	v23 =	vld [tilespmem:s13+$0x8500]  }
0x80: {  	v7 =	vadd.f32 v9, v7;
	v8 =	vadd.f32 v10, v8;
	v9 =	vld [tilespmem:s13+$0x8510]  }
0x81: {  	v11 =	vadd.f32 v12, v11;
	v12 =	vadd.f32 v14, v13;
	v10 =	vld [tilespmem:s13+$0x8320]  }
0x82: {  	v13 =	vadd.f32 v15, v16;
	v14 =	vadd.f32 v19, v17;
	v15 =	vld [tilespmem:s13+$0x8520]  }
0x83: {  	v16 =	vadd.f32 v20, v18;
	v17 =	vadd.f32 v22, v21;
	v18 =	vld [tilespmem:s13+$0x8530]  }
0x84: {  	v5 =	vsub.f32 v13, v5;
	v6 =	vsub.f32 v14, v6  }
0x85: {  	v13 =	vsub.f32 v16, v23;
	v9 =	vsub.f32 v17, v9  }
0x86: {  	v5 =	vmul.f32 v5, v5;
	v6 =	vmul.f32 v6, v6;
	v10 =	vsub.f32 v11, v10  }
0x87: {  	v11 =	vmul.f32 v13, v13;
	v9 =	vmul.f32 v9, v9;
	v12 =	vsub.f32 v12, v15  }
0x88: {  	v4 =	vsub.f32 v7, v4;
	v10 =	vmul.f32 v10, v10;
	v7 =	vsub.f32 v8, v18  }
0x89: {  	v5 =	vadd.f32 v6, v5;
	v6 =	vadd.f32 v9, v11;
	v8 =	vmul.f32 v12, v12  }
0x8a: {  	v4 =	vmul.f32 v4, v4  }
0x8b: {  	v5 =	vadd.f32 v10, v5;
	v7 =	vmul.f32 v7, v7;
	v6 =	vadd.f32 v8, v6;
	_ =	sdelay $0x1  }
0x8c: {  	v4 =	vadd.f32 v4, v5;
	v5 =	vadd.f32 v7, v6;
	_ =	sdelay $0x1  }
0x8d: {  	v6 =	vperm.xlane v4, v0;
	v7 =	vperm.xlane v5, v0;
	_ =	sdelay $0x1  }
0x8e: {  	s11 =	sadd.s32 $0x2, s11;
	v4 =	vadd.f32 v6, v4;
	v5 =	vadd.f32 v5, v7  }
0x8f: {  	s26 =	sand.u32 $0x70, s11;
	s13 =	sand.u32 $0x7, s12  }
0x90: {  	s10 =	sadd.s32 $0x10, s10;
	s13 =	sor.u32 s13, s26;
	v4 =	vsel vm2, v4, v5  }
0x91: {  	s13 =	sshll.u32 s13, $0x6;
	[tilespmem:s10+$0x0] =	vst v4  }
0x92: {  	v4 =	vld [tilespmem:s13+$0x8330]  }
0x93: {  	v7 =	vld [tilespmem:s13+$0x330]  }
0x94: {  	v9 =	vld [tilespmem:s13+$0x4330]  }
0x95: {  	v8 =	vld [tilespmem:s13+$0x530]  }
0x96: {  	v10 =	vld [tilespmem:s13+$0x4530]  }
0x97: {  	v5 =	vld [tilespmem:s13+$0x8300]  }
0x98: {  	v6 =	vld [tilespmem:s13+$0x8310]  }
0x99: {  	v11 =	vld [tilespmem:s13+$0x320]  }
0x9a: {  	v12 =	vld [tilespmem:s13+$0x4320]  }
0x9b: {  	v13 =	vld [tilespmem:s13+$0x520]  }
0x9c: {  	v14 =	vld [tilespmem:s13+$0x4520]  }
.Ltmp0:
0x9d: {  	v15 =	vld [tilespmem:s13+$0x4300];
	(pc) =	sbr.rel @p0 .LBB2_2-.Ltmp0, $4  }
0x9e: {  	v16 =	vld [tilespmem:s13+$0x300]  }
0x9f: {  	v17 =	vld [tilespmem:s13+$0x310]  }
0xa0: {  	v19 =	vld [tilespmem:s13+$0x4310]  }
0xa1: {  	s12 =	sadd.s32 $0x1, s12;
	v18 =	vld [tilespmem:s13+$0x500]  }
0xa2: {  	v20 =	vld [tilespmem:s13+$0x4500]  }
0xa3: {  	v21 =	vld [tilespmem:s13+$0x510]  }
0xa4: {  	v22 =	vld [tilespmem:s13+$0x4510]  }
0xa5: {  	v23 =	vld [tilespmem:s13+$0x8500]  }
0xa6: {  	v7 =	vadd.f32 v9, v7;
	v9 =	vld [tilespmem:s13+$0x8510];
	v8 =	vadd.f32 v10, v8  }
0xa7: {  	v10 =	vld [tilespmem:s13+$0x8320];
	v11 =	vadd.f32 v12, v11;
	v56 =	vadd.f32 v14, v13  }
0xa8: {  	v59 =	vld [tilespmem:s13+$0x8520];
	v57 =	vadd.f32 v15, v16;
	v58 =	vadd.f32 v19, v17  }
0xa9: {  	v62 =	vld [tilespmem:s13+$0x8530];
	v60 =	vadd.f32 v20, v18;
	v61 =	vadd.f32 v22, v21  }
0xaa: {  	v5 =	vsub.f32 v57, v5;
	v6 =	vsub.f32 v58, v6  }
0xab: {  	v63 =	vsub.f32 v60, v23;
	v9 =	vsub.f32 v61, v9  }
0xac: {  	v5 =	vmul.f32 v5, v5;
	v10 =	vsub.f32 v11, v10;
	v6 =	vmul.f32 v6, v6  }
0xad: {  	v12 =	vsub.f32 v56, v59;
	v11 =	vmul.f32 v63, v63;
	v9 =	vmul.f32 v9, v9  }
0xae: {  	v4 =	vsub.f32 v7, v4;
	v7 =	vsub.f32 v8, v62;
	v10 =	vmul.f32 v10, v10  }
0xaf: {  	v8 =	vmul.f32 v12, v12;
	v5 =	vadd.f32 v6, v5;
	v6 =	vadd.f32 v9, v11  }
0xb0: {  	v4 =	vmul.f32 v4, v4  }
0xb1: {  	v7 =	vmul.f32 v7, v7;
	v5 =	vadd.f32 v10, v5;
	v6 =	vadd.f32 v8, v6;
	_ =	sdelay $0x1  }
0xb2: {  	v4 =	vadd.f32 v4, v5;
	v5 =	vadd.f32 v7, v6;
	_ =	sdelay $0x1  }
0xb3: {  	v6 =	vperm.xlane v4, v0;
	v7 =	vperm.xlane v5, v0;
	_ =	sdelay $0x1  }
0xb4: {  	v4 =	vadd.f32 v6, v4;
	v5 =	vadd.f32 v5, v7;
	_ =	sdelay $0x1  }
0xb5: {  	s10 =	sadd.s32 $0x10, s10;
	v4 =	vsel vm2, v4, v5  }
0xb6: {  	s11 =	simm.s32 $0xC3C0;
	[tilespmem:s10+$0x0] =	vst v4  }
0xb7: {  	v8 =	vld [tilespmem:s11+$0x30]  }
0xb8: {  	v11 =	vld [tilespmem:s11+$0xFFFFFFF0]  }
0xb9: {  	v10 =	vld [tilespmem:s11+$0x10]  }
0xba: {  	v6 =	vld [tilespmem:s11+$0xFFFFFFD0]  }
0xbb: {  	v4 =	vld [tilespmem:s11+$0x20]  }
0xbc: {  	v7 =	vld [tilespmem:s11+$0xFFFFFFE0]  }
0xbd: {  	v5 =	vld [tilespmem:s11+$0x0]  }
0xbe: {  	s12 =	simm.s32 $0x40;
	s10 =	simm.s32 $0x0;
	v9 =	vld [tilespmem:s11+$0xFFFFFFC0]  }
.LBB2_4:
0xbf: {  	p0 =	sne.s32 s12, $0x1C0;
	v12 =	vperm.xlane v11, v1;
	v13 =	vperm.xlane v8, v1  }
0xc0: {  	v14 =	vperm.xlane v10, v1  }
0xc1: {  	v15 =	vperm.xlane v6, v1;
	v11 =	vadd.f32 v12, v11;
	v8 =	vadd.f32 v13, v8  }
0xc2: {  	v10 =	vadd.f32 v14, v10;
	v12 =	vperm.xlane v7, v1;
	v13 =	vperm.xlane v4, v1  }
0xc3: {  	v6 =	vadd.f32 v15, v6;
	v16 =	vperm.xlane v5, v1;
	v14 =	vperm.xlane v9, v1  }
0xc4: {  	v7 =	vadd.f32 v12, v7;
	v4 =	vadd.f32 v13, v4  }
0xc5: {  	v8 =	vsel vm0, v11, v8;
	v5 =	vadd.f32 v16, v5;
	v9 =	vadd.f32 v14, v9  }
0xc6: {  	v6 =	vsel vm0, v6, v10;
	v10 =	vperm.xlane v8, v2  }
0xc7: {  	v4 =	vsel vm0, v7, v4;
	v7 =	vperm.xlane v6, v2;
	v5 =	vsel vm0, v9, v5  }
0xc8: {  	v11 =	vperm.xlane v4, v2;
	v9 =	vperm.xlane v5, v2  }
0xc9: {  	v6 =	vadd.f32 v7, v6;
	v7 =	vadd.f32 v10, v8  }
0xca: {  	v4 =	vadd.f32 v11, v4;
	v5 =	vadd.f32 v9, v5;
	_ =	sdelay $0x1  }
0xcb: {  	v4 =	vsel vm1, v5, v4;
	v5 =	vsel vm1, v6, v7  }
0xcc: {  	v6 =	vperm.xlane v4, v3;
	v7 =	vperm.xlane v5, v3;
	_ =	sdelay $0x1  }
0xcd: {  	v4 =	vadd.f32 v6, v4;
	v5 =	vadd.f32 v7, v5;
	_ =	sdelay $0x1  }
0xce: {  	v4 =	vsel vm3, v4, v5  }
0xcf: {  	v4 =	vadd.f32 $9.999999960e-13, v4;
	_ =	sdelay $0x1  }
0xd0: {  	v5 =	vshra.s32 v4, $0x1;
	v6 =	vmul.f32 $5.000000000e-01, v4  }
0xd1: {  	v5 =	vsub.s32 $0x5F3759DF, v5  }
0xd2: {  	v7 =	vmul.f32 v5, v6;
	_ =	sdelay $0x1  }
0xd3: {  	v7 =	vmul.f32 v5, v7;
	_ =	sdelay $0x1  }
0xd4: {  	v7 =	vsub.f32 $1.500000000e+00, v7;
	_ =	sdelay $0x1  }
0xd5: {  	v5 =	vmul.f32 v5, v7;
	_ =	sdelay $0x1  }
0xd6: {  	v7 =	vmul.f32 v5, v6;
	_ =	sdelay $0x1  }
0xd7: {  	v7 =	vmul.f32 v7, v5;
	_ =	sdelay $0x1  }
0xd8: {  	v7 =	vsub.f32 $1.500000000e+00, v7;
	_ =	sdelay $0x1  }
0xd9: {  	v5 =	vmul.f32 v7, v5;
	_ =	sdelay $0x1  }
0xda: {  	v6 =	vmul.f32 v5, v6;
	_ =	sdelay $0x1  }
0xdb: {  	v6 =	vmul.f32 v6, v5;
	_ =	sdelay $0x1  }
0xdc: {  	v6 =	vsub.f32 $1.500000000e+00, v6;
	_ =	sdelay $0x1  }
0xdd: {  	v5 =	vmul.f32 v6, v5;
	_ =	sdelay $0x1  }
0xde: {  	v4 =	vmul.f32 v5, v4;
	_ =	sdelay $0x1  }
0xdf: {  	v4 =	vsub.f32 $0.0e+00, v4  }
0xe0: {  	s13 =	sshra.s32 s10, $0x2;
	s10 =	smov.u32 s12  }
0xe1: {  	s11 =	sadd.s32 $0x80, s11;
	[tilespmem:s13+$0xC300] =	vst v4  }
0xe2: {  	v8 =	vld [tilespmem:s11+$0x30]  }
0xe3: {  	v11 =	vld [tilespmem:s11+$0xFFFFFFF0]  }
0xe4: {  	v10 =	vld [tilespmem:s11+$0x10]  }
.Ltmp1:
0xe5: {  	v6 =	vld [tilespmem:s11+$0xFFFFFFD0];
	(pc) =	sbr.rel @p0 .LBB2_4-.Ltmp1, $4  }
0xe6: {  	v4 =	vld [tilespmem:s11+$0x20]  }
0xe7: {  	v7 =	vld [tilespmem:s11+$0xFFFFFFE0]  }
0xe8: {  	v5 =	vld [tilespmem:s11+$0x0]  }
0xe9: {  	s12 =	sadd.s32 $0x40, s12;
	v9 =	vld [tilespmem:s11+$0xFFFFFFC0]  }
0xea: {  	v12 =	vperm.xlane v11, v1;
	v13 =	vperm.xlane v8, v1  }
0xeb: {  	v14 =	vperm.xlane v10, v1  }
0xec: {  	v15 =	vperm.xlane v6, v1;
	v11 =	vadd.f32 v12, v11;
	v8 =	vadd.f32 v13, v8  }
0xed: {  	v10 =	vadd.f32 v14, v10;
	v12 =	vperm.xlane v7, v1;
	v13 =	vperm.xlane v4, v1  }
0xee: {  	v6 =	vadd.f32 v15, v6;
	v16 =	vperm.xlane v5, v1;
	v14 =	vperm.xlane v9, v1  }
0xef: {  	v7 =	vadd.f32 v12, v7;
	v4 =	vadd.f32 v13, v4  }
0xf0: {  	v8 =	vsel vm0, v11, v8;
	v5 =	vadd.f32 v16, v5;
	v9 =	vadd.f32 v14, v9  }
0xf1: {  	v6 =	vsel vm0, v6, v10;
	v10 =	vperm.xlane v8, v2  }
0xf2: {  	v4 =	vsel vm0, v7, v4;
	v7 =	vperm.xlane v6, v2;
	v5 =	vsel vm0, v9, v5  }
0xf3: {  	v11 =	vperm.xlane v4, v2;
	v9 =	vperm.xlane v5, v2  }
0xf4: {  	v6 =	vadd.f32 v7, v6;
	v7 =	vadd.f32 v10, v8  }
0xf5: {  	v4 =	vadd.f32 v11, v4;
	v5 =	vadd.f32 v9, v5;
	_ =	sdelay $0x1  }
0xf6: {  	v4 =	vsel vm1, v5, v4;
	v5 =	vsel vm1, v6, v7  }
0xf7: {  	v6 =	vperm.xlane v4, v3;
	v7 =	vperm.xlane v5, v3;
	_ =	sdelay $0x1  }
0xf8: {  	v4 =	vadd.f32 v6, v4;
	v5 =	vadd.f32 v7, v5;
	_ =	sdelay $0x1  }
0xf9: {  	v4 =	vsel vm3, v4, v5  }
0xfa: {  	v4 =	vadd.f32 $9.999999960e-13, v4;
	_ =	sdelay $0x1  }
0xfb: {  	v5 =	vshra.s32 v4, $0x1;
	v6 =	vmul.f32 $5.000000000e-01, v4  }
0xfc: {  	v5 =	vsub.s32 $0x5F3759DF, v5  }
0xfd: {  	v7 =	vmul.f32 v5, v6;
	_ =	sdelay $0x1  }
0xfe: {  	v7 =	vmul.f32 v5, v7;
	_ =	sdelay $0x1  }
0xff: {  	v7 =	vsub.f32 $1.500000000e+00, v7;
	_ =	sdelay $0x1  }
0x100: {  	v5 =	vmul.f32 v5, v7;
	_ =	sdelay $0x1  }
0x101: {  	v7 =	vmul.f32 v5, v6;
	_ =	sdelay $0x1  }
0x102: {  	v7 =	vmul.f32 v7, v5;
	_ =	sdelay $0x1  }
0x103: {  	v7 =	vsub.f32 $1.500000000e+00, v7;
	_ =	sdelay $0x1  }
0x104: {  	v5 =	vmul.f32 v7, v5;
	_ =	sdelay $0x1  }
0x105: {  	v6 =	vmul.f32 v5, v6;
	_ =	sdelay $0x1  }
0x106: {  	v6 =	vmul.f32 v6, v5;
	_ =	sdelay $0x1  }
0x107: {  	v6 =	vsub.f32 $1.500000000e+00, v6;
	_ =	sdelay $0x1  }
0x108: {  	v5 =	vmul.f32 v6, v5;
	_ =	sdelay $0x1  }
0x109: {  	v4 =	vmul.f32 v5, v4;
	_ =	sdelay $0x1  }
0x10a: {  	v4 =	vsub.f32 $0.0e+00, v4  }
0x10b: {  	s10 =	sshra.s32 s10, $0x2  }
0x10c: {  	s11 =	rddreg [dreg:$0xc];
	[tilespmem:s10+$0xC300] =	vst v4;
	s10 =	simm.s32 $0x0  }
0x10d: {  	[hbm4b:s11+s10] =	stream.linear.scatter [tilespmem:s7], [sflag:$0x3], $0x80, $0x38;
	[tilespmem:$0xC780] =	vst v63  }
0x10e: {  	_ =	swait.ge [sflag:s22], $0x80  }
0x10f: {  	[sflag:s22] =	ssyncset.done $0x0  }
0x110: {  	s26 =	rddreg [dreg:$0xd];
	[sflag:s22] =	ssyncadd.s32 $0xFFFFFF80  }
0x111: {  	[tilespmem:s10], [sflag:$0x3] =	stream.linear.gather [hbm4b:s26+s10], $0x80, $0x38;
	[tilespmem:$0xC780] =	vst v63  }
0x112: {  	_ =	swait.ge [sflag:s22], $0x80  }
0x113: {  	[sflag:s22] =	ssyncset.done $0x0  }
0x114: {  	s12 =	rddreg [dreg:$0xe];
	[sflag:s22] =	ssyncadd.s32 $0xFFFFFF80  }
0x115: {  	[tilespmem:s23], [sflag:$0x3] =	stream.linear.gather [hbm4b:s12+s10], $0x80, $0x38;
	[tilespmem:$0xC780] =	vst v63  }
0x116: {  	_ =	swait.ge [sflag:s22], $0x80  }
0x117: {  	[sflag:s22] =	ssyncset.done $0x0  }
0x118: {  	[sflag:s22] =	ssyncadd.s32 $0xFFFFFF80  }
0x119: {  	[tilespmem:s24], [sflag:$0x3] =	stream.linear.gather [hbm4b:s14+s10], $0x80, $0x38;
	[tilespmem:$0xC780] =	vst v63  }
0x11a: {  	_ =	swait.ge [sflag:s22], $0x80  }
0x11b: {  	[sflag:s22] =	ssyncset.done $0x0  }
0x11c: {  	[sflag:s22] =	ssyncadd.s32 $0xFFFFFF80  }
0x11d: {  	[tilespmem:s28], [sflag:$0x1] =	stream.indirect.gather [hbm4b:s3+s25], $0x40, s10, s25, $0xb8;
	[tilespmem:$0xC780] =	vst v63  }
0x11e: {  	s13 =	simm.s32 $0x4300  }
0x11f: {  	[tilespmem:s13], [sflag:$0x1] =	stream.indirect.gather [hbm4b:s4+s25], $0x40, s23, s25, $0xb8;
	[tilespmem:$0xC780] =	vst v63  }
0x120: {  	_ = 	snop  }
0x121: {  	[tilespmem:s29], [sflag:$0x1] =	stream.indirect.gather [hbm4b:s3+s25], $0x40, s24, s25, $0xb8;
	[tilespmem:$0xC780] =	vst v63  }
0x122: {  	_ =	swait.ge [sflag:s8], $0x2000  }
0x123: {  	[sflag:s8] =	ssyncset.done $0x0  }
0x124: {  	[sflag:s8] =	ssyncadd.s32 $0xFFFFE000  }
0x125: {  	_ =	swait.ge [sflag:s8], $0x2000  }
0x126: {  	[sflag:s8] =	ssyncset.done $0x0  }
0x127: {  	[sflag:s8] =	ssyncadd.s32 $0xFFFFE000  }
0x128: {  	s26 =	sand.u32 $0x7, s10;
	s12 =	sand.u32 $0x70, s10;
	_ =	swait.ge [sflag:s8], $0x2000  }
0x129: {  	s11 =	sor.u32 s26, s12;
	[sflag:s8] =	ssyncset.done $0x0  }
0x12a: {  	s11 =	sshll.u32 s11, $0x6;
	[sflag:s8] =	ssyncadd.s32 $0xFFFFE000  }
0x12b: {  	v4 =	vld [tilespmem:s11+$0xA330]  }
0x12c: {  	v5 =	vld [tilespmem:s11+$0x2330]  }
0x12d: {  	v6 =	vld [tilespmem:s11+$0x6330]  }
0x12e: {  	v7 =	vld [tilespmem:s11+$0x2530]  }
0x12f: {  	v8 =	vld [tilespmem:s11+$0x6530]  }
0x130: {  	v9 =	vld [tilespmem:s11+$0xA300]  }
0x131: {  	v10 =	vld [tilespmem:s11+$0xA310]  }
0x132: {  	v11 =	vld [tilespmem:s11+$0x2320]  }
0x133: {  	v12 =	vld [tilespmem:s11+$0x6320]  }
0x134: {  	v13 =	vld [tilespmem:s11+$0x2520]  }
0x135: {  	v14 =	vld [tilespmem:s11+$0x6520]  }
0x136: {  	v15 =	vld [tilespmem:s11+$0x6300]  }
0x137: {  	v16 =	vld [tilespmem:s11+$0x2300]  }
0x138: {  	v17 =	vld [tilespmem:s11+$0x2310]  }
0x139: {  	v18 =	vld [tilespmem:s11+$0x6310]  }
0x13a: {  	v19 =	vld [tilespmem:s11+$0x2500]  }
0x13b: {  	v20 =	vld [tilespmem:s11+$0x6500]  }
0x13c: {  	v21 =	vld [tilespmem:s11+$0x2510]  }
0x13d: {  	v22 =	vld [tilespmem:s11+$0x6510]  }
0x13e: {  	v23 =	vld [tilespmem:s11+$0xA500];
	v5 =	vadd.f32 v6, v5  }
0x13f: {  	v6 =	vld [tilespmem:s11+$0xA510];
	v7 =	vadd.f32 v8, v7;
	v11 =	vadd.f32 v12, v11  }
0x140: {  	v8 =	vld [tilespmem:s11+$0xA320];
	v12 =	vadd.f32 v14, v13;
	v13 =	vadd.f32 v15, v16  }
0x141: {  	v14 =	vadd.f32 v18, v17;
	v15 =	vld [tilespmem:s11+$0xA520];
	v16 =	vadd.f32 v20, v19  }
0x142: {  	v17 =	vadd.f32 v22, v21;
	v18 =	vld [tilespmem:s11+$0xA530];
	v9 =	vsub.f32 v13, v9  }
0x143: {  	v10 =	vsub.f32 v14, v10;
	v13 =	vsub.f32 v16, v23  }
0x144: {  	v4 =	vsub.f32 v5, v4;
	v6 =	vsub.f32 v17, v6  }
0x145: {  	v9 =	vmul.f32 v9, v9;
	v10 =	vmul.f32 v10, v10;
	v8 =	vsub.f32 v11, v8  }
0x146: {  	v11 =	vmul.f32 v13, v13;
	v12 =	vsub.f32 v12, v15;
	v6 =	vmul.f32 v6, v6  }
0x147: {  	v5 =	vsub.f32 v7, v18;
	v7 =	vadd.f32 v10, v9  }
0x148: {  	v8 =	vmul.f32 v8, v8;
	v9 =	vmul.f32 v12, v12;
	v6 =	vadd.f32 v6, v11  }
0x149: {  	v4 =	vmul.f32 v4, v4  }
0x14a: {  	v5 =	vmul.f32 v5, v5;
	v7 =	vadd.f32 v8, v7;
	v6 =	vadd.f32 v9, v6;
	_ =	sdelay $0x1  }
0x14b: {  	v4 =	vadd.f32 v4, v7;
	v5 =	vadd.f32 v5, v6;
	_ =	sdelay $0x1  }
0x14c: {  	v6 =	vperm.xlane v4, v0;
	v7 =	vperm.xlane v5, v0;
	_ =	sdelay $0x1  }
0x14d: {  	s12 =	simm.s32 $0x2;
	s28 =	simm.s32 $0x1;
	v4 =	vadd.f32 v6, v4;
	v5 =	vadd.f32 v5, v7  }
0x14e: {  	s26 =	sand.u32 $0x70, s12;
	s13 =	sand.u32 $0x7, s28  }
0x14f: {  	s13 =	sor.u32 s13, s26;
	s11 =	simm.s32 $0xC380;
	v4 =	vsel vm2, v4, v5  }
0x150: {  	s26 =	sshll.u32 s13, $0x6;
	[tilespmem:s11+$0x0] =	vst v4  }
0x151: {  	v4 =	vld [tilespmem:s26+$0xA330]  }
0x152: {  	v7 =	vld [tilespmem:s26+$0x2330]  }
0x153: {  	v9 =	vld [tilespmem:s26+$0x6330]  }
0x154: {  	v8 =	vld [tilespmem:s26+$0x2530]  }
0x155: {  	v10 =	vld [tilespmem:s26+$0x6530]  }
0x156: {  	v5 =	vld [tilespmem:s26+$0xA300]  }
0x157: {  	v6 =	vld [tilespmem:s26+$0xA310]  }
0x158: {  	v11 =	vld [tilespmem:s26+$0x2320]  }
0x159: {  	v12 =	vld [tilespmem:s26+$0x6320]  }
0x15a: {  	v13 =	vld [tilespmem:s26+$0x2520]  }
0x15b: {  	v14 =	vld [tilespmem:s26+$0x6520]  }
0x15c: {  	v15 =	vld [tilespmem:s26+$0x6300]  }
0x15d: {  	v16 =	vld [tilespmem:s26+$0x2300]  }
0x15e: {  	v17 =	vld [tilespmem:s26+$0x2310]  }
0x15f: {  	v19 =	vld [tilespmem:s26+$0x6310]  }
0x160: {  	s13 =	simm.s32 $0x2;
	v18 =	vld [tilespmem:s26+$0x2500]  }
.LBB2_6:
0x161: {  	p0 =	sne.s32 s13, $0x3F;
	v20 =	vld [tilespmem:s26+$0x6500]  }
0x162: {  	v21 =	vld [tilespmem:s26+$0x2510]  }
0x163: {  	v22 =	vld [tilespmem:s26+$0x6510]  }
0x164: {  	v23 =	vld [tilespmem:s26+$0xA500]  }
0x165: {  	v7 =	vadd.f32 v9, v7;
	v8 =	vadd.f32 v10, v8;
	v9 =	vld [tilespmem:s26+$0xA510]  }
0x166: {  	v11 =	vadd.f32 v12, v11;
	v12 =	vadd.f32 v14, v13;
	v10 =	vld [tilespmem:s26+$0xA320]  }
0x167: {  	v13 =	vadd.f32 v15, v16;
	v14 =	vadd.f32 v19, v17;
	v15 =	vld [tilespmem:s26+$0xA520]  }
0x168: {  	v16 =	vadd.f32 v20, v18;
	v17 =	vadd.f32 v22, v21;
	v18 =	vld [tilespmem:s26+$0xA530]  }
0x169: {  	v5 =	vsub.f32 v13, v5;
	v6 =	vsub.f32 v14, v6  }
0x16a: {  	v13 =	vsub.f32 v16, v23;
	v9 =	vsub.f32 v17, v9  }
0x16b: {  	v5 =	vmul.f32 v5, v5;
	v6 =	vmul.f32 v6, v6;
	v10 =	vsub.f32 v11, v10  }
0x16c: {  	v11 =	vmul.f32 v13, v13;
	v9 =	vmul.f32 v9, v9;
	v12 =	vsub.f32 v12, v15  }
0x16d: {  	v4 =	vsub.f32 v7, v4;
	v10 =	vmul.f32 v10, v10;
	v7 =	vsub.f32 v8, v18  }
0x16e: {  	v5 =	vadd.f32 v6, v5;
	v6 =	vadd.f32 v9, v11;
	v8 =	vmul.f32 v12, v12  }
0x16f: {  	v4 =	vmul.f32 v4, v4  }
0x170: {  	v5 =	vadd.f32 v10, v5;
	v7 =	vmul.f32 v7, v7;
	v6 =	vadd.f32 v8, v6;
	_ =	sdelay $0x1  }
0x171: {  	v4 =	vadd.f32 v4, v5;
	v5 =	vadd.f32 v7, v6;
	_ =	sdelay $0x1  }
0x172: {  	v6 =	vperm.xlane v4, v0;
	v7 =	vperm.xlane v5, v0;
	_ =	sdelay $0x1  }
0x173: {  	s12 =	sadd.s32 $0x2, s12;
	v4 =	vadd.f32 v6, v4;
	v5 =	vadd.f32 v5, v7  }
0x174: {  	s28 =	sand.u32 $0x70, s12;
	s26 =	sand.u32 $0x7, s13  }
0x175: {  	s11 =	sadd.s32 $0x10, s11;
	s26 =	sor.u32 s26, s28;
	v4 =	vsel vm2, v4, v5  }
0x176: {  	s26 =	sshll.u32 s26, $0x6;
	[tilespmem:s11+$0x0] =	vst v4  }
0x177: {  	v4 =	vld [tilespmem:s26+$0xA330]  }
0x178: {  	v7 =	vld [tilespmem:s26+$0x2330]  }
0x179: {  	v9 =	vld [tilespmem:s26+$0x6330]  }
0x17a: {  	v8 =	vld [tilespmem:s26+$0x2530]  }
0x17b: {  	v10 =	vld [tilespmem:s26+$0x6530]  }
0x17c: {  	v5 =	vld [tilespmem:s26+$0xA300]  }
0x17d: {  	v6 =	vld [tilespmem:s26+$0xA310]  }
0x17e: {  	v11 =	vld [tilespmem:s26+$0x2320]  }
0x17f: {  	v12 =	vld [tilespmem:s26+$0x6320]  }
0x180: {  	v13 =	vld [tilespmem:s26+$0x2520]  }
0x181: {  	v14 =	vld [tilespmem:s26+$0x6520]  }
.Ltmp2:
0x182: {  	v15 =	vld [tilespmem:s26+$0x6300];
	(pc) =	sbr.rel @p0 .LBB2_6-.Ltmp2, $4  }
0x183: {  	v16 =	vld [tilespmem:s26+$0x2300]  }
0x184: {  	v17 =	vld [tilespmem:s26+$0x2310]  }
0x185: {  	v19 =	vld [tilespmem:s26+$0x6310]  }
0x186: {  	s13 =	sadd.s32 $0x1, s13;
	v18 =	vld [tilespmem:s26+$0x2500]  }
0x187: {  	v20 =	vld [tilespmem:s26+$0x6500]  }
0x188: {  	v21 =	vld [tilespmem:s26+$0x2510]  }
0x189: {  	v22 =	vld [tilespmem:s26+$0x6510]  }
0x18a: {  	v23 =	vld [tilespmem:s26+$0xA500]  }
0x18b: {  	v7 =	vadd.f32 v9, v7;
	v9 =	vld [tilespmem:s26+$0xA510];
	v8 =	vadd.f32 v10, v8  }
0x18c: {  	v10 =	vld [tilespmem:s26+$0xA320];
	v11 =	vadd.f32 v12, v11;
	v56 =	vadd.f32 v14, v13  }
0x18d: {  	v59 =	vld [tilespmem:s26+$0xA520];
	v57 =	vadd.f32 v15, v16;
	v58 =	vadd.f32 v19, v17  }
0x18e: {  	v62 =	vld [tilespmem:s26+$0xA530];
	v60 =	vadd.f32 v20, v18;
	v61 =	vadd.f32 v22, v21  }
0x18f: {  	v5 =	vsub.f32 v57, v5;
	v6 =	vsub.f32 v58, v6  }
0x190: {  	v63 =	vsub.f32 v60, v23;
	v9 =	vsub.f32 v61, v9  }
0x191: {  	v5 =	vmul.f32 v5, v5;
	v10 =	vsub.f32 v11, v10;
	v6 =	vmul.f32 v6, v6  }
0x192: {  	v12 =	vsub.f32 v56, v59;
	v11 =	vmul.f32 v63, v63;
	v9 =	vmul.f32 v9, v9  }
0x193: {  	v4 =	vsub.f32 v7, v4;
	v7 =	vsub.f32 v8, v62;
	v10 =	vmul.f32 v10, v10  }
0x194: {  	v8 =	vmul.f32 v12, v12;
	v5 =	vadd.f32 v6, v5;
	v6 =	vadd.f32 v9, v11  }
0x195: {  	v4 =	vmul.f32 v4, v4  }
0x196: {  	v7 =	vmul.f32 v7, v7;
	v5 =	vadd.f32 v10, v5;
	v6 =	vadd.f32 v8, v6;
	_ =	sdelay $0x1  }
0x197: {  	v4 =	vadd.f32 v4, v5;
	v5 =	vadd.f32 v7, v6;
	_ =	sdelay $0x1  }
0x198: {  	v6 =	vperm.xlane v4, v0;
	v7 =	vperm.xlane v5, v0;
	_ =	sdelay $0x1  }
0x199: {  	v4 =	vadd.f32 v6, v4;
	v5 =	vadd.f32 v5, v7;
	_ =	sdelay $0x1  }
0x19a: {  	s11 =	sadd.s32 $0x10, s11;
	v4 =	vsel vm2, v4, v5  }
0x19b: {  	[tilespmem:s11+$0x0] =	vst v4;
	s11 =	simm.s32 $0xC3C0  }
0x19c: {  	v9 =	vld [tilespmem:s11+$0x30]  }
0x19d: {  	v11 =	vld [tilespmem:s11+$0xFFFFFFF0]  }
0x19e: {  	v10 =	vld [tilespmem:s11+$0x10]  }
0x19f: {  	v6 =	vld [tilespmem:s11+$0xFFFFFFD0]  }
0x1a0: {  	v4 =	vld [tilespmem:s11+$0x20]  }
0x1a1: {  	v7 =	vld [tilespmem:s11+$0xFFFFFFE0]  }
0x1a2: {  	v5 =	vld [tilespmem:s11+$0x0]  }
0x1a3: {  	s12 =	simm.s32 $0x40;
	v8 =	vld [tilespmem:s11+$0xFFFFFFC0]  }
.LBB2_8:
0x1a4: {  	p0 =	sne.s32 s12, $0x1C0;
	v12 =	vperm.xlane v11, v1;
	v13 =	vperm.xlane v9, v1  }
0x1a5: {  	v14 =	vperm.xlane v10, v1  }
0x1a6: {  	v15 =	vperm.xlane v6, v1;
	v11 =	vadd.f32 v12, v11;
	v9 =	vadd.f32 v13, v9  }
0x1a7: {  	v10 =	vadd.f32 v14, v10;
	v12 =	vperm.xlane v7, v1;
	v13 =	vperm.xlane v4, v1  }
0x1a8: {  	v6 =	vadd.f32 v15, v6;
	v16 =	vperm.xlane v5, v1;
	v14 =	vperm.xlane v8, v1  }
0x1a9: {  	v7 =	vadd.f32 v12, v7;
	v4 =	vadd.f32 v13, v4  }
0x1aa: {  	v9 =	vsel vm0, v11, v9;
	v5 =	vadd.f32 v16, v5;
	v8 =	vadd.f32 v14, v8  }
0x1ab: {  	v6 =	vsel vm0, v6, v10;
	v10 =	vperm.xlane v9, v2  }
0x1ac: {  	v4 =	vsel vm0, v7, v4;
	v7 =	vperm.xlane v6, v2;
	v5 =	vsel vm0, v8, v5  }
0x1ad: {  	v11 =	vperm.xlane v4, v2;
	v8 =	vperm.xlane v5, v2  }
0x1ae: {  	v6 =	vadd.f32 v7, v6;
	v7 =	vadd.f32 v10, v9  }
0x1af: {  	v4 =	vadd.f32 v11, v4;
	v5 =	vadd.f32 v8, v5;
	_ =	sdelay $0x1  }
0x1b0: {  	v4 =	vsel vm1, v5, v4;
	v5 =	vsel vm1, v6, v7  }
0x1b1: {  	v6 =	vperm.xlane v4, v3;
	v7 =	vperm.xlane v5, v3;
	_ =	sdelay $0x1  }
0x1b2: {  	v4 =	vadd.f32 v6, v4;
	v5 =	vadd.f32 v7, v5;
	_ =	sdelay $0x1  }
0x1b3: {  	v4 =	vsel vm3, v4, v5  }
0x1b4: {  	v4 =	vadd.f32 $9.999999960e-13, v4;
	_ =	sdelay $0x1  }
0x1b5: {  	v5 =	vshra.s32 v4, $0x1;
	v6 =	vmul.f32 $5.000000000e-01, v4  }
0x1b6: {  	v5 =	vsub.s32 $0x5F3759DF, v5  }
0x1b7: {  	v7 =	vmul.f32 v5, v6;
	_ =	sdelay $0x1  }
0x1b8: {  	v7 =	vmul.f32 v5, v7;
	_ =	sdelay $0x1  }
0x1b9: {  	v7 =	vsub.f32 $1.500000000e+00, v7;
	_ =	sdelay $0x1  }
0x1ba: {  	v5 =	vmul.f32 v5, v7;
	_ =	sdelay $0x1  }
0x1bb: {  	v7 =	vmul.f32 v5, v6;
	_ =	sdelay $0x1  }
0x1bc: {  	v7 =	vmul.f32 v7, v5;
	_ =	sdelay $0x1  }
0x1bd: {  	v7 =	vsub.f32 $1.500000000e+00, v7;
	_ =	sdelay $0x1  }
0x1be: {  	v5 =	vmul.f32 v7, v5;
	_ =	sdelay $0x1  }
0x1bf: {  	v6 =	vmul.f32 v5, v6;
	_ =	sdelay $0x1  }
0x1c0: {  	v6 =	vmul.f32 v6, v5;
	_ =	sdelay $0x1  }
0x1c1: {  	v6 =	vsub.f32 $1.500000000e+00, v6;
	_ =	sdelay $0x1  }
0x1c2: {  	v5 =	vmul.f32 v6, v5;
	_ =	sdelay $0x1  }
0x1c3: {  	v4 =	vmul.f32 v5, v4;
	_ =	sdelay $0x1  }
0x1c4: {  	v4 =	vsub.f32 $0.0e+00, v4  }
0x1c5: {  	s13 =	sshra.s32 s10, $0x2;
	s10 =	smov.u32 s12  }
0x1c6: {  	s11 =	sadd.s32 $0x80, s11;
	[tilespmem:s13+$0xC300] =	vst v4  }
0x1c7: {  	v9 =	vld [tilespmem:s11+$0x30]  }
0x1c8: {  	v11 =	vld [tilespmem:s11+$0xFFFFFFF0]  }
0x1c9: {  	v10 =	vld [tilespmem:s11+$0x10]  }
.Ltmp3:
0x1ca: {  	v6 =	vld [tilespmem:s11+$0xFFFFFFD0];
	(pc) =	sbr.rel @p0 .LBB2_8-.Ltmp3, $4  }
0x1cb: {  	v4 =	vld [tilespmem:s11+$0x20]  }
0x1cc: {  	v7 =	vld [tilespmem:s11+$0xFFFFFFE0]  }
0x1cd: {  	v5 =	vld [tilespmem:s11+$0x0]  }
0x1ce: {  	s12 =	sadd.s32 $0x40, s12;
	v8 =	vld [tilespmem:s11+$0xFFFFFFC0]  }
0x1cf: {  	v12 =	vperm.xlane v11, v1;
	v13 =	vperm.xlane v9, v1  }
0x1d0: {  	v14 =	vperm.xlane v10, v1  }
0x1d1: {  	v15 =	vperm.xlane v6, v1;
	v11 =	vadd.f32 v12, v11;
	v9 =	vadd.f32 v13, v9  }
0x1d2: {  	v10 =	vadd.f32 v14, v10;
	v12 =	vperm.xlane v7, v1;
	v13 =	vperm.xlane v4, v1  }
0x1d3: {  	v6 =	vadd.f32 v15, v6;
	v16 =	vperm.xlane v5, v1;
	v14 =	vperm.xlane v8, v1  }
0x1d4: {  	v7 =	vadd.f32 v12, v7;
	v4 =	vadd.f32 v13, v4  }
0x1d5: {  	v9 =	vsel vm0, v11, v9;
	v5 =	vadd.f32 v16, v5;
	v8 =	vadd.f32 v14, v8  }
0x1d6: {  	v6 =	vsel vm0, v6, v10;
	v10 =	vperm.xlane v9, v2  }
0x1d7: {  	v4 =	vsel vm0, v7, v4;
	v7 =	vperm.xlane v6, v2;
	v5 =	vsel vm0, v8, v5  }
0x1d8: {  	v11 =	vperm.xlane v4, v2;
	v8 =	vperm.xlane v5, v2  }
0x1d9: {  	v6 =	vadd.f32 v7, v6;
	v7 =	vadd.f32 v10, v9  }
0x1da: {  	v4 =	vadd.f32 v11, v4;
	v5 =	vadd.f32 v8, v5;
	_ =	sdelay $0x1  }
0x1db: {  	v4 =	vsel vm1, v5, v4;
	v5 =	vsel vm1, v6, v7  }
0x1dc: {  	v6 =	vperm.xlane v4, v3;
	v7 =	vperm.xlane v5, v3;
	_ =	sdelay $0x1  }
0x1dd: {  	v4 =	vadd.f32 v6, v4;
	v5 =	vadd.f32 v7, v5;
	_ =	sdelay $0x1  }
0x1de: {  	v4 =	vsel vm3, v4, v5  }
0x1df: {  	v4 =	vadd.f32 $9.999999960e-13, v4;
	_ =	sdelay $0x1  }
0x1e0: {  	v5 =	vshra.s32 v4, $0x1;
	v6 =	vmul.f32 $5.000000000e-01, v4  }
0x1e1: {  	v5 =	vsub.s32 $0x5F3759DF, v5  }
0x1e2: {  	v7 =	vmul.f32 v5, v6;
	_ =	sdelay $0x1  }
0x1e3: {  	v7 =	vmul.f32 v5, v7;
	_ =	sdelay $0x1  }
0x1e4: {  	v7 =	vsub.f32 $1.500000000e+00, v7;
	_ =	sdelay $0x1  }
0x1e5: {  	v5 =	vmul.f32 v5, v7;
	_ =	sdelay $0x1  }
0x1e6: {  	v7 =	vmul.f32 v5, v6;
	_ =	sdelay $0x1  }
0x1e7: {  	v7 =	vmul.f32 v7, v5;
	_ =	sdelay $0x1  }
0x1e8: {  	v7 =	vsub.f32 $1.500000000e+00, v7;
	_ =	sdelay $0x1  }
0x1e9: {  	v5 =	vmul.f32 v7, v5;
	_ =	sdelay $0x1  }
0x1ea: {  	v6 =	vmul.f32 v5, v6;
	_ =	sdelay $0x1  }
0x1eb: {  	v6 =	vmul.f32 v6, v5;
	_ =	sdelay $0x1  }
0x1ec: {  	v6 =	vsub.f32 $1.500000000e+00, v6;
	_ =	sdelay $0x1  }
0x1ed: {  	v5 =	vmul.f32 v6, v5;
	_ =	sdelay $0x1  }
0x1ee: {  	v4 =	vmul.f32 v5, v4;
	_ =	sdelay $0x1  }
0x1ef: {  	v4 =	vsub.f32 $0.0e+00, v4  }
0x1f0: {  	s10 =	sshra.s32 s10, $0x2  }
0x1f1: {  	[tilespmem:s10+$0xC300] =	vst v4;
	s10 =	simm.s32 $0x0  }
0x1f2: {  	[hbm4b:s15+s10] =	stream.linear.scatter [tilespmem:s7], [sflag:$0x3], $0x80, $0x38;
	[tilespmem:$0xC780] =	vst v63  }
0x1f3: {  	_ =	swait.ge [sflag:s22], $0x80  }
0x1f4: {  	[sflag:s22] =	ssyncset.done $0x0  }
0x1f5: {  	[sflag:s22] =	ssyncadd.s32 $0xFFFFFF80  }
0x1f6: {  	[tilespmem:s25], [sflag:$0x3] =	stream.linear.gather [hbm4b:s16+s10], $0x80, $0x38;
	[tilespmem:$0xC780] =	vst v63  }
0x1f7: {  	_ =	swait.ge [sflag:s22], $0x80  }
0x1f8: {  	[sflag:s22] =	ssyncset.done $0x0  }
0x1f9: {  	[sflag:s22] =	ssyncadd.s32 $0xFFFFFF80  }
0x1fa: {  	[tilespmem:s30], [sflag:$0x3] =	stream.linear.gather [hbm4b:s17+s10], $0x80, $0x38;
	[tilespmem:$0xC780] =	vst v63  }
0x1fb: {  	_ =	swait.ge [sflag:s22], $0x80  }
0x1fc: {  	[sflag:s22] =	ssyncset.done $0x0  }
0x1fd: {  	[sflag:s22] =	ssyncadd.s32 $0xFFFFFF80  }
0x1fe: {  	[tilespmem:s31], [sflag:$0x3] =	stream.linear.gather [hbm4b:s18+s10], $0x80, $0x38;
	[tilespmem:$0xC780] =	vst v63  }
0x1ff: {  	_ =	swait.ge [sflag:s22], $0x80  }
0x200: {  	[sflag:s22] =	ssyncset.done $0x0  }
0x201: {  	[sflag:s22] =	ssyncadd.s32 $0xFFFFFF80  }
0x202: {  	[tilespmem:s0], [sflag:$0x2] =	stream.indirect.gather [hbm4b:s3+s25], $0x40, s25, s25, $0xb8;
	[tilespmem:$0xC780] =	vst v63  }
0x203: {  	_ = 	snop  }
0x204: {  	[tilespmem:s2], [sflag:$0x2] =	stream.indirect.gather [hbm4b:s4+s25], $0x40, s30, s25, $0xb8;
	[tilespmem:$0xC780] =	vst v63  }
0x205: {  	_ = 	snop  }
0x206: {  	[tilespmem:s5], [sflag:$0x2] =	stream.indirect.gather [hbm4b:s3+s25], $0x40, s31, s25, $0xb8;
	[tilespmem:$0xC780] =	vst v63  }
0x207: {  	_ =	swait.ge [sflag:s6], $0x2000  }
0x208: {  	[sflag:s6] =	ssyncset.done $0x0  }
0x209: {  	[sflag:s6] =	ssyncadd.s32 $0xFFFFE000  }
0x20a: {  	_ =	swait.ge [sflag:s6], $0x2000  }
0x20b: {  	[sflag:s6] =	ssyncset.done $0x0  }
0x20c: {  	[sflag:s6] =	ssyncadd.s32 $0xFFFFE000  }
0x20d: {  	s11 =	sand.u32 $0x7, s10;
	s12 =	sand.u32 $0x70, s10;
	_ =	swait.ge [sflag:s6], $0x2000  }
0x20e: {  	s11 =	sor.u32 s11, s12;
	[sflag:s6] =	ssyncset.done $0x0  }
0x20f: {  	s11 =	sshll.u32 s11, $0x6;
	[sflag:s6] =	ssyncadd.s32 $0xFFFFE000  }
0x210: {  	v4 =	vld [tilespmem:s11+$0x8330]  }
0x211: {  	v5 =	vld [tilespmem:s11+$0x330]  }
0x212: {  	v6 =	vld [tilespmem:s11+$0x4330]  }
0x213: {  	v7 =	vld [tilespmem:s11+$0x530]  }
0x214: {  	v8 =	vld [tilespmem:s11+$0x4530]  }
0x215: {  	v9 =	vld [tilespmem:s11+$0x8300]  }
0x216: {  	v10 =	vld [tilespmem:s11+$0x8310]  }
0x217: {  	v11 =	vld [tilespmem:s11+$0x320]  }
0x218: {  	v12 =	vld [tilespmem:s11+$0x4320]  }
0x219: {  	v13 =	vld [tilespmem:s11+$0x520]  }
0x21a: {  	v14 =	vld [tilespmem:s11+$0x4520]  }
0x21b: {  	v15 =	vld [tilespmem:s11+$0x4300]  }
0x21c: {  	v16 =	vld [tilespmem:s11+$0x300]  }
0x21d: {  	v17 =	vld [tilespmem:s11+$0x310]  }
0x21e: {  	v18 =	vld [tilespmem:s11+$0x4310]  }
0x21f: {  	v19 =	vld [tilespmem:s11+$0x500]  }
0x220: {  	v20 =	vld [tilespmem:s11+$0x4500]  }
0x221: {  	v21 =	vld [tilespmem:s11+$0x510]  }
0x222: {  	v22 =	vld [tilespmem:s11+$0x4510]  }
0x223: {  	v23 =	vld [tilespmem:s11+$0x8500];
	v5 =	vadd.f32 v6, v5  }
0x224: {  	v6 =	vld [tilespmem:s11+$0x8510];
	v7 =	vadd.f32 v8, v7;
	v11 =	vadd.f32 v12, v11  }
0x225: {  	v8 =	vld [tilespmem:s11+$0x8320];
	v12 =	vadd.f32 v14, v13;
	v13 =	vadd.f32 v15, v16  }
0x226: {  	v14 =	vadd.f32 v18, v17;
	v15 =	vld [tilespmem:s11+$0x8520];
	v16 =	vadd.f32 v20, v19  }
0x227: {  	v17 =	vadd.f32 v22, v21;
	v18 =	vld [tilespmem:s11+$0x8530];
	v9 =	vsub.f32 v13, v9  }
0x228: {  	v10 =	vsub.f32 v14, v10;
	v13 =	vsub.f32 v16, v23  }
0x229: {  	v4 =	vsub.f32 v5, v4;
	v6 =	vsub.f32 v17, v6  }
0x22a: {  	v9 =	vmul.f32 v9, v9;
	v10 =	vmul.f32 v10, v10;
	v8 =	vsub.f32 v11, v8  }
0x22b: {  	v11 =	vmul.f32 v13, v13;
	v12 =	vsub.f32 v12, v15;
	v6 =	vmul.f32 v6, v6  }
0x22c: {  	v5 =	vsub.f32 v7, v18;
	v7 =	vadd.f32 v10, v9  }
0x22d: {  	v8 =	vmul.f32 v8, v8;
	v9 =	vmul.f32 v12, v12;
	v6 =	vadd.f32 v6, v11  }
0x22e: {  	v4 =	vmul.f32 v4, v4  }
0x22f: {  	v5 =	vmul.f32 v5, v5;
	v7 =	vadd.f32 v8, v7;
	v6 =	vadd.f32 v9, v6;
	_ =	sdelay $0x1  }
0x230: {  	v4 =	vadd.f32 v4, v7;
	v5 =	vadd.f32 v5, v6;
	_ =	sdelay $0x1  }
0x231: {  	v6 =	vperm.xlane v4, v0;
	v7 =	vperm.xlane v5, v0;
	_ =	sdelay $0x1  }
0x232: {  	s28 =	simm.s32 $0x1;
	s12 =	simm.s32 $0x2;
	v4 =	vadd.f32 v6, v4;
	v5 =	vadd.f32 v5, v7  }
0x233: {  	s13 =	sand.u32 $0x7, s28;
	s26 =	sand.u32 $0x70, s12  }
0x234: {  	s13 =	sor.u32 s13, s26;
	s11 =	simm.s32 $0xC380;
	v4 =	vsel vm2, v4, v5  }
0x235: {  	s26 =	sshll.u32 s13, $0x6;
	[tilespmem:s11+$0x0] =	vst v4  }
0x236: {  	v4 =	vld [tilespmem:s26+$0x8330]  }
0x237: {  	v7 =	vld [tilespmem:s26+$0x330]  }
0x238: {  	v9 =	vld [tilespmem:s26+$0x4330]  }
0x239: {  	v8 =	vld [tilespmem:s26+$0x530]  }
0x23a: {  	v10 =	vld [tilespmem:s26+$0x4530]  }
0x23b: {  	v5 =	vld [tilespmem:s26+$0x8300]  }
0x23c: {  	v6 =	vld [tilespmem:s26+$0x8310]  }
0x23d: {  	v11 =	vld [tilespmem:s26+$0x320]  }
0x23e: {  	v12 =	vld [tilespmem:s26+$0x4320]  }
0x23f: {  	v13 =	vld [tilespmem:s26+$0x520]  }
0x240: {  	v14 =	vld [tilespmem:s26+$0x4520]  }
0x241: {  	v15 =	vld [tilespmem:s26+$0x4300]  }
0x242: {  	v16 =	vld [tilespmem:s26+$0x300]  }
0x243: {  	v17 =	vld [tilespmem:s26+$0x310]  }
0x244: {  	v19 =	vld [tilespmem:s26+$0x4310]  }
0x245: {  	s13 =	simm.s32 $0x2;
	v18 =	vld [tilespmem:s26+$0x500]  }
.LBB2_10:
0x246: {  	p0 =	sne.s32 s13, $0x3F;
	v20 =	vld [tilespmem:s26+$0x4500]  }
0x247: {  	v21 =	vld [tilespmem:s26+$0x510]  }
0x248: {  	v22 =	vld [tilespmem:s26+$0x4510]  }
0x249: {  	v23 =	vld [tilespmem:s26+$0x8500]  }
0x24a: {  	v7 =	vadd.f32 v9, v7;
	v8 =	vadd.f32 v10, v8;
	v9 =	vld [tilespmem:s26+$0x8510]  }
0x24b: {  	v11 =	vadd.f32 v12, v11;
	v12 =	vadd.f32 v14, v13;
	v10 =	vld [tilespmem:s26+$0x8320]  }
0x24c: {  	v13 =	vadd.f32 v15, v16;
	v14 =	vadd.f32 v19, v17;
	v15 =	vld [tilespmem:s26+$0x8520]  }
0x24d: {  	v16 =	vadd.f32 v20, v18;
	v17 =	vadd.f32 v22, v21;
	v18 =	vld [tilespmem:s26+$0x8530]  }
0x24e: {  	v5 =	vsub.f32 v13, v5;
	v6 =	vsub.f32 v14, v6  }
0x24f: {  	v13 =	vsub.f32 v16, v23;
	v9 =	vsub.f32 v17, v9  }
0x250: {  	v5 =	vmul.f32 v5, v5;
	v6 =	vmul.f32 v6, v6;
	v10 =	vsub.f32 v11, v10  }
0x251: {  	v11 =	vmul.f32 v13, v13;
	v9 =	vmul.f32 v9, v9;
	v12 =	vsub.f32 v12, v15  }
0x252: {  	v4 =	vsub.f32 v7, v4;
	v10 =	vmul.f32 v10, v10;
	v7 =	vsub.f32 v8, v18  }
0x253: {  	v5 =	vadd.f32 v6, v5;
	v6 =	vadd.f32 v9, v11;
	v8 =	vmul.f32 v12, v12  }
0x254: {  	v4 =	vmul.f32 v4, v4  }
0x255: {  	v5 =	vadd.f32 v10, v5;
	v7 =	vmul.f32 v7, v7;
	v6 =	vadd.f32 v8, v6;
	_ =	sdelay $0x1  }
0x256: {  	v4 =	vadd.f32 v4, v5;
	v5 =	vadd.f32 v7, v6;
	_ =	sdelay $0x1  }
0x257: {  	v6 =	vperm.xlane v4, v0;
	v7 =	vperm.xlane v5, v0;
	_ =	sdelay $0x1  }
0x258: {  	s12 =	sadd.s32 $0x2, s12;
	v4 =	vadd.f32 v6, v4;
	v5 =	vadd.f32 v5, v7  }
0x259: {  	s28 =	sand.u32 $0x70, s12;
	s26 =	sand.u32 $0x7, s13  }
0x25a: {  	s11 =	sadd.s32 $0x10, s11;
	s26 =	sor.u32 s26, s28;
	v4 =	vsel vm2, v4, v5  }
0x25b: {  	s26 =	sshll.u32 s26, $0x6;
	[tilespmem:s11+$0x0] =	vst v4  }
0x25c: {  	v4 =	vld [tilespmem:s26+$0x8330]  }
0x25d: {  	v7 =	vld [tilespmem:s26+$0x330]  }
0x25e: {  	v9 =	vld [tilespmem:s26+$0x4330]  }
0x25f: {  	v8 =	vld [tilespmem:s26+$0x530]  }
0x260: {  	v10 =	vld [tilespmem:s26+$0x4530]  }
0x261: {  	v5 =	vld [tilespmem:s26+$0x8300]  }
0x262: {  	v6 =	vld [tilespmem:s26+$0x8310]  }
0x263: {  	v11 =	vld [tilespmem:s26+$0x320]  }
0x264: {  	v12 =	vld [tilespmem:s26+$0x4320]  }
0x265: {  	v13 =	vld [tilespmem:s26+$0x520]  }
0x266: {  	v14 =	vld [tilespmem:s26+$0x4520]  }
.Ltmp4:
0x267: {  	v15 =	vld [tilespmem:s26+$0x4300];
	(pc) =	sbr.rel @p0 .LBB2_10-.Ltmp4, $4  }
0x268: {  	v16 =	vld [tilespmem:s26+$0x300]  }
0x269: {  	v17 =	vld [tilespmem:s26+$0x310]  }
0x26a: {  	v19 =	vld [tilespmem:s26+$0x4310]  }
0x26b: {  	s13 =	sadd.s32 $0x1, s13;
	v18 =	vld [tilespmem:s26+$0x500]  }
0x26c: {  	v20 =	vld [tilespmem:s26+$0x4500]  }
0x26d: {  	v21 =	vld [tilespmem:s26+$0x510]  }
0x26e: {  	v22 =	vld [tilespmem:s26+$0x4510]  }
0x26f: {  	v23 =	vld [tilespmem:s26+$0x8500]  }
0x270: {  	v7 =	vadd.f32 v9, v7;
	v9 =	vld [tilespmem:s26+$0x8510];
	v8 =	vadd.f32 v10, v8  }
0x271: {  	v10 =	vld [tilespmem:s26+$0x8320];
	v11 =	vadd.f32 v12, v11;
	v56 =	vadd.f32 v14, v13  }
0x272: {  	v59 =	vld [tilespmem:s26+$0x8520];
	v57 =	vadd.f32 v15, v16;
	v58 =	vadd.f32 v19, v17  }
0x273: {  	v62 =	vld [tilespmem:s26+$0x8530];
	v60 =	vadd.f32 v20, v18;
	v61 =	vadd.f32 v22, v21  }
0x274: {  	v5 =	vsub.f32 v57, v5;
	v6 =	vsub.f32 v58, v6  }
0x275: {  	v63 =	vsub.f32 v60, v23;
	v9 =	vsub.f32 v61, v9  }
0x276: {  	v5 =	vmul.f32 v5, v5;
	v10 =	vsub.f32 v11, v10;
	v6 =	vmul.f32 v6, v6  }
0x277: {  	v12 =	vsub.f32 v56, v59;
	v11 =	vmul.f32 v63, v63;
	v9 =	vmul.f32 v9, v9  }
0x278: {  	v4 =	vsub.f32 v7, v4;
	v7 =	vsub.f32 v8, v62;
	v10 =	vmul.f32 v10, v10  }
0x279: {  	v8 =	vmul.f32 v12, v12;
	v5 =	vadd.f32 v6, v5;
	v6 =	vadd.f32 v9, v11  }
0x27a: {  	v4 =	vmul.f32 v4, v4  }
0x27b: {  	v7 =	vmul.f32 v7, v7;
	v5 =	vadd.f32 v10, v5;
	v6 =	vadd.f32 v8, v6;
	_ =	sdelay $0x1  }
0x27c: {  	v4 =	vadd.f32 v4, v5;
	v5 =	vadd.f32 v7, v6;
	_ =	sdelay $0x1  }
0x27d: {  	v6 =	vperm.xlane v4, v0;
	v7 =	vperm.xlane v5, v0;
	_ =	sdelay $0x1  }
0x27e: {  	v4 =	vadd.f32 v6, v4;
	v5 =	vadd.f32 v5, v7;
	_ =	sdelay $0x1  }
0x27f: {  	s11 =	sadd.s32 $0x10, s11;
	v4 =	vsel vm2, v4, v5  }
0x280: {  	[tilespmem:s11+$0x0] =	vst v4;
	s11 =	simm.s32 $0xC3C0  }
0x281: {  	v9 =	vld [tilespmem:s11+$0x30]  }
0x282: {  	v11 =	vld [tilespmem:s11+$0xFFFFFFF0]  }
0x283: {  	v10 =	vld [tilespmem:s11+$0x10]  }
0x284: {  	v6 =	vld [tilespmem:s11+$0xFFFFFFD0]  }
0x285: {  	v4 =	vld [tilespmem:s11+$0x20]  }
0x286: {  	v7 =	vld [tilespmem:s11+$0xFFFFFFE0]  }
0x287: {  	v5 =	vld [tilespmem:s11+$0x0]  }
0x288: {  	s12 =	simm.s32 $0x40;
	v8 =	vld [tilespmem:s11+$0xFFFFFFC0]  }
.LBB2_12:
0x289: {  	p0 =	sne.s32 s12, $0x1C0;
	v12 =	vperm.xlane v11, v1;
	v13 =	vperm.xlane v9, v1  }
0x28a: {  	v14 =	vperm.xlane v10, v1  }
0x28b: {  	v15 =	vperm.xlane v6, v1;
	v11 =	vadd.f32 v12, v11;
	v9 =	vadd.f32 v13, v9  }
0x28c: {  	v10 =	vadd.f32 v14, v10;
	v12 =	vperm.xlane v7, v1;
	v13 =	vperm.xlane v4, v1  }
0x28d: {  	v6 =	vadd.f32 v15, v6;
	v16 =	vperm.xlane v5, v1;
	v14 =	vperm.xlane v8, v1  }
0x28e: {  	v7 =	vadd.f32 v12, v7;
	v4 =	vadd.f32 v13, v4  }
0x28f: {  	v9 =	vsel vm0, v11, v9;
	v5 =	vadd.f32 v16, v5;
	v8 =	vadd.f32 v14, v8  }
0x290: {  	v6 =	vsel vm0, v6, v10;
	v10 =	vperm.xlane v9, v2  }
0x291: {  	v4 =	vsel vm0, v7, v4;
	v7 =	vperm.xlane v6, v2;
	v5 =	vsel vm0, v8, v5  }
0x292: {  	v11 =	vperm.xlane v4, v2;
	v8 =	vperm.xlane v5, v2  }
0x293: {  	v6 =	vadd.f32 v7, v6;
	v7 =	vadd.f32 v10, v9  }
0x294: {  	v4 =	vadd.f32 v11, v4;
	v5 =	vadd.f32 v8, v5;
	_ =	sdelay $0x1  }
0x295: {  	v4 =	vsel vm1, v5, v4;
	v5 =	vsel vm1, v6, v7  }
0x296: {  	v6 =	vperm.xlane v4, v3;
	v7 =	vperm.xlane v5, v3;
	_ =	sdelay $0x1  }
0x297: {  	v4 =	vadd.f32 v6, v4;
	v5 =	vadd.f32 v7, v5;
	_ =	sdelay $0x1  }
0x298: {  	v4 =	vsel vm3, v4, v5  }
0x299: {  	v4 =	vadd.f32 $9.999999960e-13, v4;
	_ =	sdelay $0x1  }
0x29a: {  	v5 =	vshra.s32 v4, $0x1;
	v6 =	vmul.f32 $5.000000000e-01, v4  }
0x29b: {  	v5 =	vsub.s32 $0x5F3759DF, v5  }
0x29c: {  	v7 =	vmul.f32 v5, v6;
	_ =	sdelay $0x1  }
0x29d: {  	v7 =	vmul.f32 v5, v7;
	_ =	sdelay $0x1  }
0x29e: {  	v7 =	vsub.f32 $1.500000000e+00, v7;
	_ =	sdelay $0x1  }
0x29f: {  	v5 =	vmul.f32 v5, v7;
	_ =	sdelay $0x1  }
0x2a0: {  	v7 =	vmul.f32 v5, v6;
	_ =	sdelay $0x1  }
0x2a1: {  	v7 =	vmul.f32 v7, v5;
	_ =	sdelay $0x1  }
0x2a2: {  	v7 =	vsub.f32 $1.500000000e+00, v7;
	_ =	sdelay $0x1  }
0x2a3: {  	v5 =	vmul.f32 v7, v5;
	_ =	sdelay $0x1  }
0x2a4: {  	v6 =	vmul.f32 v5, v6;
	_ =	sdelay $0x1  }
0x2a5: {  	v6 =	vmul.f32 v6, v5;
	_ =	sdelay $0x1  }
0x2a6: {  	v6 =	vsub.f32 $1.500000000e+00, v6;
	_ =	sdelay $0x1  }
0x2a7: {  	v5 =	vmul.f32 v6, v5;
	_ =	sdelay $0x1  }
0x2a8: {  	v4 =	vmul.f32 v5, v4;
	_ =	sdelay $0x1  }
0x2a9: {  	v4 =	vsub.f32 $0.0e+00, v4  }
0x2aa: {  	s13 =	sshra.s32 s10, $0x2;
	s10 =	smov.u32 s12  }
0x2ab: {  	s11 =	sadd.s32 $0x80, s11;
	[tilespmem:s13+$0xC300] =	vst v4  }
0x2ac: {  	v9 =	vld [tilespmem:s11+$0x30]  }
0x2ad: {  	v11 =	vld [tilespmem:s11+$0xFFFFFFF0]  }
0x2ae: {  	v10 =	vld [tilespmem:s11+$0x10]  }
.Ltmp5:
0x2af: {  	v6 =	vld [tilespmem:s11+$0xFFFFFFD0];
	(pc) =	sbr.rel @p0 .LBB2_12-.Ltmp5, $4  }
0x2b0: {  	v4 =	vld [tilespmem:s11+$0x20]  }
0x2b1: {  	v7 =	vld [tilespmem:s11+$0xFFFFFFE0]  }
0x2b2: {  	v5 =	vld [tilespmem:s11+$0x0]  }
0x2b3: {  	s12 =	sadd.s32 $0x40, s12;
	v8 =	vld [tilespmem:s11+$0xFFFFFFC0]  }
0x2b4: {  	v12 =	vperm.xlane v11, v1;
	v13 =	vperm.xlane v9, v1  }
0x2b5: {  	v14 =	vperm.xlane v10, v1  }
0x2b6: {  	v15 =	vperm.xlane v6, v1;
	v11 =	vadd.f32 v12, v11;
	v9 =	vadd.f32 v13, v9  }
0x2b7: {  	v10 =	vadd.f32 v14, v10;
	v12 =	vperm.xlane v7, v1;
	v13 =	vperm.xlane v4, v1  }
0x2b8: {  	v6 =	vadd.f32 v15, v6;
	v16 =	vperm.xlane v5, v1;
	v14 =	vperm.xlane v8, v1  }
0x2b9: {  	v7 =	vadd.f32 v12, v7;
	v4 =	vadd.f32 v13, v4  }
0x2ba: {  	v9 =	vsel vm0, v11, v9;
	v5 =	vadd.f32 v16, v5;
	v8 =	vadd.f32 v14, v8  }
0x2bb: {  	v6 =	vsel vm0, v6, v10;
	v10 =	vperm.xlane v9, v2  }
0x2bc: {  	v4 =	vsel vm0, v7, v4;
	v7 =	vperm.xlane v6, v2;
	v5 =	vsel vm0, v8, v5  }
0x2bd: {  	v11 =	vperm.xlane v4, v2;
	v8 =	vperm.xlane v5, v2  }
0x2be: {  	v6 =	vadd.f32 v7, v6;
	v7 =	vadd.f32 v10, v9  }
0x2bf: {  	v4 =	vadd.f32 v11, v4;
	v5 =	vadd.f32 v8, v5;
	_ =	sdelay $0x1  }
0x2c0: {  	v4 =	vsel vm1, v5, v4;
	v5 =	vsel vm1, v6, v7  }
0x2c1: {  	v6 =	vperm.xlane v4, v3;
	v7 =	vperm.xlane v5, v3;
	_ =	sdelay $0x1  }
0x2c2: {  	v4 =	vadd.f32 v6, v4;
	v5 =	vadd.f32 v7, v5;
	_ =	sdelay $0x1  }
0x2c3: {  	v4 =	vsel vm3, v4, v5  }
0x2c4: {  	v4 =	vadd.f32 $9.999999960e-13, v4;
	_ =	sdelay $0x1  }
0x2c5: {  	v5 =	vshra.s32 v4, $0x1;
	v6 =	vmul.f32 $5.000000000e-01, v4  }
0x2c6: {  	v5 =	vsub.s32 $0x5F3759DF, v5  }
0x2c7: {  	v7 =	vmul.f32 v5, v6;
	_ =	sdelay $0x1  }
0x2c8: {  	v7 =	vmul.f32 v5, v7;
	_ =	sdelay $0x1  }
0x2c9: {  	v7 =	vsub.f32 $1.500000000e+00, v7;
	_ =	sdelay $0x1  }
0x2ca: {  	v5 =	vmul.f32 v5, v7;
	_ =	sdelay $0x1  }
0x2cb: {  	v7 =	vmul.f32 v5, v6;
	_ =	sdelay $0x1  }
0x2cc: {  	v7 =	vmul.f32 v7, v5;
	_ =	sdelay $0x1  }
0x2cd: {  	v7 =	vsub.f32 $1.500000000e+00, v7;
	_ =	sdelay $0x1  }
0x2ce: {  	v5 =	vmul.f32 v7, v5;
	_ =	sdelay $0x1  }
0x2cf: {  	v6 =	vmul.f32 v5, v6;
	_ =	sdelay $0x1  }
0x2d0: {  	v6 =	vmul.f32 v6, v5;
	_ =	sdelay $0x1  }
0x2d1: {  	v6 =	vsub.f32 $1.500000000e+00, v6;
	_ =	sdelay $0x1  }
0x2d2: {  	v5 =	vmul.f32 v6, v5;
	_ =	sdelay $0x1  }
0x2d3: {  	v4 =	vmul.f32 v5, v4;
	_ =	sdelay $0x1  }
0x2d4: {  	v4 =	vsub.f32 $0.0e+00, v4  }
0x2d5: {  	s10 =	sshra.s32 s10, $0x2  }
0x2d6: {  	[tilespmem:s10+$0xC300] =	vst v4;
	s10 =	simm.s32 $0x0  }
0x2d7: {  	[hbm4b:s19+s10] =	stream.linear.scatter [tilespmem:s7], [sflag:$0x3], $0x80, $0x38;
	[tilespmem:$0xC780] =	vst v63  }
0x2d8: {  	_ =	swait.ge [sflag:s22], $0x80  }
0x2d9: {  	[sflag:s22] =	ssyncset.done $0x0  }
0x2da: {  	[sflag:s22] =	ssyncadd.s32 $0xFFFFFF80  }
0x2db: {  	_ =	swait.ge [sflag:s8], $0x2000  }
0x2dc: {  	[sflag:s8] =	ssyncset.done $0x0  }
0x2dd: {  	[sflag:s8] =	ssyncadd.s32 $0xFFFFE000  }
0x2de: {  	_ =	swait.ge [sflag:s8], $0x2000  }
0x2df: {  	[sflag:s8] =	ssyncset.done $0x0  }
0x2e0: {  	[sflag:s8] =	ssyncadd.s32 $0xFFFFE000  }
0x2e1: {  	s11 =	sand.u32 $0x7, s10;
	s12 =	sand.u32 $0x70, s10;
	_ =	swait.ge [sflag:s8], $0x2000  }
0x2e2: {  	s11 =	sor.u32 s11, s12;
	[sflag:s8] =	ssyncset.done $0x0  }
0x2e3: {  	s11 =	sshll.u32 s11, $0x6;
	[sflag:s8] =	ssyncadd.s32 $0xFFFFE000  }
0x2e4: {  	v4 =	vld [tilespmem:s11+$0xA330]  }
0x2e5: {  	v5 =	vld [tilespmem:s11+$0x2330]  }
0x2e6: {  	v6 =	vld [tilespmem:s11+$0x6330]  }
0x2e7: {  	v7 =	vld [tilespmem:s11+$0x2530]  }
0x2e8: {  	v8 =	vld [tilespmem:s11+$0x6530]  }
0x2e9: {  	v9 =	vld [tilespmem:s11+$0xA300]  }
0x2ea: {  	v10 =	vld [tilespmem:s11+$0xA310]  }
0x2eb: {  	v11 =	vld [tilespmem:s11+$0x2320]  }
0x2ec: {  	v12 =	vld [tilespmem:s11+$0x6320]  }
0x2ed: {  	v13 =	vld [tilespmem:s11+$0x2520]  }
0x2ee: {  	v14 =	vld [tilespmem:s11+$0x6520]  }
0x2ef: {  	v15 =	vld [tilespmem:s11+$0x6300]  }
0x2f0: {  	v16 =	vld [tilespmem:s11+$0x2300]  }
0x2f1: {  	v17 =	vld [tilespmem:s11+$0x2310]  }
0x2f2: {  	v18 =	vld [tilespmem:s11+$0x6310]  }
0x2f3: {  	v19 =	vld [tilespmem:s11+$0x2500]  }
0x2f4: {  	v20 =	vld [tilespmem:s11+$0x6500]  }
0x2f5: {  	v21 =	vld [tilespmem:s11+$0x2510]  }
0x2f6: {  	v22 =	vld [tilespmem:s11+$0x6510]  }
0x2f7: {  	v23 =	vld [tilespmem:s11+$0xA500];
	v5 =	vadd.f32 v6, v5  }
0x2f8: {  	v6 =	vld [tilespmem:s11+$0xA510];
	v7 =	vadd.f32 v8, v7;
	v11 =	vadd.f32 v12, v11  }
0x2f9: {  	v8 =	vld [tilespmem:s11+$0xA320];
	v12 =	vadd.f32 v14, v13;
	v13 =	vadd.f32 v15, v16  }
0x2fa: {  	v14 =	vadd.f32 v18, v17;
	v15 =	vld [tilespmem:s11+$0xA520];
	v16 =	vadd.f32 v20, v19  }
0x2fb: {  	v17 =	vadd.f32 v22, v21;
	v18 =	vld [tilespmem:s11+$0xA530];
	v9 =	vsub.f32 v13, v9  }
0x2fc: {  	v10 =	vsub.f32 v14, v10;
	v13 =	vsub.f32 v16, v23  }
0x2fd: {  	v4 =	vsub.f32 v5, v4;
	v6 =	vsub.f32 v17, v6  }
0x2fe: {  	v9 =	vmul.f32 v9, v9;
	v10 =	vmul.f32 v10, v10;
	v8 =	vsub.f32 v11, v8  }
0x2ff: {  	v11 =	vmul.f32 v13, v13;
	v12 =	vsub.f32 v12, v15;
	v6 =	vmul.f32 v6, v6  }
0x300: {  	v5 =	vsub.f32 v7, v18;
	v7 =	vadd.f32 v10, v9  }
0x301: {  	v8 =	vmul.f32 v8, v8;
	v9 =	vmul.f32 v12, v12;
	v6 =	vadd.f32 v6, v11  }
0x302: {  	v4 =	vmul.f32 v4, v4  }
0x303: {  	v5 =	vmul.f32 v5, v5;
	v7 =	vadd.f32 v8, v7;
	v6 =	vadd.f32 v9, v6;
	_ =	sdelay $0x1  }
0x304: {  	v4 =	vadd.f32 v4, v7;
	v5 =	vadd.f32 v5, v6;
	_ =	sdelay $0x1  }
0x305: {  	v6 =	vperm.xlane v4, v0;
	v7 =	vperm.xlane v5, v0;
	_ =	sdelay $0x1  }
0x306: {  	s28 =	simm.s32 $0x1;
	s12 =	simm.s32 $0x2;
	v4 =	vadd.f32 v6, v4;
	v5 =	vadd.f32 v5, v7  }
0x307: {  	s13 =	sand.u32 $0x7, s28;
	s26 =	sand.u32 $0x70, s12  }
0x308: {  	s13 =	sor.u32 s13, s26;
	s11 =	simm.s32 $0xC380;
	v4 =	vsel vm2, v4, v5  }
0x309: {  	s26 =	sshll.u32 s13, $0x6;
	[tilespmem:s11+$0x0] =	vst v4  }
0x30a: {  	v4 =	vld [tilespmem:s26+$0xA330]  }
0x30b: {  	v7 =	vld [tilespmem:s26+$0x2330]  }
0x30c: {  	v9 =	vld [tilespmem:s26+$0x6330]  }
0x30d: {  	v8 =	vld [tilespmem:s26+$0x2530]  }
0x30e: {  	v10 =	vld [tilespmem:s26+$0x6530]  }
0x30f: {  	v5 =	vld [tilespmem:s26+$0xA300]  }
0x310: {  	v6 =	vld [tilespmem:s26+$0xA310]  }
0x311: {  	v11 =	vld [tilespmem:s26+$0x2320]  }
0x312: {  	v12 =	vld [tilespmem:s26+$0x6320]  }
0x313: {  	v13 =	vld [tilespmem:s26+$0x2520]  }
0x314: {  	v14 =	vld [tilespmem:s26+$0x6520]  }
0x315: {  	v15 =	vld [tilespmem:s26+$0x6300]  }
0x316: {  	v16 =	vld [tilespmem:s26+$0x2300]  }
0x317: {  	v17 =	vld [tilespmem:s26+$0x2310]  }
0x318: {  	v19 =	vld [tilespmem:s26+$0x6310]  }
0x319: {  	s13 =	simm.s32 $0x2;
	v18 =	vld [tilespmem:s26+$0x2500]  }
.LBB2_14:
0x31a: {  	p0 =	sne.s32 s13, $0x3F;
	v20 =	vld [tilespmem:s26+$0x6500]  }
0x31b: {  	v21 =	vld [tilespmem:s26+$0x2510]  }
0x31c: {  	v22 =	vld [tilespmem:s26+$0x6510]  }
0x31d: {  	v23 =	vld [tilespmem:s26+$0xA500]  }
0x31e: {  	v7 =	vadd.f32 v9, v7;
	v8 =	vadd.f32 v10, v8;
	v9 =	vld [tilespmem:s26+$0xA510]  }
0x31f: {  	v11 =	vadd.f32 v12, v11;
	v12 =	vadd.f32 v14, v13;
	v10 =	vld [tilespmem:s26+$0xA320]  }
0x320: {  	v13 =	vadd.f32 v15, v16;
	v14 =	vadd.f32 v19, v17;
	v15 =	vld [tilespmem:s26+$0xA520]  }
0x321: {  	v16 =	vadd.f32 v20, v18;
	v17 =	vadd.f32 v22, v21;
	v18 =	vld [tilespmem:s26+$0xA530]  }
0x322: {  	v5 =	vsub.f32 v13, v5;
	v6 =	vsub.f32 v14, v6  }
0x323: {  	v13 =	vsub.f32 v16, v23;
	v9 =	vsub.f32 v17, v9  }
0x324: {  	v5 =	vmul.f32 v5, v5;
	v6 =	vmul.f32 v6, v6;
	v10 =	vsub.f32 v11, v10  }
0x325: {  	v11 =	vmul.f32 v13, v13;
	v9 =	vmul.f32 v9, v9;
	v12 =	vsub.f32 v12, v15  }
0x326: {  	v4 =	vsub.f32 v7, v4;
	v10 =	vmul.f32 v10, v10;
	v7 =	vsub.f32 v8, v18  }
0x327: {  	v5 =	vadd.f32 v6, v5;
	v6 =	vadd.f32 v9, v11;
	v8 =	vmul.f32 v12, v12  }
0x328: {  	v4 =	vmul.f32 v4, v4  }
0x329: {  	v5 =	vadd.f32 v10, v5;
	v7 =	vmul.f32 v7, v7;
	v6 =	vadd.f32 v8, v6;
	_ =	sdelay $0x1  }
0x32a: {  	v4 =	vadd.f32 v4, v5;
	v5 =	vadd.f32 v7, v6;
	_ =	sdelay $0x1  }
0x32b: {  	v6 =	vperm.xlane v4, v0;
	v7 =	vperm.xlane v5, v0;
	_ =	sdelay $0x1  }
0x32c: {  	s12 =	sadd.s32 $0x2, s12;
	v4 =	vadd.f32 v6, v4;
	v5 =	vadd.f32 v5, v7  }
0x32d: {  	s28 =	sand.u32 $0x70, s12;
	s26 =	sand.u32 $0x7, s13  }
0x32e: {  	s11 =	sadd.s32 $0x10, s11;
	s26 =	sor.u32 s26, s28;
	v4 =	vsel vm2, v4, v5  }
0x32f: {  	s26 =	sshll.u32 s26, $0x6;
	[tilespmem:s11+$0x0] =	vst v4  }
0x330: {  	v4 =	vld [tilespmem:s26+$0xA330]  }
0x331: {  	v7 =	vld [tilespmem:s26+$0x2330]  }
0x332: {  	v9 =	vld [tilespmem:s26+$0x6330]  }
0x333: {  	v8 =	vld [tilespmem:s26+$0x2530]  }
0x334: {  	v10 =	vld [tilespmem:s26+$0x6530]  }
0x335: {  	v5 =	vld [tilespmem:s26+$0xA300]  }
0x336: {  	v6 =	vld [tilespmem:s26+$0xA310]  }
0x337: {  	v11 =	vld [tilespmem:s26+$0x2320]  }
0x338: {  	v12 =	vld [tilespmem:s26+$0x6320]  }
0x339: {  	v13 =	vld [tilespmem:s26+$0x2520]  }
0x33a: {  	v14 =	vld [tilespmem:s26+$0x6520]  }
.Ltmp6:
0x33b: {  	v15 =	vld [tilespmem:s26+$0x6300];
	(pc) =	sbr.rel @p0 .LBB2_14-.Ltmp6, $4  }
0x33c: {  	v16 =	vld [tilespmem:s26+$0x2300]  }
0x33d: {  	v17 =	vld [tilespmem:s26+$0x2310]  }
0x33e: {  	v19 =	vld [tilespmem:s26+$0x6310]  }
0x33f: {  	s13 =	sadd.s32 $0x1, s13;
	v18 =	vld [tilespmem:s26+$0x2500]  }
0x340: {  	v20 =	vld [tilespmem:s26+$0x6500]  }
0x341: {  	v21 =	vld [tilespmem:s26+$0x2510]  }
0x342: {  	v22 =	vld [tilespmem:s26+$0x6510]  }
0x343: {  	v23 =	vld [tilespmem:s26+$0xA500]  }
0x344: {  	v7 =	vadd.f32 v9, v7;
	v9 =	vld [tilespmem:s26+$0xA510];
	v8 =	vadd.f32 v10, v8  }
0x345: {  	v10 =	vld [tilespmem:s26+$0xA320];
	v11 =	vadd.f32 v12, v11;
	v56 =	vadd.f32 v14, v13  }
0x346: {  	v59 =	vld [tilespmem:s26+$0xA520];
	v57 =	vadd.f32 v15, v16;
	v58 =	vadd.f32 v19, v17  }
0x347: {  	v62 =	vld [tilespmem:s26+$0xA530];
	v60 =	vadd.f32 v20, v18;
	v61 =	vadd.f32 v22, v21  }
0x348: {  	v5 =	vsub.f32 v57, v5;
	v6 =	vsub.f32 v58, v6  }
0x349: {  	v63 =	vsub.f32 v60, v23;
	v9 =	vsub.f32 v61, v9  }
0x34a: {  	v5 =	vmul.f32 v5, v5;
	v10 =	vsub.f32 v11, v10;
	v6 =	vmul.f32 v6, v6  }
0x34b: {  	v12 =	vsub.f32 v56, v59;
	v11 =	vmul.f32 v63, v63;
	v9 =	vmul.f32 v9, v9  }
0x34c: {  	v4 =	vsub.f32 v7, v4;
	v7 =	vsub.f32 v8, v62;
	v10 =	vmul.f32 v10, v10  }
0x34d: {  	v8 =	vmul.f32 v12, v12;
	v5 =	vadd.f32 v6, v5;
	v6 =	vadd.f32 v9, v11  }
0x34e: {  	v4 =	vmul.f32 v4, v4  }
0x34f: {  	v7 =	vmul.f32 v7, v7;
	v5 =	vadd.f32 v10, v5;
	v6 =	vadd.f32 v8, v6;
	_ =	sdelay $0x1  }
0x350: {  	v4 =	vadd.f32 v4, v5;
	v5 =	vadd.f32 v7, v6;
	_ =	sdelay $0x1  }
0x351: {  	v6 =	vperm.xlane v4, v0;
	v7 =	vperm.xlane v5, v0;
	_ =	sdelay $0x1  }
0x352: {  	v4 =	vadd.f32 v6, v4;
	v5 =	vadd.f32 v5, v7;
	_ =	sdelay $0x1  }
0x353: {  	s11 =	sadd.s32 $0x10, s11;
	v4 =	vsel vm2, v4, v5  }
0x354: {  	[tilespmem:s11+$0x0] =	vst v4;
	s11 =	simm.s32 $0xC3C0  }
0x355: {  	v9 =	vld [tilespmem:s11+$0x30]  }
0x356: {  	v11 =	vld [tilespmem:s11+$0xFFFFFFF0]  }
0x357: {  	v10 =	vld [tilespmem:s11+$0x10]  }
0x358: {  	v6 =	vld [tilespmem:s11+$0xFFFFFFD0]  }
0x359: {  	v4 =	vld [tilespmem:s11+$0x20]  }
0x35a: {  	v7 =	vld [tilespmem:s11+$0xFFFFFFE0]  }
0x35b: {  	v5 =	vld [tilespmem:s11+$0x0]  }
0x35c: {  	s12 =	simm.s32 $0x40;
	v8 =	vld [tilespmem:s11+$0xFFFFFFC0]  }
.LBB2_16:
0x35d: {  	p0 =	sne.s32 s12, $0x1C0;
	v12 =	vperm.xlane v11, v1;
	v13 =	vperm.xlane v9, v1  }
0x35e: {  	v14 =	vperm.xlane v10, v1  }
0x35f: {  	v15 =	vperm.xlane v6, v1;
	v11 =	vadd.f32 v12, v11;
	v9 =	vadd.f32 v13, v9  }
0x360: {  	v10 =	vadd.f32 v14, v10;
	v12 =	vperm.xlane v7, v1;
	v13 =	vperm.xlane v4, v1  }
0x361: {  	v6 =	vadd.f32 v15, v6;
	v16 =	vperm.xlane v5, v1;
	v14 =	vperm.xlane v8, v1  }
0x362: {  	v7 =	vadd.f32 v12, v7;
	v4 =	vadd.f32 v13, v4  }
0x363: {  	v9 =	vsel vm0, v11, v9;
	v5 =	vadd.f32 v16, v5;
	v8 =	vadd.f32 v14, v8  }
0x364: {  	v6 =	vsel vm0, v6, v10;
	v10 =	vperm.xlane v9, v2  }
0x365: {  	v4 =	vsel vm0, v7, v4;
	v7 =	vperm.xlane v6, v2;
	v5 =	vsel vm0, v8, v5  }
0x366: {  	v11 =	vperm.xlane v4, v2;
	v8 =	vperm.xlane v5, v2  }
0x367: {  	v6 =	vadd.f32 v7, v6;
	v7 =	vadd.f32 v10, v9  }
0x368: {  	v4 =	vadd.f32 v11, v4;
	v5 =	vadd.f32 v8, v5;
	_ =	sdelay $0x1  }
0x369: {  	v4 =	vsel vm1, v5, v4;
	v5 =	vsel vm1, v6, v7  }
0x36a: {  	v6 =	vperm.xlane v4, v3;
	v7 =	vperm.xlane v5, v3;
	_ =	sdelay $0x1  }
0x36b: {  	v4 =	vadd.f32 v6, v4;
	v5 =	vadd.f32 v7, v5;
	_ =	sdelay $0x1  }
0x36c: {  	v4 =	vsel vm3, v4, v5  }
0x36d: {  	v4 =	vadd.f32 $9.999999960e-13, v4;
	_ =	sdelay $0x1  }
0x36e: {  	v5 =	vshra.s32 v4, $0x1;
	v6 =	vmul.f32 $5.000000000e-01, v4  }
0x36f: {  	v5 =	vsub.s32 $0x5F3759DF, v5  }
0x370: {  	v7 =	vmul.f32 v5, v6;
	_ =	sdelay $0x1  }
0x371: {  	v7 =	vmul.f32 v5, v7;
	_ =	sdelay $0x1  }
0x372: {  	v7 =	vsub.f32 $1.500000000e+00, v7;
	_ =	sdelay $0x1  }
0x373: {  	v5 =	vmul.f32 v5, v7;
	_ =	sdelay $0x1  }
0x374: {  	v7 =	vmul.f32 v5, v6;
	_ =	sdelay $0x1  }
0x375: {  	v7 =	vmul.f32 v7, v5;
	_ =	sdelay $0x1  }
0x376: {  	v7 =	vsub.f32 $1.500000000e+00, v7;
	_ =	sdelay $0x1  }
0x377: {  	v5 =	vmul.f32 v7, v5;
	_ =	sdelay $0x1  }
0x378: {  	v6 =	vmul.f32 v5, v6;
	_ =	sdelay $0x1  }
0x379: {  	v6 =	vmul.f32 v6, v5;
	_ =	sdelay $0x1  }
0x37a: {  	v6 =	vsub.f32 $1.500000000e+00, v6;
	_ =	sdelay $0x1  }
0x37b: {  	v5 =	vmul.f32 v6, v5;
	_ =	sdelay $0x1  }
0x37c: {  	v4 =	vmul.f32 v5, v4;
	_ =	sdelay $0x1  }
0x37d: {  	v4 =	vsub.f32 $0.0e+00, v4  }
0x37e: {  	s13 =	sshra.s32 s10, $0x2;
	s10 =	smov.u32 s12  }
0x37f: {  	s11 =	sadd.s32 $0x80, s11;
	[tilespmem:s13+$0xC300] =	vst v4  }
0x380: {  	v9 =	vld [tilespmem:s11+$0x30]  }
0x381: {  	v11 =	vld [tilespmem:s11+$0xFFFFFFF0]  }
0x382: {  	v10 =	vld [tilespmem:s11+$0x10]  }
.Ltmp7:
0x383: {  	v6 =	vld [tilespmem:s11+$0xFFFFFFD0];
	(pc) =	sbr.rel @p0 .LBB2_16-.Ltmp7, $4  }
0x384: {  	v4 =	vld [tilespmem:s11+$0x20]  }
0x385: {  	v7 =	vld [tilespmem:s11+$0xFFFFFFE0]  }
0x386: {  	v5 =	vld [tilespmem:s11+$0x0]  }
0x387: {  	s12 =	sadd.s32 $0x40, s12;
	v8 =	vld [tilespmem:s11+$0xFFFFFFC0]  }
0x388: {  	v12 =	vperm.xlane v11, v1  }
0x389: {  	v13 =	vperm.xlane v9, v1;
	v14 =	vperm.xlane v10, v1  }
0x38a: {  	v15 =	vperm.xlane v6, v1;
	v55 =	vperm.xlane v4, v1;
	v11 =	vadd.f32 v12, v11  }
0x38b: {  	v9 =	vadd.f32 v13, v9;
	v10 =	vadd.f32 v14, v10;
	v54 =	vperm.xlane v7, v1  }
0x38c: {  	v6 =	vadd.f32 v15, v6;
	v16 =	vperm.xlane v5, v1;
	v56 =	vperm.xlane v8, v1  }
0x38d: {  	v4 =	vadd.f32 v55, v4;
	v7 =	vadd.f32 v54, v7  }
0x38e: {  	v9 =	vsel vm0, v11, v9;
	v5 =	vadd.f32 v16, v5;
	v8 =	vadd.f32 v56, v8  }
0x38f: {  	v6 =	vsel vm0, v6, v10;
	v57 =	vperm.xlane v9, v2  }
0x390: {  	v58 =	vperm.xlane v6, v2;
	v4 =	vsel vm0, v7, v4;
	v5 =	vsel vm0, v8, v5  }
0x391: {  	v59 =	vperm.xlane v4, v2;
	v8 =	vperm.xlane v5, v2  }
0x392: {  	v6 =	vadd.f32 v58, v6;
	v60 =	vadd.f32 v57, v9  }
0x393: {  	v4 =	vadd.f32 v59, v4;
	v5 =	vadd.f32 v8, v5;
	_ =	sdelay $0x1  }
0x394: {  	v4 =	vsel vm1, v5, v4;
	v5 =	vsel vm1, v6, v60  }
0x395: {  	v61 =	vperm.xlane v4, v3;
	v7 =	vperm.xlane v5, v3;
	_ =	sdelay $0x1  }
0x396: {  	v4 =	vadd.f32 v61, v4;
	v5 =	vadd.f32 v7, v5;
	_ =	sdelay $0x1  }
0x397: {  	v4 =	vsel vm3, v4, v5  }
0x398: {  	v4 =	vadd.f32 $9.999999960e-13, v4;
	_ =	sdelay $0x1  }
0x399: {  	v5 =	vshra.s32 v4, $0x1;
	v62 =	vmul.f32 $5.000000000e-01, v4  }
0x39a: {  	v5 =	vsub.s32 $0x5F3759DF, v5  }
0x39b: {  	v63 =	vmul.f32 v5, v62;
	_ =	sdelay $0x1  }
0x39c: {  	v7 =	vmul.f32 v5, v63;
	_ =	sdelay $0x1  }
0x39d: {  	v7 =	vsub.f32 $1.500000000e+00, v7;
	_ =	sdelay $0x1  }
0x39e: {  	v5 =	vmul.f32 v5, v7;
	_ =	sdelay $0x1  }
0x39f: {  	v7 =	vmul.f32 v5, v62;
	_ =	sdelay $0x1  }
0x3a0: {  	v7 =	vmul.f32 v7, v5;
	_ =	sdelay $0x1  }
0x3a1: {  	v7 =	vsub.f32 $1.500000000e+00, v7;
	_ =	sdelay $0x1  }
0x3a2: {  	v5 =	vmul.f32 v7, v5;
	_ =	sdelay $0x1  }
0x3a3: {  	v6 =	vmul.f32 v5, v62;
	_ =	sdelay $0x1  }
0x3a4: {  	v6 =	vmul.f32 v6, v5;
	_ =	sdelay $0x1  }
0x3a5: {  	v6 =	vsub.f32 $1.500000000e+00, v6;
	_ =	sdelay $0x1  }
0x3a6: {  	v5 =	vmul.f32 v6, v5;
	_ =	sdelay $0x1  }
0x3a7: {  	v4 =	vmul.f32 v5, v4;
	_ =	sdelay $0x1  }
0x3a8: {  	s9 =	sadd.s32 $0x1, s9;
	v4 =	vsub.f32 $0.0e+00, v4  }
0x3a9: {  	s10 =	sshra.s32 s10, $0x2;
	p0 =	sne.s32 s9, s21  }
.Ltmp8:
0x3aa: {  	[tilespmem:s10+$0xC300] =	vst v4;
	(pc) =	sbr.rel @p0 .LBB2_1-.Ltmp8, $4  }
0x3ab: {  	[hbm4b:s20+s1] =	stream.linear.scatter [tilespmem:s7], [sflag:$0x3], $0x80, $0x38;
	[tilespmem:$0xC780] =	vst v63  }
0x3ac: {  	_ =	swait.ge [sflag:s22], $0x80  }
0x3ad: {  	[sflag:s22] =	ssyncset.done $0x0  }
0x3ae: {  	s28 =	simm.s32 $0x300;
	[sflag:s22] =	ssyncadd.s32 $0xFFFFFF80  }
0x3af: {  	_ =	sfence.sel $0x180000  }
0x3b0: {  	[bflag:$0x0] =	sbarrier.arrive $0xFFFF  }
0x3b1: {  	_ =	strace $0x90000047  }
0x3b2: {  	s0 =	stileid.u32;
	[bflag:$0x2] =	sbarrier.arrive $0xFFFF  }
0x3b3: {  	p0 =	sne.s32 s0, $0x0;
	s0 =	rddreg [dreg:$0x5]  }
0x3b4: {  	s0 =	sadd.s32 @!p0 $0x100000, s0  }
0x3b5: {  	[sflag:s0] =	ssyncadd.tile.s32 @!p0 $0x1;
	_ =	shalt  }
.Lfunc_end2:
_tile_overlayer_lowered:
.L_overlay_start_2:
0x3b6: {  	(tag) =	ssettag $0x2  }
0x3b7: {  	s0 =	rddreg [dreg:$0x0];
	s2 =	stileid.u32  }
0x3b8: {  	s1 =	rddreg [dreg:$0x1];
	p0 =	sne.s32 s2, $0x0  }
0x3b9: {  	s3 =	rddreg [dreg:$0x2];
	[bflag:$0x3] =	sbarrier.arrive $0xFFFF;
	s2 =	simm.s32 @!p0 $0x1C03  }
0x3ba: {  	[timem:s3], [sflag:s2] =	dma.local @!p0 [hbm:s0], s1  }
0x3bb: {  	s0 =	simm.s32 @!p0 $0x3  }
0x3bc: {  	_ =	swait.ge @!p0 [sflag:s0], s1  }
0x3bd: {  	s1 =	ssub.s32 @!p0 $0x0, s1;
	[sflag:s0] =	ssyncset.done @!p0 $0x0  }
0x3be: {  	[sflag:s0] =	ssyncadd.s32 @!p0 s1  }
0x3bf: {  	[bflag:$0x3] =	sbarrier.arrive $0xFFFF  }
0x3c0: {  	_ =	shalt  }

</sc_bundles>
